<compile_context>
chip_gen: v7x
topology: tpu7x:2x2x1
jax: 0.10.2.dev20260603
libtpu: 0.0.44.dev20260713+nightly
codegen_flags: <defaults>
</compile_context>

<pallas_src>
import functools

import jax
import jax.numpy as jnp
from jax import lax
from jax.experimental import pallas as pl
from jax.experimental.pallas import tpu as pltpu
from jax.experimental.pallas import tpu_sc as plsc

N = 10000
E = 320000
D = 128
HID = 256
G = 64

NC = 2
NS = 16
NW = NC * NS

CH = 128
CPT = 80
TOT = CPT * NW
GS = 40
EP = CH * CPT
E_PAD = EP * NW
N_PAD = 10240
RPT = 624
RREM = N - NS * RPT
RBASE = NS * RPT
DRT = N_PAD // NS

_MESH = plsc.VectorSubcoreMesh(
    core_axis_name="c", subcore_axis_name="s", num_cores=NC, num_subcores=NS)



DW = 128


@functools.partial(
    pl.kernel,
    out_type=jax.ShapeDtypeStruct((NC, N_PAD, DW), jnp.float32),
    mesh=_MESH,
    scratch_types=[
        pltpu.VMEM((CPT, CH), jnp.int32),
        pltpu.VMEM((CH, DW), jnp.float32),
        pltpu.VMEM_SHARED((N_PAD, DW), jnp.float32),
    ],
)
def _sc_deg(dstp_hbm, zeros_hbm, ones_hbm, out_hbm, dst_v, ones_v, acc_sh):
    c = lax.axis_index("c")
    s = lax.axis_index("s")
    wid = s * NC + c
    d0 = pl.multiple_of(s * DRT, 8)
    pltpu.sync_copy(zeros_hbm.at[pl.ds(d0, DRT)],
                    acc_sh.at[pl.ds(d0, DRT)])
    pltpu.sync_copy(ones_hbm, ones_v)
    pltpu.sync_copy(dstp_hbm.at[wid], dst_v)
    plsc.subcore_barrier()

    def body(j, carry):
        pltpu.sync_copy(ones_v, acc_sh.at[dst_v.at[j]], add=True)
        return carry

    lax.fori_loop(0, CPT, body, 0)
    plsc.subcore_barrier()
    pltpu.sync_copy(acc_sh.at[pl.ds(d0, DRT)],
                    out_hbm.at[c, pl.ds(d0, DRT)])


@functools.partial(
    pl.kernel,
    out_type=jax.ShapeDtypeStruct((NC, N, D), jnp.float32),
    mesh=_MESH,
    scratch_types=[
        pltpu.VMEM((GS, CH), jnp.int32),
        pltpu.VMEM((GS, CH), jnp.int32),
        pltpu.VMEM((CH, D), jnp.float32),
        pltpu.VMEM((CH, D), jnp.float32),
        pltpu.VMEM_SHARED((N_PAD, D), jnp.float32),
        pltpu.SemaphoreType.DMA,
        pltpu.SemaphoreType.DMA,
    ],
)
def _sc_agg(srcp_hbm, dstp_hbm, y_hbm, out_hbm, src_v, dst_v, buf0, buf1,
            acc_sh, sem0, sem1):
    c = lax.axis_index("c")
    s = lax.axis_index("s")
    r0 = pl.multiple_of(s * RPT, 8)
    pltpu.sync_copy(y_hbm.at[pl.ds(r0, RPT)], acc_sh.at[pl.ds(r0, RPT)])

    @pl.when(s == 0)
    def _seed_rem():
        pltpu.sync_copy(y_hbm.at[pl.ds(RBASE, RREM)],
                        acc_sh.at[pl.ds(RBASE, RREM)])

    wid = s * NC + c
    plsc.subcore_barrier()

    for half in range(2):
        pltpu.sync_copy(srcp_hbm.at[wid, pl.ds(half * GS, GS)], src_v)
        pltpu.sync_copy(dstp_hbm.at[wid, pl.ds(half * GS, GS)], dst_v)
        pltpu.async_copy(y_hbm.at[src_v.at[0]], buf0, sem0)

        def body(k, carry):
            j0 = 2 * k
            pltpu.async_copy(y_hbm.at[src_v.at[j0 + 1]], buf1, sem1)
            pltpu.make_async_copy(y_hbm.at[src_v.at[j0]], buf0, sem0).wait()
            pltpu.sync_copy(buf0, acc_sh.at[dst_v.at[j0]], add=True)
            pltpu.async_copy(y_hbm.at[src_v.at[(j0 + 2) % GS]], buf0, sem0)
            pltpu.make_async_copy(y_hbm.at[src_v.at[j0 + 1]], buf1,
                                  sem1).wait()
            pltpu.sync_copy(buf1, acc_sh.at[dst_v.at[j0 + 1]], add=True)
            return carry

        lax.fori_loop(0, GS // 2, body, 0)
        pltpu.make_async_copy(y_hbm.at[src_v.at[0]], buf0, sem0).wait()
    plsc.subcore_barrier()
    pltpu.sync_copy(acc_sh.at[pl.ds(r0, RPT)],
                    out_hbm.at[c, pl.ds(r0, RPT)])

    @pl.when(s == 0)
    def _out_rem():
        pltpu.sync_copy(acc_sh.at[pl.ds(RBASE, RREM)],
                        out_hbm.at[c, pl.ds(RBASE, RREM)])



_BN = 1000
_GRID = N // _BN


def _tc_first_body(degp_ref, x_ref, w_ref, dis_ref, y_ref):
    deg = degp_ref[0] + degp_ref[1] + 1.0
    dis = lax.rsqrt(deg)
    dis_ref[...] = dis
    y_ref[...] = dis * jnp.dot(x_ref[...], w_ref[...],
                               preferred_element_type=jnp.float32)


def _tc_first(degp, x, w):
    return pl.pallas_call(
        _tc_first_body,
        grid=(_GRID,),
        in_specs=[
            pl.BlockSpec((NC, _BN, 1), lambda i: (0, i, 0)),
            pl.BlockSpec((_BN, D), lambda i: (i, 0)),
            pl.BlockSpec((D, D), lambda i: (0, 0)),
        ],
        out_specs=[
            pl.BlockSpec((_BN, 1), lambda i: (i, 0)),
            pl.BlockSpec((_BN, D), lambda i: (i, 0)),
        ],
        out_shape=[
            jax.ShapeDtypeStruct((N, 1), jnp.float32),
            jax.ShapeDtypeStruct((N, D), jnp.float32),
        ],
    )(degp, x, w)


def _tc_mid_body(z_ref, yin_ref, dis_ref, b_ref, w_ref, y_ref):
    h = jnp.maximum(
        dis_ref[...] * (z_ref[0] + z_ref[1] - yin_ref[...]) + b_ref[...], 0.0)
    y_ref[...] = dis_ref[...] * jnp.dot(h, w_ref[...],
                                        preferred_element_type=jnp.float32)


def _tc_mid(z, yin, dis, b2d, w):
    return pl.pallas_call(
        _tc_mid_body,
        grid=(_GRID,),
        in_specs=[
            pl.BlockSpec((NC, _BN, D), lambda i: (0, i, 0)),
            pl.BlockSpec((_BN, D), lambda i: (i, 0)),
            pl.BlockSpec((_BN, 1), lambda i: (i, 0)),
            pl.BlockSpec((1, D), lambda i: (0, 0)),
            pl.BlockSpec((D, D), lambda i: (0, 0)),
        ],
        out_specs=pl.BlockSpec((_BN, D), lambda i: (i, 0)),
        out_shape=jax.ShapeDtypeStruct((N, D), jnp.float32),
    )(z, yin, dis, b2d, w)


def _tc_final_body(z_ref, yin_ref, dis_ref, b_ref, batch_ref, l1w_ref,
                   l1b_ref, l2w_ref, l2b_ref, out_ref, sums, counts):
    i = pl.program_id(0)

    @pl.when(i == 0)
    def _init():
        sums[...] = jnp.zeros_like(sums)
        counts[...] = jnp.zeros_like(counts)

    h = jnp.maximum(
        dis_ref[...] * (z_ref[0] + z_ref[1] - yin_ref[...]) + b_ref[...], 0.0)
    iota = lax.broadcasted_iota(jnp.int32, (G, 1), 0)
    onehot = (batch_ref[0] == iota).astype(jnp.float32)
    sums[...] += jnp.dot(onehot, h, preferred_element_type=jnp.float32)
    counts[...] += jnp.dot(onehot, jnp.ones((_BN, 1), jnp.float32),
                           preferred_element_type=jnp.float32)

    @pl.when(i == _GRID - 1)
    def _finish():
        pooled = sums[...] / jnp.maximum(counts[...], 1.0)
        a = jnp.maximum(
            jnp.dot(pooled, l1w_ref[...], preferred_element_type=jnp.float32)
            + l1b_ref[...], 0.0)
        out_ref[...] = (jnp.dot(a, l2w_ref[...],
                                preferred_element_type=jnp.float32)
                        + l2b_ref[...])


def _tc_final(z, yin, dis, b2d, batch3, l1w, l1b2d, l2w, l2b2d):
    return pl.pallas_call(
        _tc_final_body,
        grid=(_GRID,),
        in_specs=[
            pl.BlockSpec((NC, _BN, D), lambda i: (0, i, 0)),
            pl.BlockSpec((_BN, D), lambda i: (i, 0)),
            pl.BlockSpec((_BN, 1), lambda i: (i, 0)),
            pl.BlockSpec((1, D), lambda i: (0, 0)),
            pl.BlockSpec((1, 1, _BN), lambda i: (i, 0, 0)),
            pl.BlockSpec((D, HID), lambda i: (0, 0)),
            pl.BlockSpec((1, HID), lambda i: (0, 0)),
            pl.BlockSpec((HID, 1), lambda i: (0, 0)),
            pl.BlockSpec((1, 1), lambda i: (0, 0)),
        ],
        out_specs=pl.BlockSpec((G, 1), lambda i: (0, 0)),
        out_shape=jax.ShapeDtypeStruct((G, 1), jnp.float32),
        scratch_shapes=[
            pltpu.VMEM((G, D), jnp.float32),
            pltpu.VMEM((G, 1), jnp.float32),
        ],
    )(z, yin, dis, b2d, batch3, l1w, l1b2d, l2w, l2b2d)



def kernel(x, edge_index, batch, W1, b1, W2, b2, W3, b3,
           lin1_W, lin1_b, lin2_W, lin2_b):
    src = edge_index[0]
    dst = edge_index[1]
    pad = E_PAD - E
    srcp = jnp.concatenate(
        [src, jnp.zeros((pad,), jnp.int32)]).reshape(NW, CPT, CH)
    pad_dst = jnp.full((pad,), N, jnp.int32)
    dstp = jnp.concatenate([dst, pad_dst]).reshape(NW, CPT, CH)
    zeros_deg = jnp.zeros((N_PAD, DW), jnp.float32)
    ones_ch = jnp.ones((CH, DW), jnp.float32)
    batch3 = batch.reshape(_GRID, 1, _BN)

    degp = _sc_deg(dstp, zeros_deg, ones_ch)
    degp = degp[:, :, :1]
    dis, y = _tc_first(degp, x, W1)
    z = _sc_agg(srcp, dstp, y)
    y = _tc_mid(z, y, dis, b1.reshape(1, D), W2)
    z = _sc_agg(srcp, dstp, y)
    y = _tc_mid(z, y, dis, b2.reshape(1, D), W3)
    z = _sc_agg(srcp, dstp, y)
    return _tc_final(z, y, dis, b3.reshape(1, D), batch3,
                     lin1_W, lin1_b.reshape(1, HID),
                     lin2_W, lin2_b.reshape(1, 1))

# --- scband reference (transcript-rebuilt; emitter-appended) ---
"""Pipeline reference for scband-baseline-55997783605449 (READ-ONLY COPY).

The authoritative reference and input builder live on the scoring server;
editing this copy changes nothing except your own understanding.
"""

import jax, jax.numpy as jnp
import numpy as np

N = 10000
E = 320000
D = 128
H = 256
L = 1
G = 64


def setup_inputs(seed: int = 0) -> dict:
    key = jax.random.key(seed)
    ks = jax.random.split(key, 16)
    x = jax.random.normal(ks[0], (N, D), dtype=jnp.float32)
    edge_index = jax.random.randint(ks[1], (2, E), 0, N, dtype=jnp.int32)
    batch = jnp.sort(jax.random.randint(ks[2], (N,), 0, G, dtype=jnp.int32))
    W1 = jax.random.normal(ks[3], (D, D), dtype=jnp.float32) * 0.05
    b1 = jnp.zeros((D,), dtype=jnp.float32)
    W2 = jax.random.normal(ks[4], (D, D), dtype=jnp.float32) * 0.05
    b2 = jnp.zeros((D,), dtype=jnp.float32)
    W3 = jax.random.normal(ks[5], (D, D), dtype=jnp.float32) * 0.05
    b3 = jnp.zeros((D,), dtype=jnp.float32)
    lin1_W = jax.random.normal(ks[6], (D, H), dtype=jnp.float32) * 0.05
    lin1_b = jnp.zeros((H,), dtype=jnp.float32)
    lin2_W = jax.random.normal(ks[7], (H, L), dtype=jnp.float32) * 0.05
    lin2_b = jnp.zeros((L,), dtype=jnp.float32)
    return {"x": x, "edge_index": edge_index, "batch": batch,
            "W1": W1, "b1": b1, "W2": W2, "b2": b2, "W3": W3, "b3": b3,
            "lin1_W": lin1_W, "lin1_b": lin1_b, "lin2_W": lin2_W, "lin2_b": lin2_b}


def _gcn_conv(x, edge_index, W, b):
    # PyG GCNConv: x' = D^{-1/2} (A + I) D^{-1/2} X W + b
    xw = x @ W
    loop = jnp.arange(N, dtype=edge_index.dtype)
    src = jnp.concatenate([edge_index[0], loop])
    dst = jnp.concatenate([edge_index[1], loop])
    deg = jnp.zeros((N,), dtype=jnp.float32).at[dst].add(1.0)
    dis = jnp.where(deg > 0, 1.0 / jnp.sqrt(jnp.maximum(deg, 1.0)), 0.0)
    norm = dis[src] * dis[dst]
    out = jnp.zeros((N, xw.shape[1]), dtype=jnp.float32).at[dst].add(norm[:, None] * xw[src])
    return out + b


def reference(x, edge_index, batch, W1, b1, W2, b2, W3, b3, lin1_W, lin1_b, lin2_W, lin2_b):
    h = x
    for (W, b) in ((W1, b1), (W2, b2), (W3, b3)):
        h = _gcn_conv(h, edge_index, W, b)
        h = jax.nn.relu(h)
    sums = jax.ops.segment_sum(h, batch, num_segments=G)
    counts = jax.ops.segment_sum(jnp.ones((N, 1), dtype=jnp.float32), batch, num_segments=G)
    pooled = sums / jnp.maximum(counts, 1.0)
    h = jax.nn.relu(pooled @ lin1_W + lin1_b)
    return h @ lin2_W + lin2_b

if __name__ == "__main__":
    import jax
    _d = setup_inputs()
    print(jax.jit(kernel)(*tuple(_d.values())))

</pallas_src>

<mosaic_0001>
#map = affine_map<(d0, d1) -> (0, 0, 0)>
#map1 = affine_map<(d0, d1) -> (0, 0)>
module attributes {stable_mosaic.version = 14 : i64} {
  func.func @_sc_agg(%arg0: i32, %arg1: i32, %arg2: memref<32x80x128xi32, #tpu.memory_space<hbm>>, %arg3: memref<32x80x128xi32, #tpu.memory_space<hbm>>, %arg4: memref<10000x128xf32, #tpu.memory_space<hbm>>, %arg5: memref<2x10000x128xf32, #tpu.memory_space<hbm>>, %arg6: memref<40x128xi32, #tpu.memory_space<vmem>>, %arg7: memref<40x128xi32, #tpu.memory_space<vmem>>, %arg8: memref<128x128xf32, #tpu.memory_space<vmem>>, %arg9: memref<128x128xf32, #tpu.memory_space<vmem>>, %arg10: memref<10240x128xf32, #tpu.memory_space<vmem_shared>>, %arg11: memref<!tpu.dma_semaphore, #tpu.memory_space<semaphore_mem>>, %arg12: memref<!tpu.dma_semaphore, #tpu.memory_space<semaphore_mem>>) attributes {dimension_semantics = [#tpu.dimension_semantics<core_parallel>, #tpu.dimension_semantics<subcore_parallel>], iteration_bounds = array<i64: 2, 16>, scalar_prefetch = 0 : i64, scratch_operands = 7 : i64, tpu.core_type = #tpu.core_type<sc_vector_subcore>, window_params = [{transform_indices = #map}, {transform_indices = #map}, {transform_indices = #map1}, {transform_indices = #map}]} {
    %mul3A = arith.constant 624 : i32
    %mul3A_0 = arith.muli %arg1, %mul3A : i32
    %multiple_of3A = tpu.assume_multiple %mul3A_0, 8 : i32
    "tpu.region"() ({
      %run_scoped3A = tpu.sem_alloc : memref<!tpu.dma_semaphore, #tpu.memory_space<semaphore_mem>>
      %dma_start3A_48 = arith.constant 0 : i32
      %dma_start3A_49 = tpu.memref_slice %arg10[%multiple_of3A, %dma_start3A_48] : memref<10240x128xf32, #tpu.memory_space<vmem_shared>> -> memref<624x128xf32, #tpu.memory_space<vmem_shared>>
      %dma_start3A_50 = arith.constant 0 : i32
      %dma_start3A_51 = tpu.memref_slice %arg4[%multiple_of3A, %dma_start3A_50] : memref<10000x128xf32, #tpu.memory_space<hbm>> -> memref<624x128xf32, #tpu.memory_space<hbm>>
      tpu.enqueue_dma source(%dma_start3A_51 : memref<624x128xf32, #tpu.memory_space<hbm>>) target(%dma_start3A_49 : memref<624x128xf32, #tpu.memory_space<vmem_shared>>) target_semaphore(%run_scoped3A : memref<!tpu.dma_semaphore, #tpu.memory_space<semaphore_mem>>)
      %dma_wait3A_52 = arith.constant 0 : i32
      %dma_wait3A_53 = tpu.memref_slice %arg10[%multiple_of3A, %dma_wait3A_52] : memref<10240x128xf32, #tpu.memory_space<vmem_shared>> -> memref<624x128xf32, #tpu.memory_space<vmem_shared>>
      %dma_wait3A_54 = arith.constant 0 : i32
      %dma_wait3A_55 = tpu.memref_slice %arg4[%multiple_of3A, %dma_wait3A_54] : memref<10000x128xf32, #tpu.memory_space<hbm>> -> memref<624x128xf32, #tpu.memory_space<hbm>>
      tpu.wait_dma2 semaphore(%run_scoped3A : memref<!tpu.dma_semaphore, #tpu.memory_space<semaphore_mem>>) src(%dma_wait3A_55 : memref<624x128xf32, #tpu.memory_space<hbm>>) dst(%dma_wait3A_53 : memref<624x128xf32, #tpu.memory_space<vmem_shared>>)
      tpu.yield
    }) : () -> ()
    %eq3A = arith.constant 0 : i32
    %eq3A_1 = arith.cmpi eq, %arg1, %eq3A : i32
    %convert_element_type3A = arith.extui %eq3A_1 : i1 to i32
    %cond3A = arith.constant 0 : i32
    %cond3A_2 = arith.cmpi ne, %convert_element_type3A, %cond3A : i32
    scf.if %cond3A_2 {
      "tpu.region"() ({
        %run_scoped3A = tpu.sem_alloc : memref<!tpu.dma_semaphore, #tpu.memory_space<semaphore_mem>>
        %dma_start3A_48 = arith.constant 9984 : i32
        %dma_start3A_49 = arith.constant 0 : i32
        %dma_start3A_50 = tpu.memref_slice %arg10[%dma_start3A_48, %dma_start3A_49] : memref<10240x128xf32, #tpu.memory_space<vmem_shared>> -> memref<16x128xf32, #tpu.memory_space<vmem_shared>>
        %dma_start3A_51 = arith.constant 9984 : i32
        %dma_start3A_52 = arith.constant 0 : i32
        %dma_start3A_53 = tpu.memref_slice %arg4[%dma_start3A_51, %dma_start3A_52] : memref<10000x128xf32, #tpu.memory_space<hbm>> -> memref<16x128xf32, #tpu.memory_space<hbm>>
        tpu.enqueue_dma source(%dma_start3A_53 : memref<16x128xf32, #tpu.memory_space<hbm>>) target(%dma_start3A_50 : memref<16x128xf32, #tpu.memory_space<vmem_shared>>) target_semaphore(%run_scoped3A : memref<!tpu.dma_semaphore, #tpu.memory_space<semaphore_mem>>)
        %dma_wait3A_54 = arith.constant 9984 : i32
        %dma_wait3A_55 = arith.constant 0 : i32
        %dma_wait3A_56 = tpu.memref_slice %arg10[%dma_wait3A_54, %dma_wait3A_55] : memref<10240x128xf32, #tpu.memory_space<vmem_shared>> -> memref<16x128xf32, #tpu.memory_space<vmem_shared>>
        %dma_wait3A_57 = arith.constant 9984 : i32
        %dma_wait3A_58 = arith.constant 0 : i32
        %dma_wait3A_59 = tpu.memref_slice %arg4[%dma_wait3A_57, %dma_wait3A_58] : memref<10000x128xf32, #tpu.memory_space<hbm>> -> memref<16x128xf32, #tpu.memory_space<hbm>>
        tpu.wait_dma2 semaphore(%run_scoped3A : memref<!tpu.dma_semaphore, #tpu.memory_space<semaphore_mem>>) src(%dma_wait3A_59 : memref<16x128xf32, #tpu.memory_space<hbm>>) dst(%dma_wait3A_56 : memref<16x128xf32, #tpu.memory_space<vmem_shared>>)
        tpu.yield
      }) : () -> ()
    } else {
    }
    %mul3A_3 = arith.constant 2 : i32
    %mul3A_4 = arith.muli %arg1, %mul3A_3 : i32
    %add3A = arith.addi %mul3A_4, %arg0 : i32
    %barrier3A = arith.constant 0 : index
    tpu.barrier barrier_id(%barrier3A)
    "tpu.region"() ({
      %run_scoped3A = tpu.sem_alloc : memref<!tpu.dma_semaphore, #tpu.memory_space<semaphore_mem>>
      %dma_start3A_48 = arith.constant 0 : i32
      %dma_start3A_49 = arith.constant 0 : i32
      %dma_start3A_50 = tpu.memref_slice %arg2[%add3A, %dma_start3A_48, %dma_start3A_49] : memref<32x80x128xi32, #tpu.memory_space<hbm>> -> memref<1x40x128xi32, #tpu.memory_space<hbm>>
      %dma_start3A_51 = tpu.memref_squeeze %dma_start3A_50 : memref<1x40x128xi32, #tpu.memory_space<hbm>> -> memref<40x128xi32, #tpu.memory_space<hbm>>
      %dma_start3A_52 = arith.constant 0 : i32
      %dma_start3A_53 = arith.constant 0 : i32
      %dma_start3A_54 = tpu.memref_slice %arg2[%add3A, %dma_start3A_52, %dma_start3A_53] : memref<32x80x128xi32, #tpu.memory_space<hbm>> -> memref<1x40x128xi32, #tpu.memory_space<hbm>>
      %dma_start3A_55 = tpu.memref_squeeze %dma_start3A_54 : memref<1x40x128xi32, #tpu.memory_space<hbm>> -> memref<40x128xi32, #tpu.memory_space<hbm>>
      tpu.enqueue_dma source(%dma_start3A_55 : memref<40x128xi32, #tpu.memory_space<hbm>>) target(%arg6 : memref<40x128xi32, #tpu.memory_space<vmem>>) target_semaphore(%run_scoped3A : memref<!tpu.dma_semaphore, #tpu.memory_space<semaphore_mem>>)
      %dma_wait3A_56 = arith.constant 0 : i32
      %dma_wait3A_57 = arith.constant 0 : i32
      %dma_wait3A_58 = tpu.memref_slice %arg2[%add3A, %dma_wait3A_56, %dma_wait3A_57] : memref<32x80x128xi32, #tpu.memory_space<hbm>> -> memref<1x40x128xi32, #tpu.memory_space<hbm>>
      %dma_wait3A_59 = tpu.memref_squeeze %dma_wait3A_58 : memref<1x40x128xi32, #tpu.memory_space<hbm>> -> memref<40x128xi32, #tpu.memory_space<hbm>>
      %dma_wait3A_60 = arith.constant 0 : i32
      %dma_wait3A_61 = arith.constant 0 : i32
      %dma_wait3A_62 = tpu.memref_slice %arg2[%add3A, %dma_wait3A_60, %dma_wait3A_61] : memref<32x80x128xi32, #tpu.memory_space<hbm>> -> memref<1x40x128xi32, #tpu.memory_space<hbm>>
      %dma_wait3A_63 = tpu.memref_squeeze %dma_wait3A_62 : memref<1x40x128xi32, #tpu.memory_space<hbm>> -> memref<40x128xi32, #tpu.memory_space<hbm>>
      tpu.wait_dma2 semaphore(%run_scoped3A : memref<!tpu.dma_semaphore, #tpu.memory_space<semaphore_mem>>) src(%dma_wait3A_63 : memref<40x128xi32, #tpu.memory_space<hbm>>) dst(%arg6 : memref<40x128xi32, #tpu.memory_space<vmem>>)
      tpu.yield
    }) : () -> ()
    "tpu.region"() ({
      %run_scoped3A = tpu.sem_alloc : memref<!tpu.dma_semaphore, #tpu.memory_space<semaphore_mem>>
      %dma_start3A_48 = arith.constant 0 : i32
      %dma_start3A_49 = arith.constant 0 : i32
      %dma_start3A_50 = tpu.memref_slice %arg3[%add3A, %dma_start3A_48, %dma_start3A_49] : memref<32x80x128xi32, #tpu.memory_space<hbm>> -> memref<1x40x128xi32, #tpu.memory_space<hbm>>
      %dma_start3A_51 = tpu.memref_squeeze %dma_start3A_50 : memref<1x40x128xi32, #tpu.memory_space<hbm>> -> memref<40x128xi32, #tpu.memory_space<hbm>>
      %dma_start3A_52 = arith.constant 0 : i32
      %dma_start3A_53 = arith.constant 0 : i32
      %dma_start3A_54 = tpu.memref_slice %arg3[%add3A, %dma_start3A_52, %dma_start3A_53] : memref<32x80x128xi32, #tpu.memory_space<hbm>> -> memref<1x40x128xi32, #tpu.memory_space<hbm>>
      %dma_start3A_55 = tpu.memref_squeeze %dma_start3A_54 : memref<1x40x128xi32, #tpu.memory_space<hbm>> -> memref<40x128xi32, #tpu.memory_space<hbm>>
      tpu.enqueue_dma source(%dma_start3A_55 : memref<40x128xi32, #tpu.memory_space<hbm>>) target(%arg7 : memref<40x128xi32, #tpu.memory_space<vmem>>) target_semaphore(%run_scoped3A : memref<!tpu.dma_semaphore, #tpu.memory_space<semaphore_mem>>)
      %dma_wait3A_56 = arith.constant 0 : i32
      %dma_wait3A_57 = arith.constant 0 : i32
      %dma_wait3A_58 = tpu.memref_slice %arg3[%add3A, %dma_wait3A_56, %dma_wait3A_57] : memref<32x80x128xi32, #tpu.memory_space<hbm>> -> memref<1x40x128xi32, #tpu.memory_space<hbm>>
      %dma_wait3A_59 = tpu.memref_squeeze %dma_wait3A_58 : memref<1x40x128xi32, #tpu.memory_space<hbm>> -> memref<40x128xi32, #tpu.memory_space<hbm>>
      %dma_wait3A_60 = arith.constant 0 : i32
      %dma_wait3A_61 = arith.constant 0 : i32
      %dma_wait3A_62 = tpu.memref_slice %arg3[%add3A, %dma_wait3A_60, %dma_wait3A_61] : memref<32x80x128xi32, #tpu.memory_space<hbm>> -> memref<1x40x128xi32, #tpu.memory_space<hbm>>
      %dma_wait3A_63 = tpu.memref_squeeze %dma_wait3A_62 : memref<1x40x128xi32, #tpu.memory_space<hbm>> -> memref<40x128xi32, #tpu.memory_space<hbm>>
      tpu.wait_dma2 semaphore(%run_scoped3A : memref<!tpu.dma_semaphore, #tpu.memory_space<semaphore_mem>>) src(%dma_wait3A_63 : memref<40x128xi32, #tpu.memory_space<hbm>>) dst(%arg7 : memref<40x128xi32, #tpu.memory_space<vmem>>)
      tpu.yield
    }) : () -> ()
    %dma_start3A = arith.constant 0 : i32
    %dma_start3A_5 = arith.constant 0 : i32
    %dma_start3A_6 = tpu.memref_slice %arg6[%dma_start3A, %dma_start3A_5] : memref<40x128xi32, #tpu.memory_space<vmem>> -> memref<1x128xi32, #tpu.memory_space<vmem>>
    %dma_start3A_7 = tpu.memref_squeeze %dma_start3A_6 : memref<1x128xi32, #tpu.memory_space<vmem>> -> memref<128xi32, #tpu.memory_space<vmem>>
    %dma_start3A_8 = arith.constant 0 : i32
    %dma_start3A_9 = arith.constant 0 : i32
    %dma_start3A_10 = tpu.memref_slice %arg4[%dma_start3A_8, %dma_start3A_9] : memref<10000x128xf32, #tpu.memory_space<hbm>> -> memref<10000x128xf32, #tpu.memory_space<hbm>>
    tpu.enqueue_indirect_dma source(%dma_start3A_10 : memref<10000x128xf32, #tpu.memory_space<hbm>>) target(%arg8 : memref<128x128xf32, #tpu.memory_space<vmem>>) offsets(%dma_start3A_7 : memref<128xi32, #tpu.memory_space<vmem>>) semaphore(%arg11 : memref<!tpu.dma_semaphore, #tpu.memory_space<semaphore_mem>>)
    %scan3A = arith.constant 0 : i32
    %scan3A_11 = arith.constant 0 : i32
    %scan3A_12 = arith.constant 20 : i32
    %scan3A_13 = arith.addi %scan3A_11, %scan3A_12 : i32
    %scan3A_14 = arith.constant 1 : i32
    scf.for %scan3A_48 = %scan3A_11 to %scan3A_13 step %scan3A_14  : i32 {
      %mul3A_49 = arith.constant 2 : i32
      %mul3A_50 = arith.muli %mul3A_49, %scan3A_48 : i32
      %add3A_51 = arith.constant 1 : i32
      %add3A_52 = arith.addi %mul3A_50, %add3A_51 : i32
      %dma_start3A_53 = arith.constant 0 : i32
      %dma_start3A_54 = tpu.memref_slice %arg6[%add3A_52, %dma_start3A_53] : memref<40x128xi32, #tpu.memory_space<vmem>> -> memref<1x128xi32, #tpu.memory_space<vmem>>
      %dma_start3A_55 = tpu.memref_squeeze %dma_start3A_54 : memref<1x128xi32, #tpu.memory_space<vmem>> -> memref<128xi32, #tpu.memory_space<vmem>>
      %dma_start3A_56 = arith.constant 0 : i32
      %dma_start3A_57 = arith.constant 0 : i32
      %dma_start3A_58 = tpu.memref_slice %arg4[%dma_start3A_56, %dma_start3A_57] : memref<10000x128xf32, #tpu.memory_space<hbm>> -> memref<10000x128xf32, #tpu.memory_space<hbm>>
      tpu.enqueue_indirect_dma source(%dma_start3A_58 : memref<10000x128xf32, #tpu.memory_space<hbm>>) target(%arg9 : memref<128x128xf32, #tpu.memory_space<vmem>>) offsets(%dma_start3A_55 : memref<128xi32, #tpu.memory_space<vmem>>) semaphore(%arg12 : memref<!tpu.dma_semaphore, #tpu.memory_space<semaphore_mem>>)
      %dma_wait3A_59 = arith.constant 0 : i32
      %dma_wait3A_60 = tpu.memref_slice %arg6[%mul3A_50, %dma_wait3A_59] : memref<40x128xi32, #tpu.memory_space<vmem>> -> memref<1x128xi32, #tpu.memory_space<vmem>>
      %dma_wait3A_61 = tpu.memref_squeeze %dma_wait3A_60 : memref<1x128xi32, #tpu.memory_space<vmem>> -> memref<128xi32, #tpu.memory_space<vmem>>
      %dma_wait3A_62 = arith.constant 0 : i32
      %dma_wait3A_63 = arith.constant 0 : i32
      %dma_wait3A_64 = tpu.memref_slice %arg4[%dma_wait3A_62, %dma_wait3A_63] : memref<10000x128xf32, #tpu.memory_space<hbm>> -> memref<10000x128xf32, #tpu.memory_space<hbm>>
      tpu.wait_indirect_dma semaphore(%arg11 : memref<!tpu.dma_semaphore, #tpu.memory_space<semaphore_mem>>) src(%dma_wait3A_64 : memref<10000x128xf32, #tpu.memory_space<hbm>>) dst(%arg8 : memref<128x128xf32, #tpu.memory_space<vmem>>)
      "tpu.region"() ({
        %run_scoped3A = tpu.sem_alloc : memref<!tpu.dma_semaphore, #tpu.memory_space<semaphore_mem>>
        %dma_start3A_93 = arith.constant 0 : i32
        %dma_start3A_94 = tpu.memref_slice %arg7[%mul3A_50, %dma_start3A_93] : memref<40x128xi32, #tpu.memory_space<vmem>> -> memref<1x128xi32, #tpu.memory_space<vmem>>
        %dma_start3A_95 = tpu.memref_squeeze %dma_start3A_94 : memref<1x128xi32, #tpu.memory_space<vmem>> -> memref<128xi32, #tpu.memory_space<vmem>>
        %dma_start3A_96 = arith.constant 0 : i32
        %dma_start3A_97 = arith.constant 0 : i32
        %dma_start3A_98 = tpu.memref_slice %arg10[%dma_start3A_96, %dma_start3A_97] : memref<10240x128xf32, #tpu.memory_space<vmem_shared>> -> memref<10240x128xf32, #tpu.memory_space<vmem_shared>>
        tpu.enqueue_indirect_dma source(%arg8 : memref<128x128xf32, #tpu.memory_space<vmem>>) target(%dma_start3A_98 : memref<10240x128xf32, #tpu.memory_space<vmem_shared>>) offsets(%dma_start3A_95 : memref<128xi32, #tpu.memory_space<vmem>>) semaphore(%run_scoped3A : memref<!tpu.dma_semaphore, #tpu.memory_space<semaphore_mem>>) {add = true}
        %dma_wait3A_99 = arith.constant 0 : i32
        %dma_wait3A_100 = tpu.memref_slice %arg7[%mul3A_50, %dma_wait3A_99] : memref<40x128xi32, #tpu.memory_space<vmem>> -> memref<1x128xi32, #tpu.memory_space<vmem>>
        %dma_wait3A_101 = tpu.memref_squeeze %dma_wait3A_100 : memref<1x128xi32, #tpu.memory_space<vmem>> -> memref<128xi32, #tpu.memory_space<vmem>>
        %dma_wait3A_102 = arith.constant 0 : i32
        %dma_wait3A_103 = arith.constant 0 : i32
        %dma_wait3A_104 = tpu.memref_slice %arg10[%dma_wait3A_102, %dma_wait3A_103] : memref<10240x128xf32, #tpu.memory_space<vmem_shared>> -> memref<10240x128xf32, #tpu.memory_space<vmem_shared>>
        tpu.wait_indirect_dma semaphore(%run_scoped3A : memref<!tpu.dma_semaphore, #tpu.memory_space<semaphore_mem>>) src(%arg8 : memref<128x128xf32, #tpu.memory_space<vmem>>) dst(%dma_wait3A_104 : memref<10240x128xf32, #tpu.memory_space<vmem_shared>>)
        tpu.yield
      }) : () -> ()
      %add3A_65 = arith.constant 2 : i32
      %add3A_66 = arith.addi %mul3A_50, %add3A_65 : i32
      %jit3A = arith.constant 40 : i32
      %eq3A_67 = arith.constant 0 : i32
      %eq3A_68 = arith.cmpi eq, %jit3A, %eq3A_67 : i32
      %jit3A_69 = arith.constant 1 : i32
      %select_n3A = arith.select %eq3A_68, %jit3A_69, %jit3A : i32
      %rem3A = arith.remsi %add3A_66, %select_n3A : i32
      %ne3A = arith.constant 0 : i32
      %ne3A_70 = arith.cmpi ne, %rem3A, %ne3A : i32
      %lt3A = arith.constant 0 : i32
      %lt3A_71 = arith.cmpi slt, %rem3A, %lt3A : i32
      %lt3A_72 = arith.constant 0 : i32
      %lt3A_73 = arith.cmpi slt, %select_n3A, %lt3A_72 : i32
      %ne3A_74 = arith.xori %lt3A_71, %lt3A_73 : i1
      %and3A = arith.andi %ne3A_74, %ne3A_70 : i1
      %add3A_75 = arith.addi %rem3A, %select_n3A : i32
      %select_n3A_76 = arith.select %and3A, %add3A_75, %rem3A : i32
      %dma_start3A_77 = arith.constant 0 : i32
      %dma_start3A_78 = tpu.memref_slice %arg6[%select_n3A_76, %dma_start3A_77] : memref<40x128xi32, #tpu.memory_space<vmem>> -> memref<1x128xi32, #tpu.memory_space<vmem>>
      %dma_start3A_79 = tpu.memref_squeeze %dma_start3A_78 : memref<1x128xi32, #tpu.memory_space<vmem>> -> memref<128xi32, #tpu.memory_space<vmem>>
      %dma_start3A_80 = arith.constant 0 : i32
      %dma_start3A_81 = arith.constant 0 : i32
      %dma_start3A_82 = tpu.memref_slice %arg4[%dma_start3A_80, %dma_start3A_81] : memref<10000x128xf32, #tpu.memory_space<hbm>> -> memref<10000x128xf32, #tpu.memory_space<hbm>>
      tpu.enqueue_indirect_dma source(%dma_start3A_82 : memref<10000x128xf32, #tpu.memory_space<hbm>>) target(%arg8 : memref<128x128xf32, #tpu.memory_space<vmem>>) offsets(%dma_start3A_79 : memref<128xi32, #tpu.memory_space<vmem>>) semaphore(%arg11 : memref<!tpu.dma_semaphore, #tpu.memory_space<semaphore_mem>>)
      %add3A_83 = arith.constant 1 : i32
      %add3A_84 = arith.addi %mul3A_50, %add3A_83 : i32
      %dma_wait3A_85 = arith.constant 0 : i32
      %dma_wait3A_86 = tpu.memref_slice %arg6[%add3A_84, %dma_wait3A_85] : memref<40x128xi32, #tpu.memory_space<vmem>> -> memref<1x128xi32, #tpu.memory_space<vmem>>
      %dma_wait3A_87 = tpu.memref_squeeze %dma_wait3A_86 : memref<1x128xi32, #tpu.memory_space<vmem>> -> memref<128xi32, #tpu.memory_space<vmem>>
      %dma_wait3A_88 = arith.constant 0 : i32
      %dma_wait3A_89 = arith.constant 0 : i32
      %dma_wait3A_90 = tpu.memref_slice %arg4[%dma_wait3A_88, %dma_wait3A_89] : memref<10000x128xf32, #tpu.memory_space<hbm>> -> memref<10000x128xf32, #tpu.memory_space<hbm>>
      tpu.wait_indirect_dma semaphore(%arg12 : memref<!tpu.dma_semaphore, #tpu.memory_space<semaphore_mem>>) src(%dma_wait3A_90 : memref<10000x128xf32, #tpu.memory_space<hbm>>) dst(%arg9 : memref<128x128xf32, #tpu.memory_space<vmem>>)
      %add3A_91 = arith.constant 1 : i32
      %add3A_92 = arith.addi %mul3A_50, %add3A_91 : i32
      "tpu.region"() ({
        %run_scoped3A = tpu.sem_alloc : memref<!tpu.dma_semaphore, #tpu.memory_space<semaphore_mem>>
        %dma_start3A_93 = arith.constant 0 : i32
        %dma_start3A_94 = tpu.memref_slice %arg7[%add3A_92, %dma_start3A_93] : memref<40x128xi32, #tpu.memory_space<vmem>> -> memref<1x128xi32, #tpu.memory_space<vmem>>
        %dma_start3A_95 = tpu.memref_squeeze %dma_start3A_94 : memref<1x128xi32, #tpu.memory_space<vmem>> -> memref<128xi32, #tpu.memory_space<vmem>>
        %dma_start3A_96 = arith.constant 0 : i32
        %dma_start3A_97 = arith.constant 0 : i32
        %dma_start3A_98 = tpu.memref_slice %arg10[%dma_start3A_96, %dma_start3A_97] : memref<10240x128xf32, #tpu.memory_space<vmem_shared>> -> memref<10240x128xf32, #tpu.memory_space<vmem_shared>>
        tpu.enqueue_indirect_dma source(%arg9 : memref<128x128xf32, #tpu.memory_space<vmem>>) target(%dma_start3A_98 : memref<10240x128xf32, #tpu.memory_space<vmem_shared>>) offsets(%dma_start3A_95 : memref<128xi32, #tpu.memory_space<vmem>>) semaphore(%run_scoped3A : memref<!tpu.dma_semaphore, #tpu.memory_space<semaphore_mem>>) {add = true}
        %dma_wait3A_99 = arith.constant 0 : i32
        %dma_wait3A_100 = tpu.memref_slice %arg7[%add3A_92, %dma_wait3A_99] : memref<40x128xi32, #tpu.memory_space<vmem>> -> memref<1x128xi32, #tpu.memory_space<vmem>>
        %dma_wait3A_101 = tpu.memref_squeeze %dma_wait3A_100 : memref<1x128xi32, #tpu.memory_space<vmem>> -> memref<128xi32, #tpu.memory_space<vmem>>
        %dma_wait3A_102 = arith.constant 0 : i32
        %dma_wait3A_103 = arith.constant 0 : i32
        %dma_wait3A_104 = tpu.memref_slice %arg10[%dma_wait3A_102, %dma_wait3A_103] : memref<10240x128xf32, #tpu.memory_space<vmem_shared>> -> memref<10240x128xf32, #tpu.memory_space<vmem_shared>>
        tpu.wait_indirect_dma semaphore(%run_scoped3A : memref<!tpu.dma_semaphore, #tpu.memory_space<semaphore_mem>>) src(%arg9 : memref<128x128xf32, #tpu.memory_space<vmem>>) dst(%dma_wait3A_104 : memref<10240x128xf32, #tpu.memory_space<vmem_shared>>)
        tpu.yield
      }) : () -> ()
    }
    %scan3A_15 = arith.constant 20 : i32
    %dma_wait3A = arith.constant 0 : i32
    %dma_wait3A_16 = arith.constant 0 : i32
    %dma_wait3A_17 = tpu.memref_slice %arg6[%dma_wait3A, %dma_wait3A_16] : memref<40x128xi32, #tpu.memory_space<vmem>> -> memref<1x128xi32, #tpu.memory_space<vmem>>
    %dma_wait3A_18 = tpu.memref_squeeze %dma_wait3A_17 : memref<1x128xi32, #tpu.memory_space<vmem>> -> memref<128xi32, #tpu.memory_space<vmem>>
    %dma_wait3A_19 = arith.constant 0 : i32
    %dma_wait3A_20 = arith.constant 0 : i32
    %dma_wait3A_21 = tpu.memref_slice %arg4[%dma_wait3A_19, %dma_wait3A_20] : memref<10000x128xf32, #tpu.memory_space<hbm>> -> memref<10000x128xf32, #tpu.memory_space<hbm>>
    tpu.wait_indirect_dma semaphore(%arg11 : memref<!tpu.dma_semaphore, #tpu.memory_space<semaphore_mem>>) src(%dma_wait3A_21 : memref<10000x128xf32, #tpu.memory_space<hbm>>) dst(%arg8 : memref<128x128xf32, #tpu.memory_space<vmem>>)
    "tpu.region"() ({
      %run_scoped3A = tpu.sem_alloc : memref<!tpu.dma_semaphore, #tpu.memory_space<semaphore_mem>>
      %dma_start3A_48 = arith.constant 40 : i32
      %dma_start3A_49 = arith.constant 0 : i32
      %dma_start3A_50 = tpu.memref_slice %arg2[%add3A, %dma_start3A_48, %dma_start3A_49] : memref<32x80x128xi32, #tpu.memory_space<hbm>> -> memref<1x40x128xi32, #tpu.memory_space<hbm>>
      %dma_start3A_51 = tpu.memref_squeeze %dma_start3A_50 : memref<1x40x128xi32, #tpu.memory_space<hbm>> -> memref<40x128xi32, #tpu.memory_space<hbm>>
      %dma_start3A_52 = arith.constant 40 : i32
      %dma_start3A_53 = arith.constant 0 : i32
      %dma_start3A_54 = tpu.memref_slice %arg2[%add3A, %dma_start3A_52, %dma_start3A_53] : memref<32x80x128xi32, #tpu.memory_space<hbm>> -> memref<1x40x128xi32, #tpu.memory_space<hbm>>
      %dma_start3A_55 = tpu.memref_squeeze %dma_start3A_54 : memref<1x40x128xi32, #tpu.memory_space<hbm>> -> memref<40x128xi32, #tpu.memory_space<hbm>>
      tpu.enqueue_dma source(%dma_start3A_55 : memref<40x128xi32, #tpu.memory_space<hbm>>) target(%arg6 : memref<40x128xi32, #tpu.memory_space<vmem>>) target_semaphore(%run_scoped3A : memref<!tpu.dma_semaphore, #tpu.memory_space<semaphore_mem>>)
      %dma_wait3A_56 = arith.constant 40 : i32
      %dma_wait3A_57 = arith.constant 0 : i32
      %dma_wait3A_58 = tpu.memref_slice %arg2[%add3A, %dma_wait3A_56, %dma_wait3A_57] : memref<32x80x128xi32, #tpu.memory_space<hbm>> -> memref<1x40x128xi32, #tpu.memory_space<hbm>>
      %dma_wait3A_59 = tpu.memref_squeeze %dma_wait3A_58 : memref<1x40x128xi32, #tpu.memory_space<hbm>> -> memref<40x128xi32, #tpu.memory_space<hbm>>
      %dma_wait3A_60 = arith.constant 40 : i32
      %dma_wait3A_61 = arith.constant 0 : i32
      %dma_wait3A_62 = tpu.memref_slice %arg2[%add3A, %dma_wait3A_60, %dma_wait3A_61] : memref<32x80x128xi32, #tpu.memory_space<hbm>> -> memref<1x40x128xi32, #tpu.memory_space<hbm>>
      %dma_wait3A_63 = tpu.memref_squeeze %dma_wait3A_62 : memref<1x40x128xi32, #tpu.memory_space<hbm>> -> memref<40x128xi32, #tpu.memory_space<hbm>>
      tpu.wait_dma2 semaphore(%run_scoped3A : memref<!tpu.dma_semaphore, #tpu.memory_space<semaphore_mem>>) src(%dma_wait3A_63 : memref<40x128xi32, #tpu.memory_space<hbm>>) dst(%arg6 : memref<40x128xi32, #tpu.memory_space<vmem>>)
      tpu.yield
    }) : () -> ()
    "tpu.region"() ({
      %run_scoped3A = tpu.sem_alloc : memref<!tpu.dma_semaphore, #tpu.memory_space<semaphore_mem>>
      %dma_start3A_48 = arith.constant 40 : i32
      %dma_start3A_49 = arith.constant 0 : i32
      %dma_start3A_50 = tpu.memref_slice %arg3[%add3A, %dma_start3A_48, %dma_start3A_49] : memref<32x80x128xi32, #tpu.memory_space<hbm>> -> memref<1x40x128xi32, #tpu.memory_space<hbm>>
      %dma_start3A_51 = tpu.memref_squeeze %dma_start3A_50 : memref<1x40x128xi32, #tpu.memory_space<hbm>> -> memref<40x128xi32, #tpu.memory_space<hbm>>
      %dma_start3A_52 = arith.constant 40 : i32
      %dma_start3A_53 = arith.constant 0 : i32
      %dma_start3A_54 = tpu.memref_slice %arg3[%add3A, %dma_start3A_52, %dma_start3A_53] : memref<32x80x128xi32, #tpu.memory_space<hbm>> -> memref<1x40x128xi32, #tpu.memory_space<hbm>>
      %dma_start3A_55 = tpu.memref_squeeze %dma_start3A_54 : memref<1x40x128xi32, #tpu.memory_space<hbm>> -> memref<40x128xi32, #tpu.memory_space<hbm>>
      tpu.enqueue_dma source(%dma_start3A_55 : memref<40x128xi32, #tpu.memory_space<hbm>>) target(%arg7 : memref<40x128xi32, #tpu.memory_space<vmem>>) target_semaphore(%run_scoped3A : memref<!tpu.dma_semaphore, #tpu.memory_space<semaphore_mem>>)
      %dma_wait3A_56 = arith.constant 40 : i32
      %dma_wait3A_57 = arith.constant 0 : i32
      %dma_wait3A_58 = tpu.memref_slice %arg3[%add3A, %dma_wait3A_56, %dma_wait3A_57] : memref<32x80x128xi32, #tpu.memory_space<hbm>> -> memref<1x40x128xi32, #tpu.memory_space<hbm>>
      %dma_wait3A_59 = tpu.memref_squeeze %dma_wait3A_58 : memref<1x40x128xi32, #tpu.memory_space<hbm>> -> memref<40x128xi32, #tpu.memory_space<hbm>>
      %dma_wait3A_60 = arith.constant 40 : i32
      %dma_wait3A_61 = arith.constant 0 : i32
      %dma_wait3A_62 = tpu.memref_slice %arg3[%add3A, %dma_wait3A_60, %dma_wait3A_61] : memref<32x80x128xi32, #tpu.memory_space<hbm>> -> memref<1x40x128xi32, #tpu.memory_space<hbm>>
      %dma_wait3A_63 = tpu.memref_squeeze %dma_wait3A_62 : memref<1x40x128xi32, #tpu.memory_space<hbm>> -> memref<40x128xi32, #tpu.memory_space<hbm>>
      tpu.wait_dma2 semaphore(%run_scoped3A : memref<!tpu.dma_semaphore, #tpu.memory_space<semaphore_mem>>) src(%dma_wait3A_63 : memref<40x128xi32, #tpu.memory_space<hbm>>) dst(%arg7 : memref<40x128xi32, #tpu.memory_space<vmem>>)
      tpu.yield
    }) : () -> ()
    %dma_start3A_22 = arith.constant 0 : i32
    %dma_start3A_23 = arith.constant 0 : i32
    %dma_start3A_24 = tpu.memref_slice %arg6[%dma_start3A_22, %dma_start3A_23] : memref<40x128xi32, #tpu.memory_space<vmem>> -> memref<1x128xi32, #tpu.memory_space<vmem>>
    %dma_start3A_25 = tpu.memref_squeeze %dma_start3A_24 : memref<1x128xi32, #tpu.memory_space<vmem>> -> memref<128xi32, #tpu.memory_space<vmem>>
    %dma_start3A_26 = arith.constant 0 : i32
    %dma_start3A_27 = arith.constant 0 : i32
    %dma_start3A_28 = tpu.memref_slice %arg4[%dma_start3A_26, %dma_start3A_27] : memref<10000x128xf32, #tpu.memory_space<hbm>> -> memref<10000x128xf32, #tpu.memory_space<hbm>>
    tpu.enqueue_indirect_dma source(%dma_start3A_28 : memref<10000x128xf32, #tpu.memory_space<hbm>>) target(%arg8 : memref<128x128xf32, #tpu.memory_space<vmem>>) offsets(%dma_start3A_25 : memref<128xi32, #tpu.memory_space<vmem>>) semaphore(%arg11 : memref<!tpu.dma_semaphore, #tpu.memory_space<semaphore_mem>>)
    %scan3A_29 = arith.constant 0 : i32
    %scan3A_30 = arith.constant 0 : i32
    %scan3A_31 = arith.constant 20 : i32
    %scan3A_32 = arith.addi %scan3A_30, %scan3A_31 : i32
    %scan3A_33 = arith.constant 1 : i32
    scf.for %scan3A_48 = %scan3A_30 to %scan3A_32 step %scan3A_33  : i32 {
      %mul3A_49 = arith.constant 2 : i32
      %mul3A_50 = arith.muli %mul3A_49, %scan3A_48 : i32
      %add3A_51 = arith.constant 1 : i32
      %add3A_52 = arith.addi %mul3A_50, %add3A_51 : i32
      %dma_start3A_53 = arith.constant 0 : i32
      %dma_start3A_54 = tpu.memref_slice %arg6[%add3A_52, %dma_start3A_53] : memref<40x128xi32, #tpu.memory_space<vmem>> -> memref<1x128xi32, #tpu.memory_space<vmem>>
      %dma_start3A_55 = tpu.memref_squeeze %dma_start3A_54 : memref<1x128xi32, #tpu.memory_space<vmem>> -> memref<128xi32, #tpu.memory_space<vmem>>
      %dma_start3A_56 = arith.constant 0 : i32
      %dma_start3A_57 = arith.constant 0 : i32
      %dma_start3A_58 = tpu.memref_slice %arg4[%dma_start3A_56, %dma_start3A_57] : memref<10000x128xf32, #tpu.memory_space<hbm>> -> memref<10000x128xf32, #tpu.memory_space<hbm>>
      tpu.enqueue_indirect_dma source(%dma_start3A_58 : memref<10000x128xf32, #tpu.memory_space<hbm>>) target(%arg9 : memref<128x128xf32, #tpu.memory_space<vmem>>) offsets(%dma_start3A_55 : memref<128xi32, #tpu.memory_space<vmem>>) semaphore(%arg12 : memref<!tpu.dma_semaphore, #tpu.memory_space<semaphore_mem>>)
      %dma_wait3A_59 = arith.constant 0 : i32
      %dma_wait3A_60 = tpu.memref_slice %arg6[%mul3A_50, %dma_wait3A_59] : memref<40x128xi32, #tpu.memory_space<vmem>> -> memref<1x128xi32, #tpu.memory_space<vmem>>
      %dma_wait3A_61 = tpu.memref_squeeze %dma_wait3A_60 : memref<1x128xi32, #tpu.memory_space<vmem>> -> memref<128xi32, #tpu.memory_space<vmem>>
      %dma_wait3A_62 = arith.constant 0 : i32
      %dma_wait3A_63 = arith.constant 0 : i32
      %dma_wait3A_64 = tpu.memref_slice %arg4[%dma_wait3A_62, %dma_wait3A_63] : memref<10000x128xf32, #tpu.memory_space<hbm>> -> memref<10000x128xf32, #tpu.memory_space<hbm>>
      tpu.wait_indirect_dma semaphore(%arg11 : memref<!tpu.dma_semaphore, #tpu.memory_space<semaphore_mem>>) src(%dma_wait3A_64 : memref<10000x128xf32, #tpu.memory_space<hbm>>) dst(%arg8 : memref<128x128xf32, #tpu.memory_space<vmem>>)
      "tpu.region"() ({
        %run_scoped3A = tpu.sem_alloc : memref<!tpu.dma_semaphore, #tpu.memory_space<semaphore_mem>>
        %dma_start3A_93 = arith.constant 0 : i32
        %dma_start3A_94 = tpu.memref_slice %arg7[%mul3A_50, %dma_start3A_93] : memref<40x128xi32, #tpu.memory_space<vmem>> -> memref<1x128xi32, #tpu.memory_space<vmem>>
        %dma_start3A_95 = tpu.memref_squeeze %dma_start3A_94 : memref<1x128xi32, #tpu.memory_space<vmem>> -> memref<128xi32, #tpu.memory_space<vmem>>
        %dma_start3A_96 = arith.constant 0 : i32
        %dma_start3A_97 = arith.constant 0 : i32
        %dma_start3A_98 = tpu.memref_slice %arg10[%dma_start3A_96, %dma_start3A_97] : memref<10240x128xf32, #tpu.memory_space<vmem_shared>> -> memref<10240x128xf32, #tpu.memory_space<vmem_shared>>
        tpu.enqueue_indirect_dma source(%arg8 : memref<128x128xf32, #tpu.memory_space<vmem>>) target(%dma_start3A_98 : memref<10240x128xf32, #tpu.memory_space<vmem_shared>>) offsets(%dma_start3A_95 : memref<128xi32, #tpu.memory_space<vmem>>) semaphore(%run_scoped3A : memref<!tpu.dma_semaphore, #tpu.memory_space<semaphore_mem>>) {add = true}
        %dma_wait3A_99 = arith.constant 0 : i32
        %dma_wait3A_100 = tpu.memref_slice %arg7[%mul3A_50, %dma_wait3A_99] : memref<40x128xi32, #tpu.memory_space<vmem>> -> memref<1x128xi32, #tpu.memory_space<vmem>>
        %dma_wait3A_101 = tpu.memref_squeeze %dma_wait3A_100 : memref<1x128xi32, #tpu.memory_space<vmem>> -> memref<128xi32, #tpu.memory_space<vmem>>
        %dma_wait3A_102 = arith.constant 0 : i32
        %dma_wait3A_103 = arith.constant 0 : i32
        %dma_wait3A_104 = tpu.memref_slice %arg10[%dma_wait3A_102, %dma_wait3A_103] : memref<10240x128xf32, #tpu.memory_space<vmem_shared>> -> memref<10240x128xf32, #tpu.memory_space<vmem_shared>>
        tpu.wait_indirect_dma semaphore(%run_scoped3A : memref<!tpu.dma_semaphore, #tpu.memory_space<semaphore_mem>>) src(%arg8 : memref<128x128xf32, #tpu.memory_space<vmem>>) dst(%dma_wait3A_104 : memref<10240x128xf32, #tpu.memory_space<vmem_shared>>)
        tpu.yield
      }) : () -> ()
      %add3A_65 = arith.constant 2 : i32
      %add3A_66 = arith.addi %mul3A_50, %add3A_65 : i32
      %jit3A = arith.constant 40 : i32
      %eq3A_67 = arith.constant 0 : i32
      %eq3A_68 = arith.cmpi eq, %jit3A, %eq3A_67 : i32
      %jit3A_69 = arith.constant 1 : i32
      %select_n3A = arith.select %eq3A_68, %jit3A_69, %jit3A : i32
      %rem3A = arith.remsi %add3A_66, %select_n3A : i32
      %ne3A = arith.constant 0 : i32
      %ne3A_70 = arith.cmpi ne, %rem3A, %ne3A : i32
      %lt3A = arith.constant 0 : i32
      %lt3A_71 = arith.cmpi slt, %rem3A, %lt3A : i32
      %lt3A_72 = arith.constant 0 : i32
      %lt3A_73 = arith.cmpi slt, %select_n3A, %lt3A_72 : i32
      %ne3A_74 = arith.xori %lt3A_71, %lt3A_73 : i1
      %and3A = arith.andi %ne3A_74, %ne3A_70 : i1
      %add3A_75 = arith.addi %rem3A, %select_n3A : i32
      %select_n3A_76 = arith.select %and3A, %add3A_75, %rem3A : i32
      %dma_start3A_77 = arith.constant 0 : i32
      %dma_start3A_78 = tpu.memref_slice %arg6[%select_n3A_76, %dma_start3A_77] : memref<40x128xi32, #tpu.memory_space<vmem>> -> memref<1x128xi32, #tpu.memory_space<vmem>>
      %dma_start3A_79 = tpu.memref_squeeze %dma_start3A_78 : memref<1x128xi32, #tpu.memory_space<vmem>> -> memref<128xi32, #tpu.memory_space<vmem>>
      %dma_start3A_80 = arith.constant 0 : i32
      %dma_start3A_81 = arith.constant 0 : i32
      %dma_start3A_82 = tpu.memref_slice %arg4[%dma_start3A_80, %dma_start3A_81] : memref<10000x128xf32, #tpu.memory_space<hbm>> -> memref<10000x128xf32, #tpu.memory_space<hbm>>
      tpu.enqueue_indirect_dma source(%dma_start3A_82 : memref<10000x128xf32, #tpu.memory_space<hbm>>) target(%arg8 : memref<128x128xf32, #tpu.memory_space<vmem>>) offsets(%dma_start3A_79 : memref<128xi32, #tpu.memory_space<vmem>>) semaphore(%arg11 : memref<!tpu.dma_semaphore, #tpu.memory_space<semaphore_mem>>)
      %add3A_83 = arith.constant 1 : i32
      %add3A_84 = arith.addi %mul3A_50, %add3A_83 : i32
      %dma_wait3A_85 = arith.constant 0 : i32
      %dma_wait3A_86 = tpu.memref_slice %arg6[%add3A_84, %dma_wait3A_85] : memref<40x128xi32, #tpu.memory_space<vmem>> -> memref<1x128xi32, #tpu.memory_space<vmem>>
      %dma_wait3A_87 = tpu.memref_squeeze %dma_wait3A_86 : memref<1x128xi32, #tpu.memory_space<vmem>> -> memref<128xi32, #tpu.memory_space<vmem>>
      %dma_wait3A_88 = arith.constant 0 : i32
      %dma_wait3A_89 = arith.constant 0 : i32
      %dma_wait3A_90 = tpu.memref_slice %arg4[%dma_wait3A_88, %dma_wait3A_89] : memref<10000x128xf32, #tpu.memory_space<hbm>> -> memref<10000x128xf32, #tpu.memory_space<hbm>>
      tpu.wait_indirect_dma semaphore(%arg12 : memref<!tpu.dma_semaphore, #tpu.memory_space<semaphore_mem>>) src(%dma_wait3A_90 : memref<10000x128xf32, #tpu.memory_space<hbm>>) dst(%arg9 : memref<128x128xf32, #tpu.memory_space<vmem>>)
      %add3A_91 = arith.constant 1 : i32
      %add3A_92 = arith.addi %mul3A_50, %add3A_91 : i32
      "tpu.region"() ({
        %run_scoped3A = tpu.sem_alloc : memref<!tpu.dma_semaphore, #tpu.memory_space<semaphore_mem>>
        %dma_start3A_93 = arith.constant 0 : i32
        %dma_start3A_94 = tpu.memref_slice %arg7[%add3A_92, %dma_start3A_93] : memref<40x128xi32, #tpu.memory_space<vmem>> -> memref<1x128xi32, #tpu.memory_space<vmem>>
        %dma_start3A_95 = tpu.memref_squeeze %dma_start3A_94 : memref<1x128xi32, #tpu.memory_space<vmem>> -> memref<128xi32, #tpu.memory_space<vmem>>
        %dma_start3A_96 = arith.constant 0 : i32
        %dma_start3A_97 = arith.constant 0 : i32
        %dma_start3A_98 = tpu.memref_slice %arg10[%dma_start3A_96, %dma_start3A_97] : memref<10240x128xf32, #tpu.memory_space<vmem_shared>> -> memref<10240x128xf32, #tpu.memory_space<vmem_shared>>
        tpu.enqueue_indirect_dma source(%arg9 : memref<128x128xf32, #tpu.memory_space<vmem>>) target(%dma_start3A_98 : memref<10240x128xf32, #tpu.memory_space<vmem_shared>>) offsets(%dma_start3A_95 : memref<128xi32, #tpu.memory_space<vmem>>) semaphore(%run_scoped3A : memref<!tpu.dma_semaphore, #tpu.memory_space<semaphore_mem>>) {add = true}
        %dma_wait3A_99 = arith.constant 0 : i32
        %dma_wait3A_100 = tpu.memref_slice %arg7[%add3A_92, %dma_wait3A_99] : memref<40x128xi32, #tpu.memory_space<vmem>> -> memref<1x128xi32, #tpu.memory_space<vmem>>
        %dma_wait3A_101 = tpu.memref_squeeze %dma_wait3A_100 : memref<1x128xi32, #tpu.memory_space<vmem>> -> memref<128xi32, #tpu.memory_space<vmem>>
        %dma_wait3A_102 = arith.constant 0 : i32
        %dma_wait3A_103 = arith.constant 0 : i32
        %dma_wait3A_104 = tpu.memref_slice %arg10[%dma_wait3A_102, %dma_wait3A_103] : memref<10240x128xf32, #tpu.memory_space<vmem_shared>> -> memref<10240x128xf32, #tpu.memory_space<vmem_shared>>
        tpu.wait_indirect_dma semaphore(%run_scoped3A : memref<!tpu.dma_semaphore, #tpu.memory_space<semaphore_mem>>) src(%arg9 : memref<128x128xf32, #tpu.memory_space<vmem>>) dst(%dma_wait3A_104 : memref<10240x128xf32, #tpu.memory_space<vmem_shared>>)
        tpu.yield
      }) : () -> ()
    }
    %scan3A_34 = arith.constant 20 : i32
    %dma_wait3A_35 = arith.constant 0 : i32
    %dma_wait3A_36 = arith.constant 0 : i32
    %dma_wait3A_37 = tpu.memref_slice %arg6[%dma_wait3A_35, %dma_wait3A_36] : memref<40x128xi32, #tpu.memory_space<vmem>> -> memref<1x128xi32, #tpu.memory_space<vmem>>
    %dma_wait3A_38 = tpu.memref_squeeze %dma_wait3A_37 : memref<1x128xi32, #tpu.memory_space<vmem>> -> memref<128xi32, #tpu.memory_space<vmem>>
    %dma_wait3A_39 = arith.constant 0 : i32
    %dma_wait3A_40 = arith.constant 0 : i32
    %dma_wait3A_41 = tpu.memref_slice %arg4[%dma_wait3A_39, %dma_wait3A_40] : memref<10000x128xf32, #tpu.memory_space<hbm>> -> memref<10000x128xf32, #tpu.memory_space<hbm>>
    tpu.wait_indirect_dma semaphore(%arg11 : memref<!tpu.dma_semaphore, #tpu.memory_space<semaphore_mem>>) src(%dma_wait3A_41 : memref<10000x128xf32, #tpu.memory_space<hbm>>) dst(%arg8 : memref<128x128xf32, #tpu.memory_space<vmem>>)
    %barrier3A_42 = arith.constant 0 : index
    tpu.barrier barrier_id(%barrier3A_42)
    "tpu.region"() ({
      %run_scoped3A = tpu.sem_alloc : memref<!tpu.dma_semaphore, #tpu.memory_space<semaphore_mem>>
      %dma_start3A_48 = arith.constant 0 : i32
      %dma_start3A_49 = tpu.memref_slice %arg5[%arg0, %multiple_of3A, %dma_start3A_48] : memref<2x10000x128xf32, #tpu.memory_space<hbm>> -> memref<1x624x128xf32, #tpu.memory_space<hbm>>
      %dma_start3A_50 = tpu.memref_squeeze %dma_start3A_49 : memref<1x624x128xf32, #tpu.memory_space<hbm>> -> memref<624x128xf32, #tpu.memory_space<hbm>>
      %dma_start3A_51 = arith.constant 0 : i32
      %dma_start3A_52 = tpu.memref_slice %arg10[%multiple_of3A, %dma_start3A_51] : memref<10240x128xf32, #tpu.memory_space<vmem_shared>> -> memref<624x128xf32, #tpu.memory_space<vmem_shared>>
      tpu.enqueue_dma source(%dma_start3A_52 : memref<624x128xf32, #tpu.memory_space<vmem_shared>>) target(%dma_start3A_50 : memref<624x128xf32, #tpu.memory_space<hbm>>) target_semaphore(%run_scoped3A : memref<!tpu.dma_semaphore, #tpu.memory_space<semaphore_mem>>)
      %dma_wait3A_53 = arith.constant 0 : i32
      %dma_wait3A_54 = tpu.memref_slice %arg5[%arg0, %multiple_of3A, %dma_wait3A_53] : memref<2x10000x128xf32, #tpu.memory_space<hbm>> -> memref<1x624x128xf32, #tpu.memory_space<hbm>>
      %dma_wait3A_55 = tpu.memref_squeeze %dma_wait3A_54 : memref<1x624x128xf32, #tpu.memory_space<hbm>> -> memref<624x128xf32, #tpu.memory_space<hbm>>
      %dma_wait3A_56 = arith.constant 0 : i32
      %dma_wait3A_57 = tpu.memref_slice %arg10[%multiple_of3A, %dma_wait3A_56] : memref<10240x128xf32, #tpu.memory_space<vmem_shared>> -> memref<624x128xf32, #tpu.memory_space<vmem_shared>>
      tpu.wait_dma2 semaphore(%run_scoped3A : memref<!tpu.dma_semaphore, #tpu.memory_space<semaphore_mem>>) src(%dma_wait3A_57 : memref<624x128xf32, #tpu.memory_space<vmem_shared>>) dst(%dma_wait3A_55 : memref<624x128xf32, #tpu.memory_space<hbm>>)
      tpu.yield
    }) : () -> ()
    %eq3A_43 = arith.constant 0 : i32
    %eq3A_44 = arith.cmpi eq, %arg1, %eq3A_43 : i32
    %convert_element_type3A_45 = arith.extui %eq3A_44 : i1 to i32
    %cond3A_46 = arith.constant 0 : i32
    %cond3A_47 = arith.cmpi ne, %convert_element_type3A_45, %cond3A_46 : i32
    scf.if %cond3A_47 {
      "tpu.region"() ({
        %run_scoped3A = tpu.sem_alloc : memref<!tpu.dma_semaphore, #tpu.memory_space<semaphore_mem>>
        %dma_start3A_48 = arith.constant 9984 : i32
        %dma_start3A_49 = arith.constant 0 : i32
        %dma_start3A_50 = tpu.memref_slice %arg5[%arg0, %dma_start3A_48, %dma_start3A_49] : memref<2x10000x128xf32, #tpu.memory_space<hbm>> -> memref<1x16x128xf32, #tpu.memory_space<hbm>>
        %dma_start3A_51 = tpu.memref_squeeze %dma_start3A_50 : memref<1x16x128xf32, #tpu.memory_space<hbm>> -> memref<16x128xf32, #tpu.memory_space<hbm>>
        %dma_start3A_52 = arith.constant 9984 : i32
        %dma_start3A_53 = arith.constant 0 : i32
        %dma_start3A_54 = tpu.memref_slice %arg10[%dma_start3A_52, %dma_start3A_53] : memref<10240x128xf32, #tpu.memory_space<vmem_shared>> -> memref<16x128xf32, #tpu.memory_space<vmem_shared>>
        tpu.enqueue_dma source(%dma_start3A_54 : memref<16x128xf32, #tpu.memory_space<vmem_shared>>) target(%dma_start3A_51 : memref<16x128xf32, #tpu.memory_space<hbm>>) target_semaphore(%run_scoped3A : memref<!tpu.dma_semaphore, #tpu.memory_space<semaphore_mem>>)
        %dma_wait3A_55 = arith.constant 9984 : i32
        %dma_wait3A_56 = arith.constant 0 : i32
        %dma_wait3A_57 = tpu.memref_slice %arg5[%arg0, %dma_wait3A_55, %dma_wait3A_56] : memref<2x10000x128xf32, #tpu.memory_space<hbm>> -> memref<1x16x128xf32, #tpu.memory_space<hbm>>
        %dma_wait3A_58 = tpu.memref_squeeze %dma_wait3A_57 : memref<1x16x128xf32, #tpu.memory_space<hbm>> -> memref<16x128xf32, #tpu.memory_space<hbm>>
        %dma_wait3A_59 = arith.constant 9984 : i32
        %dma_wait3A_60 = arith.constant 0 : i32
        %dma_wait3A_61 = tpu.memref_slice %arg10[%dma_wait3A_59, %dma_wait3A_60] : memref<10240x128xf32, #tpu.memory_space<vmem_shared>> -> memref<16x128xf32, #tpu.memory_space<vmem_shared>>
        tpu.wait_dma2 semaphore(%run_scoped3A : memref<!tpu.dma_semaphore, #tpu.memory_space<semaphore_mem>>) src(%dma_wait3A_61 : memref<16x128xf32, #tpu.memory_space<vmem_shared>>) dst(%dma_wait3A_58 : memref<16x128xf32, #tpu.memory_space<hbm>>)
        tpu.yield
      }) : () -> ()
    } else {
    }
    return
  }
}

#map = affine_map<(d0, d1) -> (0, 0, 0)>
#map1 = affine_map<(d0, d1) -> (0, 0)>
module attributes {stable_mosaic.version = 14 : i64} {
  func.func @_sc_deg(%arg0: i32, %arg1: i32, %arg2: memref<32x80x128xi32, #tpu.memory_space<hbm>>, %arg3: memref<10240x128xf32, #tpu.memory_space<hbm>>, %arg4: memref<128x128xf32, #tpu.memory_space<hbm>>, %arg5: memref<2x10240x128xf32, #tpu.memory_space<hbm>>, %arg6: memref<80x128xi32, #tpu.memory_space<vmem>>, %arg7: memref<128x128xf32, #tpu.memory_space<vmem>>, %arg8: memref<10240x128xf32, #tpu.memory_space<vmem_shared>>) attributes {dimension_semantics = [#tpu.dimension_semantics<core_parallel>, #tpu.dimension_semantics<subcore_parallel>], iteration_bounds = array<i64: 2, 16>, scalar_prefetch = 0 : i64, scratch_operands = 3 : i64, tpu.core_type = #tpu.core_type<sc_vector_subcore>, window_params = [{transform_indices = #map}, {transform_indices = #map1}, {transform_indices = #map1}, {transform_indices = #map}]} {
    %mul3A = arith.constant 2 : i32
    %mul3A_0 = arith.muli %arg1, %mul3A : i32
    %add3A = arith.addi %mul3A_0, %arg0 : i32
    %mul3A_1 = arith.constant 640 : i32
    %mul3A_2 = arith.muli %arg1, %mul3A_1 : i32
    %multiple_of3A = tpu.assume_multiple %mul3A_2, 8 : i32
    "tpu.region"() ({
      %run_scoped3A = tpu.sem_alloc : memref<!tpu.dma_semaphore, #tpu.memory_space<semaphore_mem>>
      %dma_start3A = arith.constant 0 : i32
      %dma_start3A_9 = tpu.memref_slice %arg8[%multiple_of3A, %dma_start3A] : memref<10240x128xf32, #tpu.memory_space<vmem_shared>> -> memref<640x128xf32, #tpu.memory_space<vmem_shared>>
      %dma_start3A_10 = arith.constant 0 : i32
      %dma_start3A_11 = tpu.memref_slice %arg3[%multiple_of3A, %dma_start3A_10] : memref<10240x128xf32, #tpu.memory_space<hbm>> -> memref<640x128xf32, #tpu.memory_space<hbm>>
      tpu.enqueue_dma source(%dma_start3A_11 : memref<640x128xf32, #tpu.memory_space<hbm>>) target(%dma_start3A_9 : memref<640x128xf32, #tpu.memory_space<vmem_shared>>) target_semaphore(%run_scoped3A : memref<!tpu.dma_semaphore, #tpu.memory_space<semaphore_mem>>)
      %dma_wait3A = arith.constant 0 : i32
      %dma_wait3A_12 = tpu.memref_slice %arg8[%multiple_of3A, %dma_wait3A] : memref<10240x128xf32, #tpu.memory_space<vmem_shared>> -> memref<640x128xf32, #tpu.memory_space<vmem_shared>>
      %dma_wait3A_13 = arith.constant 0 : i32
      %dma_wait3A_14 = tpu.memref_slice %arg3[%multiple_of3A, %dma_wait3A_13] : memref<10240x128xf32, #tpu.memory_space<hbm>> -> memref<640x128xf32, #tpu.memory_space<hbm>>
      tpu.wait_dma2 semaphore(%run_scoped3A : memref<!tpu.dma_semaphore, #tpu.memory_space<semaphore_mem>>) src(%dma_wait3A_14 : memref<640x128xf32, #tpu.memory_space<hbm>>) dst(%dma_wait3A_12 : memref<640x128xf32, #tpu.memory_space<vmem_shared>>)
      tpu.yield
    }) : () -> ()
    "tpu.region"() ({
      %run_scoped3A = tpu.sem_alloc : memref<!tpu.dma_semaphore, #tpu.memory_space<semaphore_mem>>
      tpu.enqueue_dma source(%arg4 : memref<128x128xf32, #tpu.memory_space<hbm>>) target(%arg7 : memref<128x128xf32, #tpu.memory_space<vmem>>) target_semaphore(%run_scoped3A : memref<!tpu.dma_semaphore, #tpu.memory_space<semaphore_mem>>)
      tpu.wait_dma2 semaphore(%run_scoped3A : memref<!tpu.dma_semaphore, #tpu.memory_space<semaphore_mem>>) src(%arg4 : memref<128x128xf32, #tpu.memory_space<hbm>>) dst(%arg7 : memref<128x128xf32, #tpu.memory_space<vmem>>)
      tpu.yield
    }) : () -> ()
    "tpu.region"() ({
      %run_scoped3A = tpu.sem_alloc : memref<!tpu.dma_semaphore, #tpu.memory_space<semaphore_mem>>
      %dma_start3A = arith.constant 0 : i32
      %dma_start3A_9 = arith.constant 0 : i32
      %dma_start3A_10 = tpu.memref_slice %arg2[%add3A, %dma_start3A, %dma_start3A_9] : memref<32x80x128xi32, #tpu.memory_space<hbm>> -> memref<1x80x128xi32, #tpu.memory_space<hbm>>
      %dma_start3A_11 = tpu.memref_squeeze %dma_start3A_10 : memref<1x80x128xi32, #tpu.memory_space<hbm>> -> memref<80x128xi32, #tpu.memory_space<hbm>>
      %dma_start3A_12 = arith.constant 0 : i32
      %dma_start3A_13 = arith.constant 0 : i32
      %dma_start3A_14 = tpu.memref_slice %arg2[%add3A, %dma_start3A_12, %dma_start3A_13] : memref<32x80x128xi32, #tpu.memory_space<hbm>> -> memref<1x80x128xi32, #tpu.memory_space<hbm>>
      %dma_start3A_15 = tpu.memref_squeeze %dma_start3A_14 : memref<1x80x128xi32, #tpu.memory_space<hbm>> -> memref<80x128xi32, #tpu.memory_space<hbm>>
      tpu.enqueue_dma source(%dma_start3A_15 : memref<80x128xi32, #tpu.memory_space<hbm>>) target(%arg6 : memref<80x128xi32, #tpu.memory_space<vmem>>) target_semaphore(%run_scoped3A : memref<!tpu.dma_semaphore, #tpu.memory_space<semaphore_mem>>)
      %dma_wait3A = arith.constant 0 : i32
      %dma_wait3A_16 = arith.constant 0 : i32
      %dma_wait3A_17 = tpu.memref_slice %arg2[%add3A, %dma_wait3A, %dma_wait3A_16] : memref<32x80x128xi32, #tpu.memory_space<hbm>> -> memref<1x80x128xi32, #tpu.memory_space<hbm>>
      %dma_wait3A_18 = tpu.memref_squeeze %dma_wait3A_17 : memref<1x80x128xi32, #tpu.memory_space<hbm>> -> memref<80x128xi32, #tpu.memory_space<hbm>>
      %dma_wait3A_19 = arith.constant 0 : i32
      %dma_wait3A_20 = arith.constant 0 : i32
      %dma_wait3A_21 = tpu.memref_slice %arg2[%add3A, %dma_wait3A_19, %dma_wait3A_20] : memref<32x80x128xi32, #tpu.memory_space<hbm>> -> memref<1x80x128xi32, #tpu.memory_space<hbm>>
      %dma_wait3A_22 = tpu.memref_squeeze %dma_wait3A_21 : memref<1x80x128xi32, #tpu.memory_space<hbm>> -> memref<80x128xi32, #tpu.memory_space<hbm>>
      tpu.wait_dma2 semaphore(%run_scoped3A : memref<!tpu.dma_semaphore, #tpu.memory_space<semaphore_mem>>) src(%dma_wait3A_22 : memref<80x128xi32, #tpu.memory_space<hbm>>) dst(%arg6 : memref<80x128xi32, #tpu.memory_space<vmem>>)
      tpu.yield
    }) : () -> ()
    %barrier3A = arith.constant 0 : index
    tpu.barrier barrier_id(%barrier3A)
    %scan3A = arith.constant 0 : i32
    %scan3A_3 = arith.constant 0 : i32
    %scan3A_4 = arith.constant 80 : i32
    %scan3A_5 = arith.addi %scan3A_3, %scan3A_4 : i32
    %scan3A_6 = arith.constant 1 : i32
    scf.for %scan3A_9 = %scan3A_3 to %scan3A_5 step %scan3A_6  : i32 {
      "tpu.region"() ({
        %run_scoped3A = tpu.sem_alloc : memref<!tpu.dma_semaphore, #tpu.memory_space<semaphore_mem>>
        %dma_start3A = arith.constant 0 : i32
        %dma_start3A_10 = tpu.memref_slice %arg6[%scan3A_9, %dma_start3A] : memref<80x128xi32, #tpu.memory_space<vmem>> -> memref<1x128xi32, #tpu.memory_space<vmem>>
        %dma_start3A_11 = tpu.memref_squeeze %dma_start3A_10 : memref<1x128xi32, #tpu.memory_space<vmem>> -> memref<128xi32, #tpu.memory_space<vmem>>
        %dma_start3A_12 = arith.constant 0 : i32
        %dma_start3A_13 = arith.constant 0 : i32
        %dma_start3A_14 = tpu.memref_slice %arg8[%dma_start3A_12, %dma_start3A_13] : memref<10240x128xf32, #tpu.memory_space<vmem_shared>> -> memref<10240x128xf32, #tpu.memory_space<vmem_shared>>
        tpu.enqueue_indirect_dma source(%arg7 : memref<128x128xf32, #tpu.memory_space<vmem>>) target(%dma_start3A_14 : memref<10240x128xf32, #tpu.memory_space<vmem_shared>>) offsets(%dma_start3A_11 : memref<128xi32, #tpu.memory_space<vmem>>) semaphore(%run_scoped3A : memref<!tpu.dma_semaphore, #tpu.memory_space<semaphore_mem>>) {add = true}
        %dma_wait3A = arith.constant 0 : i32
        %dma_wait3A_15 = tpu.memref_slice %arg6[%scan3A_9, %dma_wait3A] : memref<80x128xi32, #tpu.memory_space<vmem>> -> memref<1x128xi32, #tpu.memory_space<vmem>>
        %dma_wait3A_16 = tpu.memref_squeeze %dma_wait3A_15 : memref<1x128xi32, #tpu.memory_space<vmem>> -> memref<128xi32, #tpu.memory_space<vmem>>
        %dma_wait3A_17 = arith.constant 0 : i32
        %dma_wait3A_18 = arith.constant 0 : i32
        %dma_wait3A_19 = tpu.memref_slice %arg8[%dma_wait3A_17, %dma_wait3A_18] : memref<10240x128xf32, #tpu.memory_space<vmem_shared>> -> memref<10240x128xf32, #tpu.memory_space<vmem_shared>>
        tpu.wait_indirect_dma semaphore(%run_scoped3A : memref<!tpu.dma_semaphore, #tpu.memory_space<semaphore_mem>>) src(%arg7 : memref<128x128xf32, #tpu.memory_space<vmem>>) dst(%dma_wait3A_19 : memref<10240x128xf32, #tpu.memory_space<vmem_shared>>)
        tpu.yield
      }) : () -> ()
    }
    %scan3A_7 = arith.constant 80 : i32
    %barrier3A_8 = arith.constant 0 : index
    tpu.barrier barrier_id(%barrier3A_8)
    "tpu.region"() ({
      %run_scoped3A = tpu.sem_alloc : memref<!tpu.dma_semaphore, #tpu.memory_space<semaphore_mem>>
      %dma_start3A = arith.constant 0 : i32
      %dma_start3A_9 = tpu.memref_slice %arg5[%arg0, %multiple_of3A, %dma_start3A] : memref<2x10240x128xf32, #tpu.memory_space<hbm>> -> memref<1x640x128xf32, #tpu.memory_space<hbm>>
      %dma_start3A_10 = tpu.memref_squeeze %dma_start3A_9 : memref<1x640x128xf32, #tpu.memory_space<hbm>> -> memref<640x128xf32, #tpu.memory_space<hbm>>
      %dma_start3A_11 = arith.constant 0 : i32
      %dma_start3A_12 = tpu.memref_slice %arg8[%multiple_of3A, %dma_start3A_11] : memref<10240x128xf32, #tpu.memory_space<vmem_shared>> -> memref<640x128xf32, #tpu.memory_space<vmem_shared>>
      tpu.enqueue_dma source(%dma_start3A_12 : memref<640x128xf32, #tpu.memory_space<vmem_shared>>) target(%dma_start3A_10 : memref<640x128xf32, #tpu.memory_space<hbm>>) target_semaphore(%run_scoped3A : memref<!tpu.dma_semaphore, #tpu.memory_space<semaphore_mem>>)
      %dma_wait3A = arith.constant 0 : i32
      %dma_wait3A_13 = tpu.memref_slice %arg5[%arg0, %multiple_of3A, %dma_wait3A] : memref<2x10240x128xf32, #tpu.memory_space<hbm>> -> memref<1x640x128xf32, #tpu.memory_space<hbm>>
      %dma_wait3A_14 = tpu.memref_squeeze %dma_wait3A_13 : memref<1x640x128xf32, #tpu.memory_space<hbm>> -> memref<640x128xf32, #tpu.memory_space<hbm>>
      %dma_wait3A_15 = arith.constant 0 : i32
      %dma_wait3A_16 = tpu.memref_slice %arg8[%multiple_of3A, %dma_wait3A_15] : memref<10240x128xf32, #tpu.memory_space<vmem_shared>> -> memref<640x128xf32, #tpu.memory_space<vmem_shared>>
      tpu.wait_dma2 semaphore(%run_scoped3A : memref<!tpu.dma_semaphore, #tpu.memory_space<semaphore_mem>>) src(%dma_wait3A_16 : memref<640x128xf32, #tpu.memory_space<vmem_shared>>) dst(%dma_wait3A_14 : memref<640x128xf32, #tpu.memory_space<hbm>>)
      tpu.yield
    }) : () -> ()
    return
  }
}

#map = affine_map<(d0, d1) -> (0, 0, 0)>
#map1 = affine_map<(d0, d1) -> (0, 0)>
module attributes {stable_mosaic.version = 14 : i64} {
  func.func @_sc_agg(%arg0: i32, %arg1: i32, %arg2: memref<32x80x128xi32, #tpu.memory_space<hbm>>, %arg3: memref<32x80x128xi32, #tpu.memory_space<hbm>>, %arg4: memref<10000x128xf32, #tpu.memory_space<hbm>>, %arg5: memref<2x10000x128xf32, #tpu.memory_space<hbm>>, %arg6: memref<40x128xi32, #tpu.memory_space<vmem>>, %arg7: memref<40x128xi32, #tpu.memory_space<vmem>>, %arg8: memref<128x128xf32, #tpu.memory_space<vmem>>, %arg9: memref<128x128xf32, #tpu.memory_space<vmem>>, %arg10: memref<10240x128xf32, #tpu.memory_space<vmem_shared>>, %arg11: memref<!tpu.dma_semaphore, #tpu.memory_space<semaphore_mem>>, %arg12: memref<!tpu.dma_semaphore, #tpu.memory_space<semaphore_mem>>) attributes {dimension_semantics = [#tpu.dimension_semantics<core_parallel>, #tpu.dimension_semantics<subcore_parallel>], iteration_bounds = array<i64: 2, 16>, scalar_prefetch = 0 : i64, scratch_operands = 7 : i64, tpu.core_type = #tpu.core_type<sc_vector_subcore>, window_params = [{transform_indices = #map}, {transform_indices = #map}, {transform_indices = #map1}, {transform_indices = #map}]} {
    %mul3A = arith.constant 624 : i32
    %mul3A_0 = arith.muli %arg1, %mul3A : i32
    %multiple_of3A = tpu.assume_multiple %mul3A_0, 8 : i32
    "tpu.region"() ({
      %run_scoped3A = tpu.sem_alloc : memref<!tpu.dma_semaphore, #tpu.memory_space<semaphore_mem>>
      %dma_start3A_48 = arith.constant 0 : i32
      %dma_start3A_49 = tpu.memref_slice %arg10[%multiple_of3A, %dma_start3A_48] : memref<10240x128xf32, #tpu.memory_space<vmem_shared>> -> memref<624x128xf32, #tpu.memory_space<vmem_shared>>
      %dma_start3A_50 = arith.constant 0 : i32
      %dma_start3A_51 = tpu.memref_slice %arg4[%multiple_of3A, %dma_start3A_50] : memref<10000x128xf32, #tpu.memory_space<hbm>> -> memref<624x128xf32, #tpu.memory_space<hbm>>
      tpu.enqueue_dma source(%dma_start3A_51 : memref<624x128xf32, #tpu.memory_space<hbm>>) target(%dma_start3A_49 : memref<624x128xf32, #tpu.memory_space<vmem_shared>>) target_semaphore(%run_scoped3A : memref<!tpu.dma_semaphore, #tpu.memory_space<semaphore_mem>>)
      %dma_wait3A_52 = arith.constant 0 : i32
      %dma_wait3A_53 = tpu.memref_slice %arg10[%multiple_of3A, %dma_wait3A_52] : memref<10240x128xf32, #tpu.memory_space<vmem_shared>> -> memref<624x128xf32, #tpu.memory_space<vmem_shared>>
      %dma_wait3A_54 = arith.constant 0 : i32
      %dma_wait3A_55 = tpu.memref_slice %arg4[%multiple_of3A, %dma_wait3A_54] : memref<10000x128xf32, #tpu.memory_space<hbm>> -> memref<624x128xf32, #tpu.memory_space<hbm>>
      tpu.wait_dma2 semaphore(%run_scoped3A : memref<!tpu.dma_semaphore, #tpu.memory_space<semaphore_mem>>) src(%dma_wait3A_55 : memref<624x128xf32, #tpu.memory_space<hbm>>) dst(%dma_wait3A_53 : memref<624x128xf32, #tpu.memory_space<vmem_shared>>)
      tpu.yield
    }) : () -> ()
    %eq3A = arith.constant 0 : i32
    %eq3A_1 = arith.cmpi eq, %arg1, %eq3A : i32
    %convert_element_type3A = arith.extui %eq3A_1 : i1 to i32
    %cond3A = arith.constant 0 : i32
    %cond3A_2 = arith.cmpi ne, %convert_element_type3A, %cond3A : i32
    scf.if %cond3A_2 {
      "tpu.region"() ({
        %run_scoped3A = tpu.sem_alloc : memref<!tpu.dma_semaphore, #tpu.memory_space<semaphore_mem>>
        %dma_start3A_48 = arith.constant 9984 : i32
        %dma_start3A_49 = arith.constant 0 : i32
        %dma_start3A_50 = tpu.memref_slice %arg10[%dma_start3A_48, %dma_start3A_49] : memref<10240x128xf32, #tpu.memory_space<vmem_shared>> -> memref<16x128xf32, #tpu.memory_space<vmem_shared>>
        %dma_start3A_51 = arith.constant 9984 : i32
        %dma_start3A_52 = arith.constant 0 : i32
        %dma_start3A_53 = tpu.memref_slice %arg4[%dma_start3A_51, %dma_start3A_52] : memref<10000x128xf32, #tpu.memory_space<hbm>> -> memref<16x128xf32, #tpu.memory_space<hbm>>
        tpu.enqueue_dma source(%dma_start3A_53 : memref<16x128xf32, #tpu.memory_space<hbm>>) target(%dma_start3A_50 : memref<16x128xf32, #tpu.memory_space<vmem_shared>>) target_semaphore(%run_scoped3A : memref<!tpu.dma_semaphore, #tpu.memory_space<semaphore_mem>>)
        %dma_wait3A_54 = arith.constant 9984 : i32
        %dma_wait3A_55 = arith.constant 0 : i32
        %dma_wait3A_56 = tpu.memref_slice %arg10[%dma_wait3A_54, %dma_wait3A_55] : memref<10240x128xf32, #tpu.memory_space<vmem_shared>> -> memref<16x128xf32, #tpu.memory_space<vmem_shared>>
        %dma_wait3A_57 = arith.constant 9984 : i32
        %dma_wait3A_58 = arith.constant 0 : i32
        %dma_wait3A_59 = tpu.memref_slice %arg4[%dma_wait3A_57, %dma_wait3A_58] : memref<10000x128xf32, #tpu.memory_space<hbm>> -> memref<16x128xf32, #tpu.memory_space<hbm>>
        tpu.wait_dma2 semaphore(%run_scoped3A : memref<!tpu.dma_semaphore, #tpu.memory_space<semaphore_mem>>) src(%dma_wait3A_59 : memref<16x128xf32, #tpu.memory_space<hbm>>) dst(%dma_wait3A_56 : memref<16x128xf32, #tpu.memory_space<vmem_shared>>)
        tpu.yield
      }) : () -> ()
    } else {
    }
    %mul3A_3 = arith.constant 2 : i32
    %mul3A_4 = arith.muli %arg1, %mul3A_3 : i32
    %add3A = arith.addi %mul3A_4, %arg0 : i32
    %barrier3A = arith.constant 0 : index
    tpu.barrier barrier_id(%barrier3A)
    "tpu.region"() ({
      %run_scoped3A = tpu.sem_alloc : memref<!tpu.dma_semaphore, #tpu.memory_space<semaphore_mem>>
      %dma_start3A_48 = arith.constant 0 : i32
      %dma_start3A_49 = arith.constant 0 : i32
      %dma_start3A_50 = tpu.memref_slice %arg2[%add3A, %dma_start3A_48, %dma_start3A_49] : memref<32x80x128xi32, #tpu.memory_space<hbm>> -> memref<1x40x128xi32, #tpu.memory_space<hbm>>
      %dma_start3A_51 = tpu.memref_squeeze %dma_start3A_50 : memref<1x40x128xi32, #tpu.memory_space<hbm>> -> memref<40x128xi32, #tpu.memory_space<hbm>>
      %dma_start3A_52 = arith.constant 0 : i32
      %dma_start3A_53 = arith.constant 0 : i32
      %dma_start3A_54 = tpu.memref_slice %arg2[%add3A, %dma_start3A_52, %dma_start3A_53] : memref<32x80x128xi32, #tpu.memory_space<hbm>> -> memref<1x40x128xi32, #tpu.memory_space<hbm>>
      %dma_start3A_55 = tpu.memref_squeeze %dma_start3A_54 : memref<1x40x128xi32, #tpu.memory_space<hbm>> -> memref<40x128xi32, #tpu.memory_space<hbm>>
      tpu.enqueue_dma source(%dma_start3A_55 : memref<40x128xi32, #tpu.memory_space<hbm>>) target(%arg6 : memref<40x128xi32, #tpu.memory_space<vmem>>) target_semaphore(%run_scoped3A : memref<!tpu.dma_semaphore, #tpu.memory_space<semaphore_mem>>)
      %dma_wait3A_56 = arith.constant 0 : i32
      %dma_wait3A_57 = arith.constant 0 : i32
      %dma_wait3A_58 = tpu.memref_slice %arg2[%add3A, %dma_wait3A_56, %dma_wait3A_57] : memref<32x80x128xi32, #tpu.memory_space<hbm>> -> memref<1x40x128xi32, #tpu.memory_space<hbm>>
      %dma_wait3A_59 = tpu.memref_squeeze %dma_wait3A_58 : memref<1x40x128xi32, #tpu.memory_space<hbm>> -> memref<40x128xi32, #tpu.memory_space<hbm>>
      %dma_wait3A_60 = arith.constant 0 : i32
      %dma_wait3A_61 = arith.constant 0 : i32
      %dma_wait3A_62 = tpu.memref_slice %arg2[%add3A, %dma_wait3A_60, %dma_wait3A_61] : memref<32x80x128xi32, #tpu.memory_space<hbm>> -> memref<1x40x128xi32, #tpu.memory_space<hbm>>
      %dma_wait3A_63 = tpu.memref_squeeze %dma_wait3A_62 : memref<1x40x128xi32, #tpu.memory_space<hbm>> -> memref<40x128xi32, #tpu.memory_space<hbm>>
      tpu.wait_dma2 semaphore(%run_scoped3A : memref<!tpu.dma_semaphore, #tpu.memory_space<semaphore_mem>>) src(%dma_wait3A_63 : memref<40x128xi32, #tpu.memory_space<hbm>>) dst(%arg6 : memref<40x128xi32, #tpu.memory_space<vmem>>)
      tpu.yield
    }) : () -> ()
    "tpu.region"() ({
      %run_scoped3A = tpu.sem_alloc : memref<!tpu.dma_semaphore, #tpu.memory_space<semaphore_mem>>
      %dma_start3A_48 = arith.constant 0 : i32
      %dma_start3A_49 = arith.constant 0 : i32
      %dma_start3A_50 = tpu.memref_slice %arg3[%add3A, %dma_start3A_48, %dma_start3A_49] : memref<32x80x128xi32, #tpu.memory_space<hbm>> -> memref<1x40x128xi32, #tpu.memory_space<hbm>>
      %dma_start3A_51 = tpu.memref_squeeze %dma_start3A_50 : memref<1x40x128xi32, #tpu.memory_space<hbm>> -> memref<40x128xi32, #tpu.memory_space<hbm>>
      %dma_start3A_52 = arith.constant 0 : i32
      %dma_start3A_53 = arith.constant 0 : i32
      %dma_start3A_54 = tpu.memref_slice %arg3[%add3A, %dma_start3A_52, %dma_start3A_53] : memref<32x80x128xi32, #tpu.memory_space<hbm>> -> memref<1x40x128xi32, #tpu.memory_space<hbm>>
      %dma_start3A_55 = tpu.memref_squeeze %dma_start3A_54 : memref<1x40x128xi32, #tpu.memory_space<hbm>> -> memref<40x128xi32, #tpu.memory_space<hbm>>
      tpu.enqueue_dma source(%dma_start3A_55 : memref<40x128xi32, #tpu.memory_space<hbm>>) target(%arg7 : memref<40x128xi32, #tpu.memory_space<vmem>>) target_semaphore(%run_scoped3A : memref<!tpu.dma_semaphore, #tpu.memory_space<semaphore_mem>>)
      %dma_wait3A_56 = arith.constant 0 : i32
      %dma_wait3A_57 = arith.constant 0 : i32
      %dma_wait3A_58 = tpu.memref_slice %arg3[%add3A, %dma_wait3A_56, %dma_wait3A_57] : memref<32x80x128xi32, #tpu.memory_space<hbm>> -> memref<1x40x128xi32, #tpu.memory_space<hbm>>
      %dma_wait3A_59 = tpu.memref_squeeze %dma_wait3A_58 : memref<1x40x128xi32, #tpu.memory_space<hbm>> -> memref<40x128xi32, #tpu.memory_space<hbm>>
      %dma_wait3A_60 = arith.constant 0 : i32
      %dma_wait3A_61 = arith.constant 0 : i32
      %dma_wait3A_62 = tpu.memref_slice %arg3[%add3A, %dma_wait3A_60, %dma_wait3A_61] : memref<32x80x128xi32, #tpu.memory_space<hbm>> -> memref<1x40x128xi32, #tpu.memory_space<hbm>>
      %dma_wait3A_63 = tpu.memref_squeeze %dma_wait3A_62 : memref<1x40x128xi32, #tpu.memory_space<hbm>> -> memref<40x128xi32, #tpu.memory_space<hbm>>
      tpu.wait_dma2 semaphore(%run_scoped3A : memref<!tpu.dma_semaphore, #tpu.memory_space<semaphore_mem>>) src(%dma_wait3A_63 : memref<40x128xi32, #tpu.memory_space<hbm>>) dst(%arg7 : memref<40x128xi32, #tpu.memory_space<vmem>>)
      tpu.yield
    }) : () -> ()
    %dma_start3A = arith.constant 0 : i32
    %dma_start3A_5 = arith.constant 0 : i32
    %dma_start3A_6 = tpu.memref_slice %arg6[%dma_start3A, %dma_start3A_5] : memref<40x128xi32, #tpu.memory_space<vmem>> -> memref<1x128xi32, #tpu.memory_space<vmem>>
    %dma_start3A_7 = tpu.memref_squeeze %dma_start3A_6 : memref<1x128xi32, #tpu.memory_space<vmem>> -> memref<128xi32, #tpu.memory_space<vmem>>
    %dma_start3A_8 = arith.constant 0 : i32
    %dma_start3A_9 = arith.constant 0 : i32
    %dma_start3A_10 = tpu.memref_slice %arg4[%dma_start3A_8, %dma_start3A_9] : memref<10000x128xf32, #tpu.memory_space<hbm>> -> memref<10000x128xf32, #tpu.memory_space<hbm>>
    tpu.enqueue_indirect_dma source(%dma_start3A_10 : memref<10000x128xf32, #tpu.memory_space<hbm>>) target(%arg8 : memref<128x128xf32, #tpu.memory_space<vmem>>) offsets(%dma_start3A_7 : memref<128xi32, #tpu.memory_space<vmem>>) semaphore(%arg11 : memref<!tpu.dma_semaphore, #tpu.memory_space<semaphore_mem>>)
    %scan3A = arith.constant 0 : i32
    %scan3A_11 = arith.constant 0 : i32
    %scan3A_12 = arith.constant 20 : i32
    %scan3A_13 = arith.addi %scan3A_11, %scan3A_12 : i32
    %scan3A_14 = arith.constant 1 : i32
    scf.for %scan3A_48 = %scan3A_11 to %scan3A_13 step %scan3A_14  : i32 {
      %mul3A_49 = arith.constant 2 : i32
      %mul3A_50 = arith.muli %mul3A_49, %scan3A_48 : i32
      %add3A_51 = arith.constant 1 : i32
      %add3A_52 = arith.addi %mul3A_50, %add3A_51 : i32
      %dma_start3A_53 = arith.constant 0 : i32
      %dma_start3A_54 = tpu.memref_slice %arg6[%add3A_52, %dma_start3A_53] : memref<40x128xi32, #tpu.memory_space<vmem>> -> memref<1x128xi32, #tpu.memory_space<vmem>>
      %dma_start3A_55 = tpu.memref_squeeze %dma_start3A_54 : memref<1x128xi32, #tpu.memory_space<vmem>> -> memref<128xi32, #tpu.memory_space<vmem>>
      %dma_start3A_56 = arith.constant 0 : i32
      %dma_start3A_57 = arith.constant 0 : i32
      %dma_start3A_58 = tpu.memref_slice %arg4[%dma_start3A_56, %dma_start3A_57] : memref<10000x128xf32, #tpu.memory_space<hbm>> -> memref<10000x128xf32, #tpu.memory_space<hbm>>
      tpu.enqueue_indirect_dma source(%dma_start3A_58 : memref<10000x128xf32, #tpu.memory_space<hbm>>) target(%arg9 : memref<128x128xf32, #tpu.memory_space<vmem>>) offsets(%dma_start3A_55 : memref<128xi32, #tpu.memory_space<vmem>>) semaphore(%arg12 : memref<!tpu.dma_semaphore, #tpu.memory_space<semaphore_mem>>)
      %dma_wait3A_59 = arith.constant 0 : i32
      %dma_wait3A_60 = tpu.memref_slice %arg6[%mul3A_50, %dma_wait3A_59] : memref<40x128xi32, #tpu.memory_space<vmem>> -> memref<1x128xi32, #tpu.memory_space<vmem>>
      %dma_wait3A_61 = tpu.memref_squeeze %dma_wait3A_60 : memref<1x128xi32, #tpu.memory_space<vmem>> -> memref<128xi32, #tpu.memory_space<vmem>>
      %dma_wait3A_62 = arith.constant 0 : i32
      %dma_wait3A_63 = arith.constant 0 : i32
      %dma_wait3A_64 = tpu.memref_slice %arg4[%dma_wait3A_62, %dma_wait3A_63] : memref<10000x128xf32, #tpu.memory_space<hbm>> -> memref<10000x128xf32, #tpu.memory_space<hbm>>
      tpu.wait_indirect_dma semaphore(%arg11 : memref<!tpu.dma_semaphore, #tpu.memory_space<semaphore_mem>>) src(%dma_wait3A_64 : memref<10000x128xf32, #tpu.memory_space<hbm>>) dst(%arg8 : memref<128x128xf32, #tpu.memory_space<vmem>>)
      "tpu.region"() ({
        %run_scoped3A = tpu.sem_alloc : memref<!tpu.dma_semaphore, #tpu.memory_space<semaphore_mem>>
        %dma_start3A_93 = arith.constant 0 : i32
        %dma_start3A_94 = tpu.memref_slice %arg7[%mul3A_50, %dma_start3A_93] : memref<40x128xi32, #tpu.memory_space<vmem>> -> memref<1x128xi32, #tpu.memory_space<vmem>>
        %dma_start3A_95 = tpu.memref_squeeze %dma_start3A_94 : memref<1x128xi32, #tpu.memory_space<vmem>> -> memref<128xi32, #tpu.memory_space<vmem>>
        %dma_start3A_96 = arith.constant 0 : i32
        %dma_start3A_97 = arith.constant 0 : i32
        %dma_start3A_98 = tpu.memref_slice %arg10[%dma_start3A_96, %dma_start3A_97] : memref<10240x128xf32, #tpu.memory_space<vmem_shared>> -> memref<10240x128xf32, #tpu.memory_space<vmem_shared>>
        tpu.enqueue_indirect_dma source(%arg8 : memref<128x128xf32, #tpu.memory_space<vmem>>) target(%dma_start3A_98 : memref<10240x128xf32, #tpu.memory_space<vmem_shared>>) offsets(%dma_start3A_95 : memref<128xi32, #tpu.memory_space<vmem>>) semaphore(%run_scoped3A : memref<!tpu.dma_semaphore, #tpu.memory_space<semaphore_mem>>) {add = true}
        %dma_wait3A_99 = arith.constant 0 : i32
        %dma_wait3A_100 = tpu.memref_slice %arg7[%mul3A_50, %dma_wait3A_99] : memref<40x128xi32, #tpu.memory_space<vmem>> -> memref<1x128xi32, #tpu.memory_space<vmem>>
        %dma_wait3A_101 = tpu.memref_squeeze %dma_wait3A_100 : memref<1x128xi32, #tpu.memory_space<vmem>> -> memref<128xi32, #tpu.memory_space<vmem>>
        %dma_wait3A_102 = arith.constant 0 : i32
        %dma_wait3A_103 = arith.constant 0 : i32
        %dma_wait3A_104 = tpu.memref_slice %arg10[%dma_wait3A_102, %dma_wait3A_103] : memref<10240x128xf32, #tpu.memory_space<vmem_shared>> -> memref<10240x128xf32, #tpu.memory_space<vmem_shared>>
        tpu.wait_indirect_dma semaphore(%run_scoped3A : memref<!tpu.dma_semaphore, #tpu.memory_space<semaphore_mem>>) src(%arg8 : memref<128x128xf32, #tpu.memory_space<vmem>>) dst(%dma_wait3A_104 : memref<10240x128xf32, #tpu.memory_space<vmem_shared>>)
        tpu.yield
      }) : () -> ()
      %add3A_65 = arith.constant 2 : i32
      %add3A_66 = arith.addi %mul3A_50, %add3A_65 : i32
      %jit3A = arith.constant 40 : i32
      %eq3A_67 = arith.constant 0 : i32
      %eq3A_68 = arith.cmpi eq, %jit3A, %eq3A_67 : i32
      %jit3A_69 = arith.constant 1 : i32
      %select_n3A = arith.select %eq3A_68, %jit3A_69, %jit3A : i32
      %rem3A = arith.remsi %add3A_66, %select_n3A : i32
      %ne3A = arith.constant 0 : i32
      %ne3A_70 = arith.cmpi ne, %rem3A, %ne3A : i32
      %lt3A = arith.constant 0 : i32
      %lt3A_71 = arith.cmpi slt, %rem3A, %lt3A : i32
      %lt3A_72 = arith.constant 0 : i32
      %lt3A_73 = arith.cmpi slt, %select_n3A, %lt3A_72 : i32
      %ne3A_74 = arith.xori %lt3A_71, %lt3A_73 : i1
      %and3A = arith.andi %ne3A_74, %ne3A_70 : i1
      %add3A_75 = arith.addi %rem3A, %select_n3A : i32
      %select_n3A_76 = arith.select %and3A, %add3A_75, %rem3A : i32
      %dma_start3A_77 = arith.constant 0 : i32
      %dma_start3A_78 = tpu.memref_slice %arg6[%select_n3A_76, %dma_start3A_77] : memref<40x128xi32, #tpu.memory_space<vmem>> -> memref<1x128xi32, #tpu.memory_space<vmem>>
      %dma_start3A_79 = tpu.memref_squeeze %dma_start3A_78 : memref<1x128xi32, #tpu.memory_space<vmem>> -> memref<128xi32, #tpu.memory_space<vmem>>
      %dma_start3A_80 = arith.constant 0 : i32
      %dma_start3A_81 = arith.constant 0 : i32
      %dma_start3A_82 = tpu.memref_slice %arg4[%dma_start3A_80, %dma_start3A_81] : memref<10000x128xf32, #tpu.memory_space<hbm>> -> memref<10000x128xf32, #tpu.memory_space<hbm>>
      tpu.enqueue_indirect_dma source(%dma_start3A_82 : memref<10000x128xf32, #tpu.memory_space<hbm>>) target(%arg8 : memref<128x128xf32, #tpu.memory_space<vmem>>) offsets(%dma_start3A_79 : memref<128xi32, #tpu.memory_space<vmem>>) semaphore(%arg11 : memref<!tpu.dma_semaphore, #tpu.memory_space<semaphore_mem>>)
      %add3A_83 = arith.constant 1 : i32
      %add3A_84 = arith.addi %mul3A_50, %add3A_83 : i32
      %dma_wait3A_85 = arith.constant 0 : i32
      %dma_wait3A_86 = tpu.memref_slice %arg6[%add3A_84, %dma_wait3A_85] : memref<40x128xi32, #tpu.memory_space<vmem>> -> memref<1x128xi32, #tpu.memory_space<vmem>>
      %dma_wait3A_87 = tpu.memref_squeeze %dma_wait3A_86 : memref<1x128xi32, #tpu.memory_space<vmem>> -> memref<128xi32, #tpu.memory_space<vmem>>
      %dma_wait3A_88 = arith.constant 0 : i32
      %dma_wait3A_89 = arith.constant 0 : i32
      %dma_wait3A_90 = tpu.memref_slice %arg4[%dma_wait3A_88, %dma_wait3A_89] : memref<10000x128xf32, #tpu.memory_space<hbm>> -> memref<10000x128xf32, #tpu.memory_space<hbm>>
      tpu.wait_indirect_dma semaphore(%arg12 : memref<!tpu.dma_semaphore, #tpu.memory_space<semaphore_mem>>) src(%dma_wait3A_90 : memref<10000x128xf32, #tpu.memory_space<hbm>>) dst(%arg9 : memref<128x128xf32, #tpu.memory_space<vmem>>)
      %add3A_91 = arith.constant 1 : i32
      %add3A_92 = arith.addi %mul3A_50, %add3A_91 : i32
      "tpu.region"() ({
        %run_scoped3A = tpu.sem_alloc : memref<!tpu.dma_semaphore, #tpu.memory_space<semaphore_mem>>
        %dma_start3A_93 = arith.constant 0 : i32
        %dma_start3A_94 = tpu.memref_slice %arg7[%add3A_92, %dma_start3A_93] : memref<40x128xi32, #tpu.memory_space<vmem>> -> memref<1x128xi32, #tpu.memory_space<vmem>>
        %dma_start3A_95 = tpu.memref_squeeze %dma_start3A_94 : memref<1x128xi32, #tpu.memory_space<vmem>> -> memref<128xi32, #tpu.memory_space<vmem>>
        %dma_start3A_96 = arith.constant 0 : i32
        %dma_start3A_97 = arith.constant 0 : i32
        %dma_start3A_98 = tpu.memref_slice %arg10[%dma_start3A_96, %dma_start3A_97] : memref<10240x128xf32, #tpu.memory_space<vmem_shared>> -> memref<10240x128xf32, #tpu.memory_space<vmem_shared>>
        tpu.enqueue_indirect_dma source(%arg9 : memref<128x128xf32, #tpu.memory_space<vmem>>) target(%dma_start3A_98 : memref<10240x128xf32, #tpu.memory_space<vmem_shared>>) offsets(%dma_start3A_95 : memref<128xi32, #tpu.memory_space<vmem>>) semaphore(%run_scoped3A : memref<!tpu.dma_semaphore, #tpu.memory_space<semaphore_mem>>) {add = true}
        %dma_wait3A_99 = arith.constant 0 : i32
        %dma_wait3A_100 = tpu.memref_slice %arg7[%add3A_92, %dma_wait3A_99] : memref<40x128xi32, #tpu.memory_space<vmem>> -> memref<1x128xi32, #tpu.memory_space<vmem>>
        %dma_wait3A_101 = tpu.memref_squeeze %dma_wait3A_100 : memref<1x128xi32, #tpu.memory_space<vmem>> -> memref<128xi32, #tpu.memory_space<vmem>>
        %dma_wait3A_102 = arith.constant 0 : i32
        %dma_wait3A_103 = arith.constant 0 : i32
        %dma_wait3A_104 = tpu.memref_slice %arg10[%dma_wait3A_102, %dma_wait3A_103] : memref<10240x128xf32, #tpu.memory_space<vmem_shared>> -> memref<10240x128xf32, #tpu.memory_space<vmem_shared>>
        tpu.wait_indirect_dma semaphore(%run_scoped3A : memref<!tpu.dma_semaphore, #tpu.memory_space<semaphore_mem>>) src(%arg9 : memref<128x128xf32, #tpu.memory_space<vmem>>) dst(%dma_wait3A_104 : memref<10240x128xf32, #tpu.memory_space<vmem_shared>>)
        tpu.yield
      }) : () -> ()
    }
    %scan3A_15 = arith.constant 20 : i32
    %dma_wait3A = arith.constant 0 : i32
    %dma_wait3A_16 = arith.constant 0 : i32
    %dma_wait3A_17 = tpu.memref_slice %arg6[%dma_wait3A, %dma_wait3A_16] : memref<40x128xi32, #tpu.memory_space<vmem>> -> memref<1x128xi32, #tpu.memory_space<vmem>>
    %dma_wait3A_18 = tpu.memref_squeeze %dma_wait3A_17 : memref<1x128xi32, #tpu.memory_space<vmem>> -> memref<128xi32, #tpu.memory_space<vmem>>
    %dma_wait3A_19 = arith.constant 0 : i32
    %dma_wait3A_20 = arith.constant 0 : i32
    %dma_wait3A_21 = tpu.memref_slice %arg4[%dma_wait3A_19, %dma_wait3A_20] : memref<10000x128xf32, #tpu.memory_space<hbm>> -> memref<10000x128xf32, #tpu.memory_space<hbm>>
    tpu.wait_indirect_dma semaphore(%arg11 : memref<!tpu.dma_semaphore, #tpu.memory_space<semaphore_mem>>) src(%dma_wait3A_21 : memref<10000x128xf32, #tpu.memory_space<hbm>>) dst(%arg8 : memref<128x128xf32, #tpu.memory_space<vmem>>)
    "tpu.region"() ({
      %run_scoped3A = tpu.sem_alloc : memref<!tpu.dma_semaphore, #tpu.memory_space<semaphore_mem>>
      %dma_start3A_48 = arith.constant 40 : i32
      %dma_start3A_49 = arith.constant 0 : i32
      %dma_start3A_50 = tpu.memref_slice %arg2[%add3A, %dma_start3A_48, %dma_start3A_49] : memref<32x80x128xi32, #tpu.memory_space<hbm>> -> memref<1x40x128xi32, #tpu.memory_space<hbm>>
      %dma_start3A_51 = tpu.memref_squeeze %dma_start3A_50 : memref<1x40x128xi32, #tpu.memory_space<hbm>> -> memref<40x128xi32, #tpu.memory_space<hbm>>
      %dma_start3A_52 = arith.constant 40 : i32
      %dma_start3A_53 = arith.constant 0 : i32
      %dma_start3A_54 = tpu.memref_slice %arg2[%add3A, %dma_start3A_52, %dma_start3A_53] : memref<32x80x128xi32, #tpu.memory_space<hbm>> -> memref<1x40x128xi32, #tpu.memory_space<hbm>>
      %dma_start3A_55 = tpu.memref_squeeze %dma_start3A_54 : memref<1x40x128xi32, #tpu.memory_space<hbm>> -> memref<40x128xi32, #tpu.memory_space<hbm>>
      tpu.enqueue_dma source(%dma_start3A_55 : memref<40x128xi32, #tpu.memory_space<hbm>>) target(%arg6 : memref<40x128xi32, #tpu.memory_space<vmem>>) target_semaphore(%run_scoped3A : memref<!tpu.dma_semaphore, #tpu.memory_space<semaphore_mem>>)
      %dma_wait3A_56 = arith.constant 40 : i32
      %dma_wait3A_57 = arith.constant 0 : i32
      %dma_wait3A_58 = tpu.memref_slice %arg2[%add3A, %dma_wait3A_56, %dma_wait3A_57] : memref<32x80x128xi32, #tpu.memory_space<hbm>> -> memref<1x40x128xi32, #tpu.memory_space<hbm>>
      %dma_wait3A_59 = tpu.memref_squeeze %dma_wait3A_58 : memref<1x40x128xi32, #tpu.memory_space<hbm>> -> memref<40x128xi32, #tpu.memory_space<hbm>>
      %dma_wait3A_60 = arith.constant 40 : i32
      %dma_wait3A_61 = arith.constant 0 : i32
      %dma_wait3A_62 = tpu.memref_slice %arg2[%add3A, %dma_wait3A_60, %dma_wait3A_61] : memref<32x80x128xi32, #tpu.memory_space<hbm>> -> memref<1x40x128xi32, #tpu.memory_space<hbm>>
      %dma_wait3A_63 = tpu.memref_squeeze %dma_wait3A_62 : memref<1x40x128xi32, #tpu.memory_space<hbm>> -> memref<40x128xi32, #tpu.memory_space<hbm>>
      tpu.wait_dma2 semaphore(%run_scoped3A : memref<!tpu.dma_semaphore, #tpu.memory_space<semaphore_mem>>) src(%dma_wait3A_63 : memref<40x128xi32, #tpu.memory_space<hbm>>) dst(%arg6 : memref<40x128xi32, #tpu.memory_space<vmem>>)
      tpu.yield
    }) : () -> ()
    "tpu.region"() ({
      %run_scoped3A = tpu.sem_alloc : memref<!tpu.dma_semaphore, #tpu.memory_space<semaphore_mem>>
      %dma_start3A_48 = arith.constant 40 : i32
      %dma_start3A_49 = arith.constant 0 : i32
      %dma_start3A_50 = tpu.memref_slice %arg3[%add3A, %dma_start3A_48, %dma_start3A_49] : memref<32x80x128xi32, #tpu.memory_space<hbm>> -> memref<1x40x128xi32, #tpu.memory_space<hbm>>
      %dma_start3A_51 = tpu.memref_squeeze %dma_start3A_50 : memref<1x40x128xi32, #tpu.memory_space<hbm>> -> memref<40x128xi32, #tpu.memory_space<hbm>>
      %dma_start3A_52 = arith.constant 40 : i32
      %dma_start3A_53 = arith.constant 0 : i32
      %dma_start3A_54 = tpu.memref_slice %arg3[%add3A, %dma_start3A_52, %dma_start3A_53] : memref<32x80x128xi32, #tpu.memory_space<hbm>> -> memref<1x40x128xi32, #tpu.memory_space<hbm>>
      %dma_start3A_55 = tpu.memref_squeeze %dma_start3A_54 : memref<1x40x128xi32, #tpu.memory_space<hbm>> -> memref<40x128xi32, #tpu.memory_space<hbm>>
      tpu.enqueue_dma source(%dma_start3A_55 : memref<40x128xi32, #tpu.memory_space<hbm>>) target(%arg7 : memref<40x128xi32, #tpu.memory_space<vmem>>) target_semaphore(%run_scoped3A : memref<!tpu.dma_semaphore, #tpu.memory_space<semaphore_mem>>)
      %dma_wait3A_56 = arith.constant 40 : i32
      %dma_wait3A_57 = arith.constant 0 : i32
      %dma_wait3A_58 = tpu.memref_slice %arg3[%add3A, %dma_wait3A_56, %dma_wait3A_57] : memref<32x80x128xi32, #tpu.memory_space<hbm>> -> memref<1x40x128xi32, #tpu.memory_space<hbm>>
      %dma_wait3A_59 = tpu.memref_squeeze %dma_wait3A_58 : memref<1x40x128xi32, #tpu.memory_space<hbm>> -> memref<40x128xi32, #tpu.memory_space<hbm>>
      %dma_wait3A_60 = arith.constant 40 : i32
      %dma_wait3A_61 = arith.constant 0 : i32
      %dma_wait3A_62 = tpu.memref_slice %arg3[%add3A, %dma_wait3A_60, %dma_wait3A_61] : memref<32x80x128xi32, #tpu.memory_space<hbm>> -> memref<1x40x128xi32, #tpu.memory_space<hbm>>
      %dma_wait3A_63 = tpu.memref_squeeze %dma_wait3A_62 : memref<1x40x128xi32, #tpu.memory_space<hbm>> -> memref<40x128xi32, #tpu.memory_space<hbm>>
      tpu.wait_dma2 semaphore(%run_scoped3A : memref<!tpu.dma_semaphore, #tpu.memory_space<semaphore_mem>>) src(%dma_wait3A_63 : memref<40x128xi32, #tpu.memory_space<hbm>>) dst(%arg7 : memref<40x128xi32, #tpu.memory_space<vmem>>)
      tpu.yield
    }) : () -> ()
    %dma_start3A_22 = arith.constant 0 : i32
    %dma_start3A_23 = arith.constant 0 : i32
    %dma_start3A_24 = tpu.memref_slice %arg6[%dma_start3A_22, %dma_start3A_23] : memref<40x128xi32, #tpu.memory_space<vmem>> -> memref<1x128xi32, #tpu.memory_space<vmem>>
    %dma_start3A_25 = tpu.memref_squeeze %dma_start3A_24 : memref<1x128xi32, #tpu.memory_space<vmem>> -> memref<128xi32, #tpu.memory_space<vmem>>
    %dma_start3A_26 = arith.constant 0 : i32
    %dma_start3A_27 = arith.constant 0 : i32
    %dma_start3A_28 = tpu.memref_slice %arg4[%dma_start3A_26, %dma_start3A_27] : memref<10000x128xf32, #tpu.memory_space<hbm>> -> memref<10000x128xf32, #tpu.memory_space<hbm>>
    tpu.enqueue_indirect_dma source(%dma_start3A_28 : memref<10000x128xf32, #tpu.memory_space<hbm>>) target(%arg8 : memref<128x128xf32, #tpu.memory_space<vmem>>) offsets(%dma_start3A_25 : memref<128xi32, #tpu.memory_space<vmem>>) semaphore(%arg11 : memref<!tpu.dma_semaphore, #tpu.memory_space<semaphore_mem>>)
    %scan3A_29 = arith.constant 0 : i32
    %scan3A_30 = arith.constant 0 : i32
    %scan3A_31 = arith.constant 20 : i32
    %scan3A_32 = arith.addi %scan3A_30, %scan3A_31 : i32
    %scan3A_33 = arith.constant 1 : i32
    scf.for %scan3A_48 = %scan3A_30 to %scan3A_32 step %scan3A_33  : i32 {
      %mul3A_49 = arith.constant 2 : i32
      %mul3A_50 = arith.muli %mul3A_49, %scan3A_48 : i32
      %add3A_51 = arith.constant 1 : i32
      %add3A_52 = arith.addi %mul3A_50, %add3A_51 : i32
      %dma_start3A_53 = arith.constant 0 : i32
      %dma_start3A_54 = tpu.memref_slice %arg6[%add3A_52, %dma_start3A_53] : memref<40x128xi32, #tpu.memory_space<vmem>> -> memref<1x128xi32, #tpu.memory_space<vmem>>
      %dma_start3A_55 = tpu.memref_squeeze %dma_start3A_54 : memref<1x128xi32, #tpu.memory_space<vmem>> -> memref<128xi32, #tpu.memory_space<vmem>>
      %dma_start3A_56 = arith.constant 0 : i32
      %dma_start3A_57 = arith.constant 0 : i32
      %dma_start3A_58 = tpu.memref_slice %arg4[%dma_start3A_56, %dma_start3A_57] : memref<10000x128xf32, #tpu.memory_space<hbm>> -> memref<10000x128xf32, #tpu.memory_space<hbm>>
      tpu.enqueue_indirect_dma source(%dma_start3A_58 : memref<10000x128xf32, #tpu.memory_space<hbm>>) target(%arg9 : memref<128x128xf32, #tpu.memory_space<vmem>>) offsets(%dma_start3A_55 : memref<128xi32, #tpu.memory_space<vmem>>) semaphore(%arg12 : memref<!tpu.dma_semaphore, #tpu.memory_space<semaphore_mem>>)
      %dma_wait3A_59 = arith.constant 0 : i32
      %dma_wait3A_60 = tpu.memref_slice %arg6[%mul3A_50, %dma_wait3A_59] : memref<40x128xi32, #tpu.memory_space<vmem>> -> memref<1x128xi32, #tpu.memory_space<vmem>>
      %dma_wait3A_61 = tpu.memref_squeeze %dma_wait3A_60 : memref<1x128xi32, #tpu.memory_space<vmem>> -> memref<128xi32, #tpu.memory_space<vmem>>
      %dma_wait3A_62 = arith.constant 0 : i32
      %dma_wait3A_63 = arith.constant 0 : i32
      %dma_wait3A_64 = tpu.memref_slice %arg4[%dma_wait3A_62, %dma_wait3A_63] : memref<10000x128xf32, #tpu.memory_space<hbm>> -> memref<10000x128xf32, #tpu.memory_space<hbm>>
      tpu.wait_indirect_dma semaphore(%arg11 : memref<!tpu.dma_semaphore, #tpu.memory_space<semaphore_mem>>) src(%dma_wait3A_64 : memref<10000x128xf32, #tpu.memory_space<hbm>>) dst(%arg8 : memref<128x128xf32, #tpu.memory_space<vmem>>)
      "tpu.region"() ({
        %run_scoped3A = tpu.sem_alloc : memref<!tpu.dma_semaphore, #tpu.memory_space<semaphore_mem>>
        %dma_start3A_93 = arith.constant 0 : i32
        %dma_start3A_94 = tpu.memref_slice %arg7[%mul3A_50, %dma_start3A_93] : memref<40x128xi32, #tpu.memory_space<vmem>> -> memref<1x128xi32, #tpu.memory_space<vmem>>
        %dma_start3A_95 = tpu.memref_squeeze %dma_start3A_94 : memref<1x128xi32, #tpu.memory_space<vmem>> -> memref<128xi32, #tpu.memory_space<vmem>>
        %dma_start3A_96 = arith.constant 0 : i32
        %dma_start3A_97 = arith.constant 0 : i32
        %dma_start3A_98 = tpu.memref_slice %arg10[%dma_start3A_96, %dma_start3A_97] : memref<10240x128xf32, #tpu.memory_space<vmem_shared>> -> memref<10240x128xf32, #tpu.memory_space<vmem_shared>>
        tpu.enqueue_indirect_dma source(%arg8 : memref<128x128xf32, #tpu.memory_space<vmem>>) target(%dma_start3A_98 : memref<10240x128xf32, #tpu.memory_space<vmem_shared>>) offsets(%dma_start3A_95 : memref<128xi32, #tpu.memory_space<vmem>>) semaphore(%run_scoped3A : memref<!tpu.dma_semaphore, #tpu.memory_space<semaphore_mem>>) {add = true}
        %dma_wait3A_99 = arith.constant 0 : i32
        %dma_wait3A_100 = tpu.memref_slice %arg7[%mul3A_50, %dma_wait3A_99] : memref<40x128xi32, #tpu.memory_space<vmem>> -> memref<1x128xi32, #tpu.memory_space<vmem>>
        %dma_wait3A_101 = tpu.memref_squeeze %dma_wait3A_100 : memref<1x128xi32, #tpu.memory_space<vmem>> -> memref<128xi32, #tpu.memory_space<vmem>>
        %dma_wait3A_102 = arith.constant 0 : i32
        %dma_wait3A_103 = arith.constant 0 : i32
        %dma_wait3A_104 = tpu.memref_slice %arg10[%dma_wait3A_102, %dma_wait3A_103] : memref<10240x128xf32, #tpu.memory_space<vmem_shared>> -> memref<10240x128xf32, #tpu.memory_space<vmem_shared>>
        tpu.wait_indirect_dma semaphore(%run_scoped3A : memref<!tpu.dma_semaphore, #tpu.memory_space<semaphore_mem>>) src(%arg8 : memref<128x128xf32, #tpu.memory_space<vmem>>) dst(%dma_wait3A_104 : memref<10240x128xf32, #tpu.memory_space<vmem_shared>>)
        tpu.yield
      }) : () -> ()
      %add3A_65 = arith.constant 2 : i32
      %add3A_66 = arith.addi %mul3A_50, %add3A_65 : i32
      %jit3A = arith.constant 40 : i32
      %eq3A_67 = arith.constant 0 : i32
      %eq3A_68 = arith.cmpi eq, %jit3A, %eq3A_67 : i32
      %jit3A_69 = arith.constant 1 : i32
      %select_n3A = arith.select %eq3A_68, %jit3A_69, %jit3A : i32
      %rem3A = arith.remsi %add3A_66, %select_n3A : i32
      %ne3A = arith.constant 0 : i32
      %ne3A_70 = arith.cmpi ne, %rem3A, %ne3A : i32
      %lt3A = arith.constant 0 : i32
      %lt3A_71 = arith.cmpi slt, %rem3A, %lt3A : i32
      %lt3A_72 = arith.constant 0 : i32
      %lt3A_73 = arith.cmpi slt, %select_n3A, %lt3A_72 : i32
      %ne3A_74 = arith.xori %lt3A_71, %lt3A_73 : i1
      %and3A = arith.andi %ne3A_74, %ne3A_70 : i1
      %add3A_75 = arith.addi %rem3A, %select_n3A : i32
      %select_n3A_76 = arith.select %and3A, %add3A_75, %rem3A : i32
      %dma_start3A_77 = arith.constant 0 : i32
      %dma_start3A_78 = tpu.memref_slice %arg6[%select_n3A_76, %dma_start3A_77] : memref<40x128xi32, #tpu.memory_space<vmem>> -> memref<1x128xi32, #tpu.memory_space<vmem>>
      %dma_start3A_79 = tpu.memref_squeeze %dma_start3A_78 : memref<1x128xi32, #tpu.memory_space<vmem>> -> memref<128xi32, #tpu.memory_space<vmem>>
      %dma_start3A_80 = arith.constant 0 : i32
      %dma_start3A_81 = arith.constant 0 : i32
      %dma_start3A_82 = tpu.memref_slice %arg4[%dma_start3A_80, %dma_start3A_81] : memref<10000x128xf32, #tpu.memory_space<hbm>> -> memref<10000x128xf32, #tpu.memory_space<hbm>>
      tpu.enqueue_indirect_dma source(%dma_start3A_82 : memref<10000x128xf32, #tpu.memory_space<hbm>>) target(%arg8 : memref<128x128xf32, #tpu.memory_space<vmem>>) offsets(%dma_start3A_79 : memref<128xi32, #tpu.memory_space<vmem>>) semaphore(%arg11 : memref<!tpu.dma_semaphore, #tpu.memory_space<semaphore_mem>>)
      %add3A_83 = arith.constant 1 : i32
      %add3A_84 = arith.addi %mul3A_50, %add3A_83 : i32
      %dma_wait3A_85 = arith.constant 0 : i32
      %dma_wait3A_86 = tpu.memref_slice %arg6[%add3A_84, %dma_wait3A_85] : memref<40x128xi32, #tpu.memory_space<vmem>> -> memref<1x128xi32, #tpu.memory_space<vmem>>
      %dma_wait3A_87 = tpu.memref_squeeze %dma_wait3A_86 : memref<1x128xi32, #tpu.memory_space<vmem>> -> memref<128xi32, #tpu.memory_space<vmem>>
      %dma_wait3A_88 = arith.constant 0 : i32
      %dma_wait3A_89 = arith.constant 0 : i32
      %dma_wait3A_90 = tpu.memref_slice %arg4[%dma_wait3A_88, %dma_wait3A_89] : memref<10000x128xf32, #tpu.memory_space<hbm>> -> memref<10000x128xf32, #tpu.memory_space<hbm>>
      tpu.wait_indirect_dma semaphore(%arg12 : memref<!tpu.dma_semaphore, #tpu.memory_space<semaphore_mem>>) src(%dma_wait3A_90 : memref<10000x128xf32, #tpu.memory_space<hbm>>) dst(%arg9 : memref<128x128xf32, #tpu.memory_space<vmem>>)
      %add3A_91 = arith.constant 1 : i32
      %add3A_92 = arith.addi %mul3A_50, %add3A_91 : i32
      "tpu.region"() ({
        %run_scoped3A = tpu.sem_alloc : memref<!tpu.dma_semaphore, #tpu.memory_space<semaphore_mem>>
        %dma_start3A_93 = arith.constant 0 : i32
        %dma_start3A_94 = tpu.memref_slice %arg7[%add3A_92, %dma_start3A_93] : memref<40x128xi32, #tpu.memory_space<vmem>> -> memref<1x128xi32, #tpu.memory_space<vmem>>
        %dma_start3A_95 = tpu.memref_squeeze %dma_start3A_94 : memref<1x128xi32, #tpu.memory_space<vmem>> -> memref<128xi32, #tpu.memory_space<vmem>>
        %dma_start3A_96 = arith.constant 0 : i32
        %dma_start3A_97 = arith.constant 0 : i32
        %dma_start3A_98 = tpu.memref_slice %arg10[%dma_start3A_96, %dma_start3A_97] : memref<10240x128xf32, #tpu.memory_space<vmem_shared>> -> memref<10240x128xf32, #tpu.memory_space<vmem_shared>>
        tpu.enqueue_indirect_dma source(%arg9 : memref<128x128xf32, #tpu.memory_space<vmem>>) target(%dma_start3A_98 : memref<10240x128xf32, #tpu.memory_space<vmem_shared>>) offsets(%dma_start3A_95 : memref<128xi32, #tpu.memory_space<vmem>>) semaphore(%run_scoped3A : memref<!tpu.dma_semaphore, #tpu.memory_space<semaphore_mem>>) {add = true}
        %dma_wait3A_99 = arith.constant 0 : i32
        %dma_wait3A_100 = tpu.memref_slice %arg7[%add3A_92, %dma_wait3A_99] : memref<40x128xi32, #tpu.memory_space<vmem>> -> memref<1x128xi32, #tpu.memory_space<vmem>>
        %dma_wait3A_101 = tpu.memref_squeeze %dma_wait3A_100 : memref<1x128xi32, #tpu.memory_space<vmem>> -> memref<128xi32, #tpu.memory_space<vmem>>
        %dma_wait3A_102 = arith.constant 0 : i32
        %dma_wait3A_103 = arith.constant 0 : i32
        %dma_wait3A_104 = tpu.memref_slice %arg10[%dma_wait3A_102, %dma_wait3A_103] : memref<10240x128xf32, #tpu.memory_space<vmem_shared>> -> memref<10240x128xf32, #tpu.memory_space<vmem_shared>>
        tpu.wait_indirect_dma semaphore(%run_scoped3A : memref<!tpu.dma_semaphore, #tpu.memory_space<semaphore_mem>>) src(%arg9 : memref<128x128xf32, #tpu.memory_space<vmem>>) dst(%dma_wait3A_104 : memref<10240x128xf32, #tpu.memory_space<vmem_shared>>)
        tpu.yield
      }) : () -> ()
    }
    %scan3A_34 = arith.constant 20 : i32
    %dma_wait3A_35 = arith.constant 0 : i32
    %dma_wait3A_36 = arith.constant 0 : i32
    %dma_wait3A_37 = tpu.memref_slice %arg6[%dma_wait3A_35, %dma_wait3A_36] : memref<40x128xi32, #tpu.memory_space<vmem>> -> memref<1x128xi32, #tpu.memory_space<vmem>>
    %dma_wait3A_38 = tpu.memref_squeeze %dma_wait3A_37 : memref<1x128xi32, #tpu.memory_space<vmem>> -> memref<128xi32, #tpu.memory_space<vmem>>
    %dma_wait3A_39 = arith.constant 0 : i32
    %dma_wait3A_40 = arith.constant 0 : i32
    %dma_wait3A_41 = tpu.memref_slice %arg4[%dma_wait3A_39, %dma_wait3A_40] : memref<10000x128xf32, #tpu.memory_space<hbm>> -> memref<10000x128xf32, #tpu.memory_space<hbm>>
    tpu.wait_indirect_dma semaphore(%arg11 : memref<!tpu.dma_semaphore, #tpu.memory_space<semaphore_mem>>) src(%dma_wait3A_41 : memref<10000x128xf32, #tpu.memory_space<hbm>>) dst(%arg8 : memref<128x128xf32, #tpu.memory_space<vmem>>)
    %barrier3A_42 = arith.constant 0 : index
    tpu.barrier barrier_id(%barrier3A_42)
    "tpu.region"() ({
      %run_scoped3A = tpu.sem_alloc : memref<!tpu.dma_semaphore, #tpu.memory_space<semaphore_mem>>
      %dma_start3A_48 = arith.constant 0 : i32
      %dma_start3A_49 = tpu.memref_slice %arg5[%arg0, %multiple_of3A, %dma_start3A_48] : memref<2x10000x128xf32, #tpu.memory_space<hbm>> -> memref<1x624x128xf32, #tpu.memory_space<hbm>>
      %dma_start3A_50 = tpu.memref_squeeze %dma_start3A_49 : memref<1x624x128xf32, #tpu.memory_space<hbm>> -> memref<624x128xf32, #tpu.memory_space<hbm>>
      %dma_start3A_51 = arith.constant 0 : i32
      %dma_start3A_52 = tpu.memref_slice %arg10[%multiple_of3A, %dma_start3A_51] : memref<10240x128xf32, #tpu.memory_space<vmem_shared>> -> memref<624x128xf32, #tpu.memory_space<vmem_shared>>
      tpu.enqueue_dma source(%dma_start3A_52 : memref<624x128xf32, #tpu.memory_space<vmem_shared>>) target(%dma_start3A_50 : memref<624x128xf32, #tpu.memory_space<hbm>>) target_semaphore(%run_scoped3A : memref<!tpu.dma_semaphore, #tpu.memory_space<semaphore_mem>>)
      %dma_wait3A_53 = arith.constant 0 : i32
      %dma_wait3A_54 = tpu.memref_slice %arg5[%arg0, %multiple_of3A, %dma_wait3A_53] : memref<2x10000x128xf32, #tpu.memory_space<hbm>> -> memref<1x624x128xf32, #tpu.memory_space<hbm>>
      %dma_wait3A_55 = tpu.memref_squeeze %dma_wait3A_54 : memref<1x624x128xf32, #tpu.memory_space<hbm>> -> memref<624x128xf32, #tpu.memory_space<hbm>>
      %dma_wait3A_56 = arith.constant 0 : i32
      %dma_wait3A_57 = tpu.memref_slice %arg10[%multiple_of3A, %dma_wait3A_56] : memref<10240x128xf32, #tpu.memory_space<vmem_shared>> -> memref<624x128xf32, #tpu.memory_space<vmem_shared>>
      tpu.wait_dma2 semaphore(%run_scoped3A : memref<!tpu.dma_semaphore, #tpu.memory_space<semaphore_mem>>) src(%dma_wait3A_57 : memref<624x128xf32, #tpu.memory_space<vmem_shared>>) dst(%dma_wait3A_55 : memref<624x128xf32, #tpu.memory_space<hbm>>)
      tpu.yield
    }) : () -> ()
    %eq3A_43 = arith.constant 0 : i32
    %eq3A_44 = arith.cmpi eq, %arg1, %eq3A_43 : i32
    %convert_element_type3A_45 = arith.extui %eq3A_44 : i1 to i32
    %cond3A_46 = arith.constant 0 : i32
    %cond3A_47 = arith.cmpi ne, %convert_element_type3A_45, %cond3A_46 : i32
    scf.if %cond3A_47 {
      "tpu.region"() ({
        %run_scoped3A = tpu.sem_alloc : memref<!tpu.dma_semaphore, #tpu.memory_space<semaphore_mem>>
        %dma_start3A_48 = arith.constant 9984 : i32
        %dma_start3A_49 = arith.constant 0 : i32
        %dma_start3A_50 = tpu.memref_slice %arg5[%arg0, %dma_start3A_48, %dma_start3A_49] : memref<2x10000x128xf32, #tpu.memory_space<hbm>> -> memref<1x16x128xf32, #tpu.memory_space<hbm>>
        %dma_start3A_51 = tpu.memref_squeeze %dma_start3A_50 : memref<1x16x128xf32, #tpu.memory_space<hbm>> -> memref<16x128xf32, #tpu.memory_space<hbm>>
        %dma_start3A_52 = arith.constant 9984 : i32
        %dma_start3A_53 = arith.constant 0 : i32
        %dma_start3A_54 = tpu.memref_slice %arg10[%dma_start3A_52, %dma_start3A_53] : memref<10240x128xf32, #tpu.memory_space<vmem_shared>> -> memref<16x128xf32, #tpu.memory_space<vmem_shared>>
        tpu.enqueue_dma source(%dma_start3A_54 : memref<16x128xf32, #tpu.memory_space<vmem_shared>>) target(%dma_start3A_51 : memref<16x128xf32, #tpu.memory_space<hbm>>) target_semaphore(%run_scoped3A : memref<!tpu.dma_semaphore, #tpu.memory_space<semaphore_mem>>)
        %dma_wait3A_55 = arith.constant 9984 : i32
        %dma_wait3A_56 = arith.constant 0 : i32
        %dma_wait3A_57 = tpu.memref_slice %arg5[%arg0, %dma_wait3A_55, %dma_wait3A_56] : memref<2x10000x128xf32, #tpu.memory_space<hbm>> -> memref<1x16x128xf32, #tpu.memory_space<hbm>>
        %dma_wait3A_58 = tpu.memref_squeeze %dma_wait3A_57 : memref<1x16x128xf32, #tpu.memory_space<hbm>> -> memref<16x128xf32, #tpu.memory_space<hbm>>
        %dma_wait3A_59 = arith.constant 9984 : i32
        %dma_wait3A_60 = arith.constant 0 : i32
        %dma_wait3A_61 = tpu.memref_slice %arg10[%dma_wait3A_59, %dma_wait3A_60] : memref<10240x128xf32, #tpu.memory_space<vmem_shared>> -> memref<16x128xf32, #tpu.memory_space<vmem_shared>>
        tpu.wait_dma2 semaphore(%run_scoped3A : memref<!tpu.dma_semaphore, #tpu.memory_space<semaphore_mem>>) src(%dma_wait3A_61 : memref<16x128xf32, #tpu.memory_space<vmem_shared>>) dst(%dma_wait3A_58 : memref<16x128xf32, #tpu.memory_space<hbm>>)
        tpu.yield
      }) : () -> ()
    } else {
    }
    return
  }
}

#map = affine_map<(d0, d1) -> (0, 0, 0)>
#map1 = affine_map<(d0, d1) -> (0, 0)>
module attributes {stable_mosaic.version = 14 : i64} {
  func.func @_sc_agg(%arg0: i32, %arg1: i32, %arg2: memref<32x80x128xi32, #tpu.memory_space<hbm>>, %arg3: memref<32x80x128xi32, #tpu.memory_space<hbm>>, %arg4: memref<10000x128xf32, #tpu.memory_space<hbm>>, %arg5: memref<2x10000x128xf32, #tpu.memory_space<hbm>>, %arg6: memref<40x128xi32, #tpu.memory_space<vmem>>, %arg7: memref<40x128xi32, #tpu.memory_space<vmem>>, %arg8: memref<128x128xf32, #tpu.memory_space<vmem>>, %arg9: memref<128x128xf32, #tpu.memory_space<vmem>>, %arg10: memref<10240x128xf32, #tpu.memory_space<vmem_shared>>, %arg11: memref<!tpu.dma_semaphore, #tpu.memory_space<semaphore_mem>>, %arg12: memref<!tpu.dma_semaphore, #tpu.memory_space<semaphore_mem>>) attributes {dimension_semantics = [#tpu.dimension_semantics<core_parallel>, #tpu.dimension_semantics<subcore_parallel>], iteration_bounds = array<i64: 2, 16>, scalar_prefetch = 0 : i64, scratch_operands = 7 : i64, tpu.core_type = #tpu.core_type<sc_vector_subcore>, window_params = [{transform_indices = #map}, {transform_indices = #map}, {transform_indices = #map1}, {transform_indices = #map}]} {
    %mul3A = arith.constant 624 : i32
    %mul3A_0 = arith.muli %arg1, %mul3A : i32
    %multiple_of3A = tpu.assume_multiple %mul3A_0, 8 : i32
    "tpu.region"() ({
      %run_scoped3A = tpu.sem_alloc : memref<!tpu.dma_semaphore, #tpu.memory_space<semaphore_mem>>
      %dma_start3A_48 = arith.constant 0 : i32
      %dma_start3A_49 = tpu.memref_slice %arg10[%multiple_of3A, %dma_start3A_48] : memref<10240x128xf32, #tpu.memory_space<vmem_shared>> -> memref<624x128xf32, #tpu.memory_space<vmem_shared>>
      %dma_start3A_50 = arith.constant 0 : i32
      %dma_start3A_51 = tpu.memref_slice %arg4[%multiple_of3A, %dma_start3A_50] : memref<10000x128xf32, #tpu.memory_space<hbm>> -> memref<624x128xf32, #tpu.memory_space<hbm>>
      tpu.enqueue_dma source(%dma_start3A_51 : memref<624x128xf32, #tpu.memory_space<hbm>>) target(%dma_start3A_49 : memref<624x128xf32, #tpu.memory_space<vmem_shared>>) target_semaphore(%run_scoped3A : memref<!tpu.dma_semaphore, #tpu.memory_space<semaphore_mem>>)
      %dma_wait3A_52 = arith.constant 0 : i32
      %dma_wait3A_53 = tpu.memref_slice %arg10[%multiple_of3A, %dma_wait3A_52] : memref<10240x128xf32, #tpu.memory_space<vmem_shared>> -> memref<624x128xf32, #tpu.memory_space<vmem_shared>>
      %dma_wait3A_54 = arith.constant 0 : i32
      %dma_wait3A_55 = tpu.memref_slice %arg4[%multiple_of3A, %dma_wait3A_54] : memref<10000x128xf32, #tpu.memory_space<hbm>> -> memref<624x128xf32, #tpu.memory_space<hbm>>
      tpu.wait_dma2 semaphore(%run_scoped3A : memref<!tpu.dma_semaphore, #tpu.memory_space<semaphore_mem>>) src(%dma_wait3A_55 : memref<624x128xf32, #tpu.memory_space<hbm>>) dst(%dma_wait3A_53 : memref<624x128xf32, #tpu.memory_space<vmem_shared>>)
      tpu.yield
    }) : () -> ()
    %eq3A = arith.constant 0 : i32
    %eq3A_1 = arith.cmpi eq, %arg1, %eq3A : i32
    %convert_element_type3A = arith.extui %eq3A_1 : i1 to i32
    %cond3A = arith.constant 0 : i32
    %cond3A_2 = arith.cmpi ne, %convert_element_type3A, %cond3A : i32
    scf.if %cond3A_2 {
      "tpu.region"() ({
        %run_scoped3A = tpu.sem_alloc : memref<!tpu.dma_semaphore, #tpu.memory_space<semaphore_mem>>
        %dma_start3A_48 = arith.constant 9984 : i32
        %dma_start3A_49 = arith.constant 0 : i32
        %dma_start3A_50 = tpu.memref_slice %arg10[%dma_start3A_48, %dma_start3A_49] : memref<10240x128xf32, #tpu.memory_space<vmem_shared>> -> memref<16x128xf32, #tpu.memory_space<vmem_shared>>
        %dma_start3A_51 = arith.constant 9984 : i32
        %dma_start3A_52 = arith.constant 0 : i32
        %dma_start3A_53 = tpu.memref_slice %arg4[%dma_start3A_51, %dma_start3A_52] : memref<10000x128xf32, #tpu.memory_space<hbm>> -> memref<16x128xf32, #tpu.memory_space<hbm>>
        tpu.enqueue_dma source(%dma_start3A_53 : memref<16x128xf32, #tpu.memory_space<hbm>>) target(%dma_start3A_50 : memref<16x128xf32, #tpu.memory_space<vmem_shared>>) target_semaphore(%run_scoped3A : memref<!tpu.dma_semaphore, #tpu.memory_space<semaphore_mem>>)
        %dma_wait3A_54 = arith.constant 9984 : i32
        %dma_wait3A_55 = arith.constant 0 : i32
        %dma_wait3A_56 = tpu.memref_slice %arg10[%dma_wait3A_54, %dma_wait3A_55] : memref<10240x128xf32, #tpu.memory_space<vmem_shared>> -> memref<16x128xf32, #tpu.memory_space<vmem_shared>>
        %dma_wait3A_57 = arith.constant 9984 : i32
        %dma_wait3A_58 = arith.constant 0 : i32
        %dma_wait3A_59 = tpu.memref_slice %arg4[%dma_wait3A_57, %dma_wait3A_58] : memref<10000x128xf32, #tpu.memory_space<hbm>> -> memref<16x128xf32, #tpu.memory_space<hbm>>
        tpu.wait_dma2 semaphore(%run_scoped3A : memref<!tpu.dma_semaphore, #tpu.memory_space<semaphore_mem>>) src(%dma_wait3A_59 : memref<16x128xf32, #tpu.memory_space<hbm>>) dst(%dma_wait3A_56 : memref<16x128xf32, #tpu.memory_space<vmem_shared>>)
        tpu.yield
      }) : () -> ()
    } else {
    }
    %mul3A_3 = arith.constant 2 : i32
    %mul3A_4 = arith.muli %arg1, %mul3A_3 : i32
    %add3A = arith.addi %mul3A_4, %arg0 : i32
    %barrier3A = arith.constant 0 : index
    tpu.barrier barrier_id(%barrier3A)
    "tpu.region"() ({
      %run_scoped3A = tpu.sem_alloc : memref<!tpu.dma_semaphore, #tpu.memory_space<semaphore_mem>>
      %dma_start3A_48 = arith.constant 0 : i32
      %dma_start3A_49 = arith.constant 0 : i32
      %dma_start3A_50 = tpu.memref_slice %arg2[%add3A, %dma_start3A_48, %dma_start3A_49] : memref<32x80x128xi32, #tpu.memory_space<hbm>> -> memref<1x40x128xi32, #tpu.memory_space<hbm>>
      %dma_start3A_51 = tpu.memref_squeeze %dma_start3A_50 : memref<1x40x128xi32, #tpu.memory_space<hbm>> -> memref<40x128xi32, #tpu.memory_space<hbm>>
      %dma_start3A_52 = arith.constant 0 : i32
      %dma_start3A_53 = arith.constant 0 : i32
      %dma_start3A_54 = tpu.memref_slice %arg2[%add3A, %dma_start3A_52, %dma_start3A_53] : memref<32x80x128xi32, #tpu.memory_space<hbm>> -> memref<1x40x128xi32, #tpu.memory_space<hbm>>
      %dma_start3A_55 = tpu.memref_squeeze %dma_start3A_54 : memref<1x40x128xi32, #tpu.memory_space<hbm>> -> memref<40x128xi32, #tpu.memory_space<hbm>>
      tpu.enqueue_dma source(%dma_start3A_55 : memref<40x128xi32, #tpu.memory_space<hbm>>) target(%arg6 : memref<40x128xi32, #tpu.memory_space<vmem>>) target_semaphore(%run_scoped3A : memref<!tpu.dma_semaphore, #tpu.memory_space<semaphore_mem>>)
      %dma_wait3A_56 = arith.constant 0 : i32
      %dma_wait3A_57 = arith.constant 0 : i32
      %dma_wait3A_58 = tpu.memref_slice %arg2[%add3A, %dma_wait3A_56, %dma_wait3A_57] : memref<32x80x128xi32, #tpu.memory_space<hbm>> -> memref<1x40x128xi32, #tpu.memory_space<hbm>>
      %dma_wait3A_59 = tpu.memref_squeeze %dma_wait3A_58 : memref<1x40x128xi32, #tpu.memory_space<hbm>> -> memref<40x128xi32, #tpu.memory_space<hbm>>
      %dma_wait3A_60 = arith.constant 0 : i32
      %dma_wait3A_61 = arith.constant 0 : i32
      %dma_wait3A_62 = tpu.memref_slice %arg2[%add3A, %dma_wait3A_60, %dma_wait3A_61] : memref<32x80x128xi32, #tpu.memory_space<hbm>> -> memref<1x40x128xi32, #tpu.memory_space<hbm>>
      %dma_wait3A_63 = tpu.memref_squeeze %dma_wait3A_62 : memref<1x40x128xi32, #tpu.memory_space<hbm>> -> memref<40x128xi32, #tpu.memory_space<hbm>>
      tpu.wait_dma2 semaphore(%run_scoped3A : memref<!tpu.dma_semaphore, #tpu.memory_space<semaphore_mem>>) src(%dma_wait3A_63 : memref<40x128xi32, #tpu.memory_space<hbm>>) dst(%arg6 : memref<40x128xi32, #tpu.memory_space<vmem>>)
      tpu.yield
    }) : () -> ()
    "tpu.region"() ({
      %run_scoped3A = tpu.sem_alloc : memref<!tpu.dma_semaphore, #tpu.memory_space<semaphore_mem>>
      %dma_start3A_48 = arith.constant 0 : i32
      %dma_start3A_49 = arith.constant 0 : i32
      %dma_start3A_50 = tpu.memref_slice %arg3[%add3A, %dma_start3A_48, %dma_start3A_49] : memref<32x80x128xi32, #tpu.memory_space<hbm>> -> memref<1x40x128xi32, #tpu.memory_space<hbm>>
      %dma_start3A_51 = tpu.memref_squeeze %dma_start3A_50 : memref<1x40x128xi32, #tpu.memory_space<hbm>> -> memref<40x128xi32, #tpu.memory_space<hbm>>
      %dma_start3A_52 = arith.constant 0 : i32
      %dma_start3A_53 = arith.constant 0 : i32
      %dma_start3A_54 = tpu.memref_slice %arg3[%add3A, %dma_start3A_52, %dma_start3A_53] : memref<32x80x128xi32, #tpu.memory_space<hbm>> -> memref<1x40x128xi32, #tpu.memory_space<hbm>>
      %dma_start3A_55 = tpu.memref_squeeze %dma_start3A_54 : memref<1x40x128xi32, #tpu.memory_space<hbm>> -> memref<40x128xi32, #tpu.memory_space<hbm>>
      tpu.enqueue_dma source(%dma_start3A_55 : memref<40x128xi32, #tpu.memory_space<hbm>>) target(%arg7 : memref<40x128xi32, #tpu.memory_space<vmem>>) target_semaphore(%run_scoped3A : memref<!tpu.dma_semaphore, #tpu.memory_space<semaphore_mem>>)
      %dma_wait3A_56 = arith.constant 0 : i32
      %dma_wait3A_57 = arith.constant 0 : i32
      %dma_wait3A_58 = tpu.memref_slice %arg3[%add3A, %dma_wait3A_56, %dma_wait3A_57] : memref<32x80x128xi32, #tpu.memory_space<hbm>> -> memref<1x40x128xi32, #tpu.memory_space<hbm>>
      %dma_wait3A_59 = tpu.memref_squeeze %dma_wait3A_58 : memref<1x40x128xi32, #tpu.memory_space<hbm>> -> memref<40x128xi32, #tpu.memory_space<hbm>>
      %dma_wait3A_60 = arith.constant 0 : i32
      %dma_wait3A_61 = arith.constant 0 : i32
      %dma_wait3A_62 = tpu.memref_slice %arg3[%add3A, %dma_wait3A_60, %dma_wait3A_61] : memref<32x80x128xi32, #tpu.memory_space<hbm>> -> memref<1x40x128xi32, #tpu.memory_space<hbm>>
      %dma_wait3A_63 = tpu.memref_squeeze %dma_wait3A_62 : memref<1x40x128xi32, #tpu.memory_space<hbm>> -> memref<40x128xi32, #tpu.memory_space<hbm>>
      tpu.wait_dma2 semaphore(%run_scoped3A : memref<!tpu.dma_semaphore, #tpu.memory_space<semaphore_mem>>) src(%dma_wait3A_63 : memref<40x128xi32, #tpu.memory_space<hbm>>) dst(%arg7 : memref<40x128xi32, #tpu.memory_space<vmem>>)
      tpu.yield
    }) : () -> ()
    %dma_start3A = arith.constant 0 : i32
    %dma_start3A_5 = arith.constant 0 : i32
    %dma_start3A_6 = tpu.memref_slice %arg6[%dma_start3A, %dma_start3A_5] : memref<40x128xi32, #tpu.memory_space<vmem>> -> memref<1x128xi32, #tpu.memory_space<vmem>>
    %dma_start3A_7 = tpu.memref_squeeze %dma_start3A_6 : memref<1x128xi32, #tpu.memory_space<vmem>> -> memref<128xi32, #tpu.memory_space<vmem>>
    %dma_start3A_8 = arith.constant 0 : i32
    %dma_start3A_9 = arith.constant 0 : i32
    %dma_start3A_10 = tpu.memref_slice %arg4[%dma_start3A_8, %dma_start3A_9] : memref<10000x128xf32, #tpu.memory_space<hbm>> -> memref<10000x128xf32, #tpu.memory_space<hbm>>
    tpu.enqueue_indirect_dma source(%dma_start3A_10 : memref<10000x128xf32, #tpu.memory_space<hbm>>) target(%arg8 : memref<128x128xf32, #tpu.memory_space<vmem>>) offsets(%dma_start3A_7 : memref<128xi32, #tpu.memory_space<vmem>>) semaphore(%arg11 : memref<!tpu.dma_semaphore, #tpu.memory_space<semaphore_mem>>)
    %scan3A = arith.constant 0 : i32
    %scan3A_11 = arith.constant 0 : i32
    %scan3A_12 = arith.constant 20 : i32
    %scan3A_13 = arith.addi %scan3A_11, %scan3A_12 : i32
    %scan3A_14 = arith.constant 1 : i32
    scf.for %scan3A_48 = %scan3A_11 to %scan3A_13 step %scan3A_14  : i32 {
      %mul3A_49 = arith.constant 2 : i32
      %mul3A_50 = arith.muli %mul3A_49, %scan3A_48 : i32
      %add3A_51 = arith.constant 1 : i32
      %add3A_52 = arith.addi %mul3A_50, %add3A_51 : i32
      %dma_start3A_53 = arith.constant 0 : i32
      %dma_start3A_54 = tpu.memref_slice %arg6[%add3A_52, %dma_start3A_53] : memref<40x128xi32, #tpu.memory_space<vmem>> -> memref<1x128xi32, #tpu.memory_space<vmem>>
      %dma_start3A_55 = tpu.memref_squeeze %dma_start3A_54 : memref<1x128xi32, #tpu.memory_space<vmem>> -> memref<128xi32, #tpu.memory_space<vmem>>
      %dma_start3A_56 = arith.constant 0 : i32
      %dma_start3A_57 = arith.constant 0 : i32
      %dma_start3A_58 = tpu.memref_slice %arg4[%dma_start3A_56, %dma_start3A_57] : memref<10000x128xf32, #tpu.memory_space<hbm>> -> memref<10000x128xf32, #tpu.memory_space<hbm>>
      tpu.enqueue_indirect_dma source(%dma_start3A_58 : memref<10000x128xf32, #tpu.memory_space<hbm>>) target(%arg9 : memref<128x128xf32, #tpu.memory_space<vmem>>) offsets(%dma_start3A_55 : memref<128xi32, #tpu.memory_space<vmem>>) semaphore(%arg12 : memref<!tpu.dma_semaphore, #tpu.memory_space<semaphore_mem>>)
      %dma_wait3A_59 = arith.constant 0 : i32
      %dma_wait3A_60 = tpu.memref_slice %arg6[%mul3A_50, %dma_wait3A_59] : memref<40x128xi32, #tpu.memory_space<vmem>> -> memref<1x128xi32, #tpu.memory_space<vmem>>
      %dma_wait3A_61 = tpu.memref_squeeze %dma_wait3A_60 : memref<1x128xi32, #tpu.memory_space<vmem>> -> memref<128xi32, #tpu.memory_space<vmem>>
      %dma_wait3A_62 = arith.constant 0 : i32
      %dma_wait3A_63 = arith.constant 0 : i32
      %dma_wait3A_64 = tpu.memref_slice %arg4[%dma_wait3A_62, %dma_wait3A_63] : memref<10000x128xf32, #tpu.memory_space<hbm>> -> memref<10000x128xf32, #tpu.memory_space<hbm>>
      tpu.wait_indirect_dma semaphore(%arg11 : memref<!tpu.dma_semaphore, #tpu.memory_space<semaphore_mem>>) src(%dma_wait3A_64 : memref<10000x128xf32, #tpu.memory_space<hbm>>) dst(%arg8 : memref<128x128xf32, #tpu.memory_space<vmem>>)
      "tpu.region"() ({
        %run_scoped3A = tpu.sem_alloc : memref<!tpu.dma_semaphore, #tpu.memory_space<semaphore_mem>>
        %dma_start3A_93 = arith.constant 0 : i32
        %dma_start3A_94 = tpu.memref_slice %arg7[%mul3A_50, %dma_start3A_93] : memref<40x128xi32, #tpu.memory_space<vmem>> -> memref<1x128xi32, #tpu.memory_space<vmem>>
        %dma_start3A_95 = tpu.memref_squeeze %dma_start3A_94 : memref<1x128xi32, #tpu.memory_space<vmem>> -> memref<128xi32, #tpu.memory_space<vmem>>
        %dma_start3A_96 = arith.constant 0 : i32
        %dma_start3A_97 = arith.constant 0 : i32
        %dma_start3A_98 = tpu.memref_slice %arg10[%dma_start3A_96, %dma_start3A_97] : memref<10240x128xf32, #tpu.memory_space<vmem_shared>> -> memref<10240x128xf32, #tpu.memory_space<vmem_shared>>
        tpu.enqueue_indirect_dma source(%arg8 : memref<128x128xf32, #tpu.memory_space<vmem>>) target(%dma_start3A_98 : memref<10240x128xf32, #tpu.memory_space<vmem_shared>>) offsets(%dma_start3A_95 : memref<128xi32, #tpu.memory_space<vmem>>) semaphore(%run_scoped3A : memref<!tpu.dma_semaphore, #tpu.memory_space<semaphore_mem>>) {add = true}
        %dma_wait3A_99 = arith.constant 0 : i32
        %dma_wait3A_100 = tpu.memref_slice %arg7[%mul3A_50, %dma_wait3A_99] : memref<40x128xi32, #tpu.memory_space<vmem>> -> memref<1x128xi32, #tpu.memory_space<vmem>>
        %dma_wait3A_101 = tpu.memref_squeeze %dma_wait3A_100 : memref<1x128xi32, #tpu.memory_space<vmem>> -> memref<128xi32, #tpu.memory_space<vmem>>
        %dma_wait3A_102 = arith.constant 0 : i32
        %dma_wait3A_103 = arith.constant 0 : i32
        %dma_wait3A_104 = tpu.memref_slice %arg10[%dma_wait3A_102, %dma_wait3A_103] : memref<10240x128xf32, #tpu.memory_space<vmem_shared>> -> memref<10240x128xf32, #tpu.memory_space<vmem_shared>>
        tpu.wait_indirect_dma semaphore(%run_scoped3A : memref<!tpu.dma_semaphore, #tpu.memory_space<semaphore_mem>>) src(%arg8 : memref<128x128xf32, #tpu.memory_space<vmem>>) dst(%dma_wait3A_104 : memref<10240x128xf32, #tpu.memory_space<vmem_shared>>)
        tpu.yield
      }) : () -> ()
      %add3A_65 = arith.constant 2 : i32
      %add3A_66 = arith.addi %mul3A_50, %add3A_65 : i32
      %jit3A = arith.constant 40 : i32
      %eq3A_67 = arith.constant 0 : i32
      %eq3A_68 = arith.cmpi eq, %jit3A, %eq3A_67 : i32
      %jit3A_69 = arith.constant 1 : i32
      %select_n3A = arith.select %eq3A_68, %jit3A_69, %jit3A : i32
      %rem3A = arith.remsi %add3A_66, %select_n3A : i32
      %ne3A = arith.constant 0 : i32
      %ne3A_70 = arith.cmpi ne, %rem3A, %ne3A : i32
      %lt3A = arith.constant 0 : i32
      %lt3A_71 = arith.cmpi slt, %rem3A, %lt3A : i32
      %lt3A_72 = arith.constant 0 : i32
      %lt3A_73 = arith.cmpi slt, %select_n3A, %lt3A_72 : i32
      %ne3A_74 = arith.xori %lt3A_71, %lt3A_73 : i1
      %and3A = arith.andi %ne3A_74, %ne3A_70 : i1
      %add3A_75 = arith.addi %rem3A, %select_n3A : i32
      %select_n3A_76 = arith.select %and3A, %add3A_75, %rem3A : i32
      %dma_start3A_77 = arith.constant 0 : i32
      %dma_start3A_78 = tpu.memref_slice %arg6[%select_n3A_76, %dma_start3A_77] : memref<40x128xi32, #tpu.memory_space<vmem>> -> memref<1x128xi32, #tpu.memory_space<vmem>>
      %dma_start3A_79 = tpu.memref_squeeze %dma_start3A_78 : memref<1x128xi32, #tpu.memory_space<vmem>> -> memref<128xi32, #tpu.memory_space<vmem>>
      %dma_start3A_80 = arith.constant 0 : i32
      %dma_start3A_81 = arith.constant 0 : i32
      %dma_start3A_82 = tpu.memref_slice %arg4[%dma_start3A_80, %dma_start3A_81] : memref<10000x128xf32, #tpu.memory_space<hbm>> -> memref<10000x128xf32, #tpu.memory_space<hbm>>
      tpu.enqueue_indirect_dma source(%dma_start3A_82 : memref<10000x128xf32, #tpu.memory_space<hbm>>) target(%arg8 : memref<128x128xf32, #tpu.memory_space<vmem>>) offsets(%dma_start3A_79 : memref<128xi32, #tpu.memory_space<vmem>>) semaphore(%arg11 : memref<!tpu.dma_semaphore, #tpu.memory_space<semaphore_mem>>)
      %add3A_83 = arith.constant 1 : i32
      %add3A_84 = arith.addi %mul3A_50, %add3A_83 : i32
      %dma_wait3A_85 = arith.constant 0 : i32
      %dma_wait3A_86 = tpu.memref_slice %arg6[%add3A_84, %dma_wait3A_85] : memref<40x128xi32, #tpu.memory_space<vmem>> -> memref<1x128xi32, #tpu.memory_space<vmem>>
      %dma_wait3A_87 = tpu.memref_squeeze %dma_wait3A_86 : memref<1x128xi32, #tpu.memory_space<vmem>> -> memref<128xi32, #tpu.memory_space<vmem>>
      %dma_wait3A_88 = arith.constant 0 : i32
      %dma_wait3A_89 = arith.constant 0 : i32
      %dma_wait3A_90 = tpu.memref_slice %arg4[%dma_wait3A_88, %dma_wait3A_89] : memref<10000x128xf32, #tpu.memory_space<hbm>> -> memref<10000x128xf32, #tpu.memory_space<hbm>>
      tpu.wait_indirect_dma semaphore(%arg12 : memref<!tpu.dma_semaphore, #tpu.memory_space<semaphore_mem>>) src(%dma_wait3A_90 : memref<10000x128xf32, #tpu.memory_space<hbm>>) dst(%arg9 : memref<128x128xf32, #tpu.memory_space<vmem>>)
      %add3A_91 = arith.constant 1 : i32
      %add3A_92 = arith.addi %mul3A_50, %add3A_91 : i32
      "tpu.region"() ({
        %run_scoped3A = tpu.sem_alloc : memref<!tpu.dma_semaphore, #tpu.memory_space<semaphore_mem>>
        %dma_start3A_93 = arith.constant 0 : i32
        %dma_start3A_94 = tpu.memref_slice %arg7[%add3A_92, %dma_start3A_93] : memref<40x128xi32, #tpu.memory_space<vmem>> -> memref<1x128xi32, #tpu.memory_space<vmem>>
        %dma_start3A_95 = tpu.memref_squeeze %dma_start3A_94 : memref<1x128xi32, #tpu.memory_space<vmem>> -> memref<128xi32, #tpu.memory_space<vmem>>
        %dma_start3A_96 = arith.constant 0 : i32
        %dma_start3A_97 = arith.constant 0 : i32
        %dma_start3A_98 = tpu.memref_slice %arg10[%dma_start3A_96, %dma_start3A_97] : memref<10240x128xf32, #tpu.memory_space<vmem_shared>> -> memref<10240x128xf32, #tpu.memory_space<vmem_shared>>
        tpu.enqueue_indirect_dma source(%arg9 : memref<128x128xf32, #tpu.memory_space<vmem>>) target(%dma_start3A_98 : memref<10240x128xf32, #tpu.memory_space<vmem_shared>>) offsets(%dma_start3A_95 : memref<128xi32, #tpu.memory_space<vmem>>) semaphore(%run_scoped3A : memref<!tpu.dma_semaphore, #tpu.memory_space<semaphore_mem>>) {add = true}
        %dma_wait3A_99 = arith.constant 0 : i32
        %dma_wait3A_100 = tpu.memref_slice %arg7[%add3A_92, %dma_wait3A_99] : memref<40x128xi32, #tpu.memory_space<vmem>> -> memref<1x128xi32, #tpu.memory_space<vmem>>
        %dma_wait3A_101 = tpu.memref_squeeze %dma_wait3A_100 : memref<1x128xi32, #tpu.memory_space<vmem>> -> memref<128xi32, #tpu.memory_space<vmem>>
        %dma_wait3A_102 = arith.constant 0 : i32
        %dma_wait3A_103 = arith.constant 0 : i32
        %dma_wait3A_104 = tpu.memref_slice %arg10[%dma_wait3A_102, %dma_wait3A_103] : memref<10240x128xf32, #tpu.memory_space<vmem_shared>> -> memref<10240x128xf32, #tpu.memory_space<vmem_shared>>
        tpu.wait_indirect_dma semaphore(%run_scoped3A : memref<!tpu.dma_semaphore, #tpu.memory_space<semaphore_mem>>) src(%arg9 : memref<128x128xf32, #tpu.memory_space<vmem>>) dst(%dma_wait3A_104 : memref<10240x128xf32, #tpu.memory_space<vmem_shared>>)
        tpu.yield
      }) : () -> ()
    }
    %scan3A_15 = arith.constant 20 : i32
    %dma_wait3A = arith.constant 0 : i32
    %dma_wait3A_16 = arith.constant 0 : i32
    %dma_wait3A_17 = tpu.memref_slice %arg6[%dma_wait3A, %dma_wait3A_16] : memref<40x128xi32, #tpu.memory_space<vmem>> -> memref<1x128xi32, #tpu.memory_space<vmem>>
    %dma_wait3A_18 = tpu.memref_squeeze %dma_wait3A_17 : memref<1x128xi32, #tpu.memory_space<vmem>> -> memref<128xi32, #tpu.memory_space<vmem>>
    %dma_wait3A_19 = arith.constant 0 : i32
    %dma_wait3A_20 = arith.constant 0 : i32
    %dma_wait3A_21 = tpu.memref_slice %arg4[%dma_wait3A_19, %dma_wait3A_20] : memref<10000x128xf32, #tpu.memory_space<hbm>> -> memref<10000x128xf32, #tpu.memory_space<hbm>>
    tpu.wait_indirect_dma semaphore(%arg11 : memref<!tpu.dma_semaphore, #tpu.memory_space<semaphore_mem>>) src(%dma_wait3A_21 : memref<10000x128xf32, #tpu.memory_space<hbm>>) dst(%arg8 : memref<128x128xf32, #tpu.memory_space<vmem>>)
    "tpu.region"() ({
      %run_scoped3A = tpu.sem_alloc : memref<!tpu.dma_semaphore, #tpu.memory_space<semaphore_mem>>
      %dma_start3A_48 = arith.constant 40 : i32
      %dma_start3A_49 = arith.constant 0 : i32
      %dma_start3A_50 = tpu.memref_slice %arg2[%add3A, %dma_start3A_48, %dma_start3A_49] : memref<32x80x128xi32, #tpu.memory_space<hbm>> -> memref<1x40x128xi32, #tpu.memory_space<hbm>>
      %dma_start3A_51 = tpu.memref_squeeze %dma_start3A_50 : memref<1x40x128xi32, #tpu.memory_space<hbm>> -> memref<40x128xi32, #tpu.memory_space<hbm>>
      %dma_start3A_52 = arith.constant 40 : i32
      %dma_start3A_53 = arith.constant 0 : i32
      %dma_start3A_54 = tpu.memref_slice %arg2[%add3A, %dma_start3A_52, %dma_start3A_53] : memref<32x80x128xi32, #tpu.memory_space<hbm>> -> memref<1x40x128xi32, #tpu.memory_space<hbm>>
      %dma_start3A_55 = tpu.memref_squeeze %dma_start3A_54 : memref<1x40x128xi32, #tpu.memory_space<hbm>> -> memref<40x128xi32, #tpu.memory_space<hbm>>
      tpu.enqueue_dma source(%dma_start3A_55 : memref<40x128xi32, #tpu.memory_space<hbm>>) target(%arg6 : memref<40x128xi32, #tpu.memory_space<vmem>>) target_semaphore(%run_scoped3A : memref<!tpu.dma_semaphore, #tpu.memory_space<semaphore_mem>>)
      %dma_wait3A_56 = arith.constant 40 : i32
      %dma_wait3A_57 = arith.constant 0 : i32
      %dma_wait3A_58 = tpu.memref_slice %arg2[%add3A, %dma_wait3A_56, %dma_wait3A_57] : memref<32x80x128xi32, #tpu.memory_space<hbm>> -> memref<1x40x128xi32, #tpu.memory_space<hbm>>
      %dma_wait3A_59 = tpu.memref_squeeze %dma_wait3A_58 : memref<1x40x128xi32, #tpu.memory_space<hbm>> -> memref<40x128xi32, #tpu.memory_space<hbm>>
      %dma_wait3A_60 = arith.constant 40 : i32
      %dma_wait3A_61 = arith.constant 0 : i32
      %dma_wait3A_62 = tpu.memref_slice %arg2[%add3A, %dma_wait3A_60, %dma_wait3A_61] : memref<32x80x128xi32, #tpu.memory_space<hbm>> -> memref<1x40x128xi32, #tpu.memory_space<hbm>>
      %dma_wait3A_63 = tpu.memref_squeeze %dma_wait3A_62 : memref<1x40x128xi32, #tpu.memory_space<hbm>> -> memref<40x128xi32, #tpu.memory_space<hbm>>
      tpu.wait_dma2 semaphore(%run_scoped3A : memref<!tpu.dma_semaphore, #tpu.memory_space<semaphore_mem>>) src(%dma_wait3A_63 : memref<40x128xi32, #tpu.memory_space<hbm>>) dst(%arg6 : memref<40x128xi32, #tpu.memory_space<vmem>>)
      tpu.yield
    }) : () -> ()
    "tpu.region"() ({
      %run_scoped3A = tpu.sem_alloc : memref<!tpu.dma_semaphore, #tpu.memory_space<semaphore_mem>>
      %dma_start3A_48 = arith.constant 40 : i32
      %dma_start3A_49 = arith.constant 0 : i32
      %dma_start3A_50 = tpu.memref_slice %arg3[%add3A, %dma_start3A_48, %dma_start3A_49] : memref<32x80x128xi32, #tpu.memory_space<hbm>> -> memref<1x40x128xi32, #tpu.memory_space<hbm>>
      %dma_start3A_51 = tpu.memref_squeeze %dma_start3A_50 : memref<1x40x128xi32, #tpu.memory_space<hbm>> -> memref<40x128xi32, #tpu.memory_space<hbm>>
      %dma_start3A_52 = arith.constant 40 : i32
      %dma_start3A_53 = arith.constant 0 : i32
      %dma_start3A_54 = tpu.memref_slice %arg3[%add3A, %dma_start3A_52, %dma_start3A_53] : memref<32x80x128xi32, #tpu.memory_space<hbm>> -> memref<1x40x128xi32, #tpu.memory_space<hbm>>
      %dma_start3A_55 = tpu.memref_squeeze %dma_start3A_54 : memref<1x40x128xi32, #tpu.memory_space<hbm>> -> memref<40x128xi32, #tpu.memory_space<hbm>>
      tpu.enqueue_dma source(%dma_start3A_55 : memref<40x128xi32, #tpu.memory_space<hbm>>) target(%arg7 : memref<40x128xi32, #tpu.memory_space<vmem>>) target_semaphore(%run_scoped3A : memref<!tpu.dma_semaphore, #tpu.memory_space<semaphore_mem>>)
      %dma_wait3A_56 = arith.constant 40 : i32
      %dma_wait3A_57 = arith.constant 0 : i32
      %dma_wait3A_58 = tpu.memref_slice %arg3[%add3A, %dma_wait3A_56, %dma_wait3A_57] : memref<32x80x128xi32, #tpu.memory_space<hbm>> -> memref<1x40x128xi32, #tpu.memory_space<hbm>>
      %dma_wait3A_59 = tpu.memref_squeeze %dma_wait3A_58 : memref<1x40x128xi32, #tpu.memory_space<hbm>> -> memref<40x128xi32, #tpu.memory_space<hbm>>
      %dma_wait3A_60 = arith.constant 40 : i32
      %dma_wait3A_61 = arith.constant 0 : i32
      %dma_wait3A_62 = tpu.memref_slice %arg3[%add3A, %dma_wait3A_60, %dma_wait3A_61] : memref<32x80x128xi32, #tpu.memory_space<hbm>> -> memref<1x40x128xi32, #tpu.memory_space<hbm>>
      %dma_wait3A_63 = tpu.memref_squeeze %dma_wait3A_62 : memref<1x40x128xi32, #tpu.memory_space<hbm>> -> memref<40x128xi32, #tpu.memory_space<hbm>>
      tpu.wait_dma2 semaphore(%run_scoped3A : memref<!tpu.dma_semaphore, #tpu.memory_space<semaphore_mem>>) src(%dma_wait3A_63 : memref<40x128xi32, #tpu.memory_space<hbm>>) dst(%arg7 : memref<40x128xi32, #tpu.memory_space<vmem>>)
      tpu.yield
    }) : () -> ()
    %dma_start3A_22 = arith.constant 0 : i32
    %dma_start3A_23 = arith.constant 0 : i32
    %dma_start3A_24 = tpu.memref_slice %arg6[%dma_start3A_22, %dma_start3A_23] : memref<40x128xi32, #tpu.memory_space<vmem>> -> memref<1x128xi32, #tpu.memory_space<vmem>>
    %dma_start3A_25 = tpu.memref_squeeze %dma_start3A_24 : memref<1x128xi32, #tpu.memory_space<vmem>> -> memref<128xi32, #tpu.memory_space<vmem>>
    %dma_start3A_26 = arith.constant 0 : i32
    %dma_start3A_27 = arith.constant 0 : i32
    %dma_start3A_28 = tpu.memref_slice %arg4[%dma_start3A_26, %dma_start3A_27] : memref<10000x128xf32, #tpu.memory_space<hbm>> -> memref<10000x128xf32, #tpu.memory_space<hbm>>
    tpu.enqueue_indirect_dma source(%dma_start3A_28 : memref<10000x128xf32, #tpu.memory_space<hbm>>) target(%arg8 : memref<128x128xf32, #tpu.memory_space<vmem>>) offsets(%dma_start3A_25 : memref<128xi32, #tpu.memory_space<vmem>>) semaphore(%arg11 : memref<!tpu.dma_semaphore, #tpu.memory_space<semaphore_mem>>)
    %scan3A_29 = arith.constant 0 : i32
    %scan3A_30 = arith.constant 0 : i32
    %scan3A_31 = arith.constant 20 : i32
    %scan3A_32 = arith.addi %scan3A_30, %scan3A_31 : i32
    %scan3A_33 = arith.constant 1 : i32
    scf.for %scan3A_48 = %scan3A_30 to %scan3A_32 step %scan3A_33  : i32 {
      %mul3A_49 = arith.constant 2 : i32
      %mul3A_50 = arith.muli %mul3A_49, %scan3A_48 : i32
      %add3A_51 = arith.constant 1 : i32
      %add3A_52 = arith.addi %mul3A_50, %add3A_51 : i32
      %dma_start3A_53 = arith.constant 0 : i32
      %dma_start3A_54 = tpu.memref_slice %arg6[%add3A_52, %dma_start3A_53] : memref<40x128xi32, #tpu.memory_space<vmem>> -> memref<1x128xi32, #tpu.memory_space<vmem>>
      %dma_start3A_55 = tpu.memref_squeeze %dma_start3A_54 : memref<1x128xi32, #tpu.memory_space<vmem>> -> memref<128xi32, #tpu.memory_space<vmem>>
      %dma_start3A_56 = arith.constant 0 : i32
      %dma_start3A_57 = arith.constant 0 : i32
      %dma_start3A_58 = tpu.memref_slice %arg4[%dma_start3A_56, %dma_start3A_57] : memref<10000x128xf32, #tpu.memory_space<hbm>> -> memref<10000x128xf32, #tpu.memory_space<hbm>>
      tpu.enqueue_indirect_dma source(%dma_start3A_58 : memref<10000x128xf32, #tpu.memory_space<hbm>>) target(%arg9 : memref<128x128xf32, #tpu.memory_space<vmem>>) offsets(%dma_start3A_55 : memref<128xi32, #tpu.memory_space<vmem>>) semaphore(%arg12 : memref<!tpu.dma_semaphore, #tpu.memory_space<semaphore_mem>>)
      %dma_wait3A_59 = arith.constant 0 : i32
      %dma_wait3A_60 = tpu.memref_slice %arg6[%mul3A_50, %dma_wait3A_59] : memref<40x128xi32, #tpu.memory_space<vmem>> -> memref<1x128xi32, #tpu.memory_space<vmem>>
      %dma_wait3A_61 = tpu.memref_squeeze %dma_wait3A_60 : memref<1x128xi32, #tpu.memory_space<vmem>> -> memref<128xi32, #tpu.memory_space<vmem>>
      %dma_wait3A_62 = arith.constant 0 : i32
      %dma_wait3A_63 = arith.constant 0 : i32
      %dma_wait3A_64 = tpu.memref_slice %arg4[%dma_wait3A_62, %dma_wait3A_63] : memref<10000x128xf32, #tpu.memory_space<hbm>> -> memref<10000x128xf32, #tpu.memory_space<hbm>>
      tpu.wait_indirect_dma semaphore(%arg11 : memref<!tpu.dma_semaphore, #tpu.memory_space<semaphore_mem>>) src(%dma_wait3A_64 : memref<10000x128xf32, #tpu.memory_space<hbm>>) dst(%arg8 : memref<128x128xf32, #tpu.memory_space<vmem>>)
      "tpu.region"() ({
        %run_scoped3A = tpu.sem_alloc : memref<!tpu.dma_semaphore, #tpu.memory_space<semaphore_mem>>
        %dma_start3A_93 = arith.constant 0 : i32
        %dma_start3A_94 = tpu.memref_slice %arg7[%mul3A_50, %dma_start3A_93] : memref<40x128xi32, #tpu.memory_space<vmem>> -> memref<1x128xi32, #tpu.memory_space<vmem>>
        %dma_start3A_95 = tpu.memref_squeeze %dma_start3A_94 : memref<1x128xi32, #tpu.memory_space<vmem>> -> memref<128xi32, #tpu.memory_space<vmem>>
        %dma_start3A_96 = arith.constant 0 : i32
        %dma_start3A_97 = arith.constant 0 : i32
        %dma_start3A_98 = tpu.memref_slice %arg10[%dma_start3A_96, %dma_start3A_97] : memref<10240x128xf32, #tpu.memory_space<vmem_shared>> -> memref<10240x128xf32, #tpu.memory_space<vmem_shared>>
        tpu.enqueue_indirect_dma source(%arg8 : memref<128x128xf32, #tpu.memory_space<vmem>>) target(%dma_start3A_98 : memref<10240x128xf32, #tpu.memory_space<vmem_shared>>) offsets(%dma_start3A_95 : memref<128xi32, #tpu.memory_space<vmem>>) semaphore(%run_scoped3A : memref<!tpu.dma_semaphore, #tpu.memory_space<semaphore_mem>>) {add = true}
        %dma_wait3A_99 = arith.constant 0 : i32
        %dma_wait3A_100 = tpu.memref_slice %arg7[%mul3A_50, %dma_wait3A_99] : memref<40x128xi32, #tpu.memory_space<vmem>> -> memref<1x128xi32, #tpu.memory_space<vmem>>
        %dma_wait3A_101 = tpu.memref_squeeze %dma_wait3A_100 : memref<1x128xi32, #tpu.memory_space<vmem>> -> memref<128xi32, #tpu.memory_space<vmem>>
        %dma_wait3A_102 = arith.constant 0 : i32
        %dma_wait3A_103 = arith.constant 0 : i32
        %dma_wait3A_104 = tpu.memref_slice %arg10[%dma_wait3A_102, %dma_wait3A_103] : memref<10240x128xf32, #tpu.memory_space<vmem_shared>> -> memref<10240x128xf32, #tpu.memory_space<vmem_shared>>
        tpu.wait_indirect_dma semaphore(%run_scoped3A : memref<!tpu.dma_semaphore, #tpu.memory_space<semaphore_mem>>) src(%arg8 : memref<128x128xf32, #tpu.memory_space<vmem>>) dst(%dma_wait3A_104 : memref<10240x128xf32, #tpu.memory_space<vmem_shared>>)
        tpu.yield
      }) : () -> ()
      %add3A_65 = arith.constant 2 : i32
      %add3A_66 = arith.addi %mul3A_50, %add3A_65 : i32
      %jit3A = arith.constant 40 : i32
      %eq3A_67 = arith.constant 0 : i32
      %eq3A_68 = arith.cmpi eq, %jit3A, %eq3A_67 : i32
      %jit3A_69 = arith.constant 1 : i32
      %select_n3A = arith.select %eq3A_68, %jit3A_69, %jit3A : i32
      %rem3A = arith.remsi %add3A_66, %select_n3A : i32
      %ne3A = arith.constant 0 : i32
      %ne3A_70 = arith.cmpi ne, %rem3A, %ne3A : i32
      %lt3A = arith.constant 0 : i32
      %lt3A_71 = arith.cmpi slt, %rem3A, %lt3A : i32
      %lt3A_72 = arith.constant 0 : i32
      %lt3A_73 = arith.cmpi slt, %select_n3A, %lt3A_72 : i32
      %ne3A_74 = arith.xori %lt3A_71, %lt3A_73 : i1
      %and3A = arith.andi %ne3A_74, %ne3A_70 : i1
      %add3A_75 = arith.addi %rem3A, %select_n3A : i32
      %select_n3A_76 = arith.select %and3A, %add3A_75, %rem3A : i32
      %dma_start3A_77 = arith.constant 0 : i32
      %dma_start3A_78 = tpu.memref_slice %arg6[%select_n3A_76, %dma_start3A_77] : memref<40x128xi32, #tpu.memory_space<vmem>> -> memref<1x128xi32, #tpu.memory_space<vmem>>
      %dma_start3A_79 = tpu.memref_squeeze %dma_start3A_78 : memref<1x128xi32, #tpu.memory_space<vmem>> -> memref<128xi32, #tpu.memory_space<vmem>>
      %dma_start3A_80 = arith.constant 0 : i32
      %dma_start3A_81 = arith.constant 0 : i32
      %dma_start3A_82 = tpu.memref_slice %arg4[%dma_start3A_80, %dma_start3A_81] : memref<10000x128xf32, #tpu.memory_space<hbm>> -> memref<10000x128xf32, #tpu.memory_space<hbm>>
      tpu.enqueue_indirect_dma source(%dma_start3A_82 : memref<10000x128xf32, #tpu.memory_space<hbm>>) target(%arg8 : memref<128x128xf32, #tpu.memory_space<vmem>>) offsets(%dma_start3A_79 : memref<128xi32, #tpu.memory_space<vmem>>) semaphore(%arg11 : memref<!tpu.dma_semaphore, #tpu.memory_space<semaphore_mem>>)
      %add3A_83 = arith.constant 1 : i32
      %add3A_84 = arith.addi %mul3A_50, %add3A_83 : i32
      %dma_wait3A_85 = arith.constant 0 : i32
      %dma_wait3A_86 = tpu.memref_slice %arg6[%add3A_84, %dma_wait3A_85] : memref<40x128xi32, #tpu.memory_space<vmem>> -> memref<1x128xi32, #tpu.memory_space<vmem>>
      %dma_wait3A_87 = tpu.memref_squeeze %dma_wait3A_86 : memref<1x128xi32, #tpu.memory_space<vmem>> -> memref<128xi32, #tpu.memory_space<vmem>>
      %dma_wait3A_88 = arith.constant 0 : i32
      %dma_wait3A_89 = arith.constant 0 : i32
      %dma_wait3A_90 = tpu.memref_slice %arg4[%dma_wait3A_88, %dma_wait3A_89] : memref<10000x128xf32, #tpu.memory_space<hbm>> -> memref<10000x128xf32, #tpu.memory_space<hbm>>
      tpu.wait_indirect_dma semaphore(%arg12 : memref<!tpu.dma_semaphore, #tpu.memory_space<semaphore_mem>>) src(%dma_wait3A_90 : memref<10000x128xf32, #tpu.memory_space<hbm>>) dst(%arg9 : memref<128x128xf32, #tpu.memory_space<vmem>>)
      %add3A_91 = arith.constant 1 : i32
      %add3A_92 = arith.addi %mul3A_50, %add3A_91 : i32
      "tpu.region"() ({
        %run_scoped3A = tpu.sem_alloc : memref<!tpu.dma_semaphore, #tpu.memory_space<semaphore_mem>>
        %dma_start3A_93 = arith.constant 0 : i32
        %dma_start3A_94 = tpu.memref_slice %arg7[%add3A_92, %dma_start3A_93] : memref<40x128xi32, #tpu.memory_space<vmem>> -> memref<1x128xi32, #tpu.memory_space<vmem>>
        %dma_start3A_95 = tpu.memref_squeeze %dma_start3A_94 : memref<1x128xi32, #tpu.memory_space<vmem>> -> memref<128xi32, #tpu.memory_space<vmem>>
        %dma_start3A_96 = arith.constant 0 : i32
        %dma_start3A_97 = arith.constant 0 : i32
        %dma_start3A_98 = tpu.memref_slice %arg10[%dma_start3A_96, %dma_start3A_97] : memref<10240x128xf32, #tpu.memory_space<vmem_shared>> -> memref<10240x128xf32, #tpu.memory_space<vmem_shared>>
        tpu.enqueue_indirect_dma source(%arg9 : memref<128x128xf32, #tpu.memory_space<vmem>>) target(%dma_start3A_98 : memref<10240x128xf32, #tpu.memory_space<vmem_shared>>) offsets(%dma_start3A_95 : memref<128xi32, #tpu.memory_space<vmem>>) semaphore(%run_scoped3A : memref<!tpu.dma_semaphore, #tpu.memory_space<semaphore_mem>>) {add = true}
        %dma_wait3A_99 = arith.constant 0 : i32
        %dma_wait3A_100 = tpu.memref_slice %arg7[%add3A_92, %dma_wait3A_99] : memref<40x128xi32, #tpu.memory_space<vmem>> -> memref<1x128xi32, #tpu.memory_space<vmem>>
        %dma_wait3A_101 = tpu.memref_squeeze %dma_wait3A_100 : memref<1x128xi32, #tpu.memory_space<vmem>> -> memref<128xi32, #tpu.memory_space<vmem>>
        %dma_wait3A_102 = arith.constant 0 : i32
        %dma_wait3A_103 = arith.constant 0 : i32
        %dma_wait3A_104 = tpu.memref_slice %arg10[%dma_wait3A_102, %dma_wait3A_103] : memref<10240x128xf32, #tpu.memory_space<vmem_shared>> -> memref<10240x128xf32, #tpu.memory_space<vmem_shared>>
        tpu.wait_indirect_dma semaphore(%run_scoped3A : memref<!tpu.dma_semaphore, #tpu.memory_space<semaphore_mem>>) src(%arg9 : memref<128x128xf32, #tpu.memory_space<vmem>>) dst(%dma_wait3A_104 : memref<10240x128xf32, #tpu.memory_space<vmem_shared>>)
        tpu.yield
      }) : () -> ()
    }
    %scan3A_34 = arith.constant 20 : i32
    %dma_wait3A_35 = arith.constant 0 : i32
    %dma_wait3A_36 = arith.constant 0 : i32
    %dma_wait3A_37 = tpu.memref_slice %arg6[%dma_wait3A_35, %dma_wait3A_36] : memref<40x128xi32, #tpu.memory_space<vmem>> -> memref<1x128xi32, #tpu.memory_space<vmem>>
    %dma_wait3A_38 = tpu.memref_squeeze %dma_wait3A_37 : memref<1x128xi32, #tpu.memory_space<vmem>> -> memref<128xi32, #tpu.memory_space<vmem>>
    %dma_wait3A_39 = arith.constant 0 : i32
    %dma_wait3A_40 = arith.constant 0 : i32
    %dma_wait3A_41 = tpu.memref_slice %arg4[%dma_wait3A_39, %dma_wait3A_40] : memref<10000x128xf32, #tpu.memory_space<hbm>> -> memref<10000x128xf32, #tpu.memory_space<hbm>>
    tpu.wait_indirect_dma semaphore(%arg11 : memref<!tpu.dma_semaphore, #tpu.memory_space<semaphore_mem>>) src(%dma_wait3A_41 : memref<10000x128xf32, #tpu.memory_space<hbm>>) dst(%arg8 : memref<128x128xf32, #tpu.memory_space<vmem>>)
    %barrier3A_42 = arith.constant 0 : index
    tpu.barrier barrier_id(%barrier3A_42)
    "tpu.region"() ({
      %run_scoped3A = tpu.sem_alloc : memref<!tpu.dma_semaphore, #tpu.memory_space<semaphore_mem>>
      %dma_start3A_48 = arith.constant 0 : i32
      %dma_start3A_49 = tpu.memref_slice %arg5[%arg0, %multiple_of3A, %dma_start3A_48] : memref<2x10000x128xf32, #tpu.memory_space<hbm>> -> memref<1x624x128xf32, #tpu.memory_space<hbm>>
      %dma_start3A_50 = tpu.memref_squeeze %dma_start3A_49 : memref<1x624x128xf32, #tpu.memory_space<hbm>> -> memref<624x128xf32, #tpu.memory_space<hbm>>
      %dma_start3A_51 = arith.constant 0 : i32
      %dma_start3A_52 = tpu.memref_slice %arg10[%multiple_of3A, %dma_start3A_51] : memref<10240x128xf32, #tpu.memory_space<vmem_shared>> -> memref<624x128xf32, #tpu.memory_space<vmem_shared>>
      tpu.enqueue_dma source(%dma_start3A_52 : memref<624x128xf32, #tpu.memory_space<vmem_shared>>) target(%dma_start3A_50 : memref<624x128xf32, #tpu.memory_space<hbm>>) target_semaphore(%run_scoped3A : memref<!tpu.dma_semaphore, #tpu.memory_space<semaphore_mem>>)
      %dma_wait3A_53 = arith.constant 0 : i32
      %dma_wait3A_54 = tpu.memref_slice %arg5[%arg0, %multiple_of3A, %dma_wait3A_53] : memref<2x10000x128xf32, #tpu.memory_space<hbm>> -> memref<1x624x128xf32, #tpu.memory_space<hbm>>
      %dma_wait3A_55 = tpu.memref_squeeze %dma_wait3A_54 : memref<1x624x128xf32, #tpu.memory_space<hbm>> -> memref<624x128xf32, #tpu.memory_space<hbm>>
      %dma_wait3A_56 = arith.constant 0 : i32
      %dma_wait3A_57 = tpu.memref_slice %arg10[%multiple_of3A, %dma_wait3A_56] : memref<10240x128xf32, #tpu.memory_space<vmem_shared>> -> memref<624x128xf32, #tpu.memory_space<vmem_shared>>
      tpu.wait_dma2 semaphore(%run_scoped3A : memref<!tpu.dma_semaphore, #tpu.memory_space<semaphore_mem>>) src(%dma_wait3A_57 : memref<624x128xf32, #tpu.memory_space<vmem_shared>>) dst(%dma_wait3A_55 : memref<624x128xf32, #tpu.memory_space<hbm>>)
      tpu.yield
    }) : () -> ()
    %eq3A_43 = arith.constant 0 : i32
    %eq3A_44 = arith.cmpi eq, %arg1, %eq3A_43 : i32
    %convert_element_type3A_45 = arith.extui %eq3A_44 : i1 to i32
    %cond3A_46 = arith.constant 0 : i32
    %cond3A_47 = arith.cmpi ne, %convert_element_type3A_45, %cond3A_46 : i32
    scf.if %cond3A_47 {
      "tpu.region"() ({
        %run_scoped3A = tpu.sem_alloc : memref<!tpu.dma_semaphore, #tpu.memory_space<semaphore_mem>>
        %dma_start3A_48 = arith.constant 9984 : i32
        %dma_start3A_49 = arith.constant 0 : i32
        %dma_start3A_50 = tpu.memref_slice %arg5[%arg0, %dma_start3A_48, %dma_start3A_49] : memref<2x10000x128xf32, #tpu.memory_space<hbm>> -> memref<1x16x128xf32, #tpu.memory_space<hbm>>
        %dma_start3A_51 = tpu.memref_squeeze %dma_start3A_50 : memref<1x16x128xf32, #tpu.memory_space<hbm>> -> memref<16x128xf32, #tpu.memory_space<hbm>>
        %dma_start3A_52 = arith.constant 9984 : i32
        %dma_start3A_53 = arith.constant 0 : i32
        %dma_start3A_54 = tpu.memref_slice %arg10[%dma_start3A_52, %dma_start3A_53] : memref<10240x128xf32, #tpu.memory_space<vmem_shared>> -> memref<16x128xf32, #tpu.memory_space<vmem_shared>>
        tpu.enqueue_dma source(%dma_start3A_54 : memref<16x128xf32, #tpu.memory_space<vmem_shared>>) target(%dma_start3A_51 : memref<16x128xf32, #tpu.memory_space<hbm>>) target_semaphore(%run_scoped3A : memref<!tpu.dma_semaphore, #tpu.memory_space<semaphore_mem>>)
        %dma_wait3A_55 = arith.constant 9984 : i32
        %dma_wait3A_56 = arith.constant 0 : i32
        %dma_wait3A_57 = tpu.memref_slice %arg5[%arg0, %dma_wait3A_55, %dma_wait3A_56] : memref<2x10000x128xf32, #tpu.memory_space<hbm>> -> memref<1x16x128xf32, #tpu.memory_space<hbm>>
        %dma_wait3A_58 = tpu.memref_squeeze %dma_wait3A_57 : memref<1x16x128xf32, #tpu.memory_space<hbm>> -> memref<16x128xf32, #tpu.memory_space<hbm>>
        %dma_wait3A_59 = arith.constant 9984 : i32
        %dma_wait3A_60 = arith.constant 0 : i32
        %dma_wait3A_61 = tpu.memref_slice %arg10[%dma_wait3A_59, %dma_wait3A_60] : memref<10240x128xf32, #tpu.memory_space<vmem_shared>> -> memref<16x128xf32, #tpu.memory_space<vmem_shared>>
        tpu.wait_dma2 semaphore(%run_scoped3A : memref<!tpu.dma_semaphore, #tpu.memory_space<semaphore_mem>>) src(%dma_wait3A_61 : memref<16x128xf32, #tpu.memory_space<vmem_shared>>) dst(%dma_wait3A_58 : memref<16x128xf32, #tpu.memory_space<hbm>>)
        tpu.yield
      }) : () -> ()
    } else {
    }
    return
  }
}

module attributes {stable_mosaic.version = 14 : i64} {
  func.func @_tc_first_body(%arg0: i32, %arg1: memref<2x1000x1xf32, #tpu.memory_space<vmem>>, %arg2: memref<1000x128xf32, #tpu.memory_space<vmem>>, %arg3: memref<128x128xf32, #tpu.memory_space<vmem>>, %arg4: memref<1000x1xf32, #tpu.memory_space<vmem>>, %arg5: memref<1000x128xf32, #tpu.memory_space<vmem>>) attributes {dimension_semantics = [#tpu.dimension_semantics<arbitrary>], iteration_bounds = array<i64: 10>, scalar_prefetch = 0 : i64, scratch_operands = 0 : i64, tpu.core_type = #tpu.core_type<tc>, window_params = [{transform_indices = @transform_0, window_bounds = array<i64: 2, 1000, 1>}, {transform_indices = @transform_1, window_bounds = array<i64: 1000, 128>}, {pipeline_mode = #tpu.pipeline_mode<synchronous>, transform_indices = @transform_2, window_bounds = array<i64: 128, 128>}, {transform_indices = @transform_3, window_bounds = array<i64: 1000, 1>}, {transform_indices = @transform_4, window_bounds = array<i64: 1000, 128>}]} {
    %get3A = arith.constant 0 : index
    %get3A_0 = arith.constant 0 : index
    %get3A_1 = arith.constant 0 : index
    %get3A_2 = vector.load %arg1[%get3A, %get3A_0, %get3A_1] : memref<2x1000x1xf32, #tpu.memory_space<vmem>>, vector<1x1000x1xf32>
    %get3A_3 = vector.shape_cast %get3A_2 : vector<1x1000x1xf32> to vector<1000x1xf32>
    %get3A_4 = arith.constant 1 : index
    %get3A_5 = arith.constant 0 : index
    %get3A_6 = arith.constant 0 : index
    %get3A_7 = vector.load %arg1[%get3A_4, %get3A_5, %get3A_6] : memref<2x1000x1xf32, #tpu.memory_space<vmem>>, vector<1x1000x1xf32>
    %get3A_8 = vector.shape_cast %get3A_7 : vector<1x1000x1xf32> to vector<1000x1xf32>
    %add3A = arith.addf %get3A_3, %get3A_8 : vector<1000x1xf32>
    %add3A_9 = arith.constant 1.000000e+00 : f32
    %add3A_10 = vector.broadcast %add3A_9 : f32 to vector<1000x1xf32>
    %add3A_11 = arith.addf %add3A, %add3A_10 : vector<1000x1xf32>
    %rsqrt3A = math.rsqrt %add3A_11 : vector<1000x1xf32>
    %swap3A = arith.constant 0 : index
    %swap3A_12 = arith.constant 0 : index
    %swap3A_13 = vector.load %arg4[%swap3A, %swap3A_12] : memref<1000x1xf32, #tpu.memory_space<vmem>>, vector<1000x1xf32>
    tpu.vector_store %arg4[%swap3A, %swap3A_12], %rsqrt3A {strides = array<i32>} : memref<1000x1xf32, #tpu.memory_space<vmem>>, vector<1000x1xf32>,
    %get3A_14 = arith.constant 0 : index
    %get3A_15 = arith.constant 0 : index
    %get3A_16 = vector.load %arg2[%get3A_14, %get3A_15] : memref<1000x128xf32, #tpu.memory_space<vmem>>, vector<1000x128xf32>
    %get3A_17 = arith.constant 0 : index
    %get3A_18 = arith.constant 0 : index
    %get3A_19 = vector.load %arg3[%get3A_17, %get3A_18] : memref<128x128xf32, #tpu.memory_space<vmem>>, vector<128x128xf32>
    %dot_general3A = arith.constant dense<0.000000e+00> : vector<1000x128xf32>
    %dot_general3A_20 = tpu.matmul %get3A_16, %get3A_19, %dot_general3A {dimension_numbers = #tpu.dot_dimension_numbers<[1], [0], [0], [1], [0, 0, 1, 1], [], []>, transpose_lhs_hint = false} : vector<1000x128xf32>, vector<128x128xf32>, vector<1000x128xf32> -> vector<1000x128xf32>
    %mul3A = vector.broadcast %rsqrt3A : vector<1000x1xf32> to vector<1000x128xf32>
    %mul3A_21 = arith.mulf %mul3A, %dot_general3A_20 : vector<1000x128xf32>
    %swap3A_22 = arith.constant 0 : index
    %swap3A_23 = arith.constant 0 : index
    %swap3A_24 = vector.load %arg5[%swap3A_22, %swap3A_23] : memref<1000x128xf32, #tpu.memory_space<vmem>>, vector<1000x128xf32>
    tpu.vector_store %arg5[%swap3A_22, %swap3A_23], %mul3A_21 {strides = array<i32>} : memref<1000x128xf32, #tpu.memory_space<vmem>>, vector<1000x128xf32>,
    return
  }
  func.func @transform_0(%arg0: i32) -> (i32, i32, i32) {
    %c0_i32 = arith.constant 0 : i32
    %c0_i32_0 = arith.constant 0 : i32
    %c0_i32_1 = arith.constant 0 : i32
    return %c0_i32, %arg0, %c0_i32_0 : i32, i32, i32
  }
  func.func @transform_1(%arg0: i32) -> (i32, i32) {
    %c0_i32 = arith.constant 0 : i32
    %c0_i32_0 = arith.constant 0 : i32
    return %arg0, %c0_i32 : i32, i32
  }
  func.func @transform_2(%arg0: i32) -> (i32, i32) {
    %c0_i32 = arith.constant 0 : i32
    %c0_i32_0 = arith.constant 0 : i32
    %c0_i32_1 = arith.constant 0 : i32
    return %c0_i32, %c0_i32_0 : i32, i32
  }
  func.func @transform_3(%arg0: i32) -> (i32, i32) {
    %c0_i32 = arith.constant 0 : i32
    %c0_i32_0 = arith.constant 0 : i32
    return %arg0, %c0_i32 : i32, i32
  }
  func.func @transform_4(%arg0: i32) -> (i32, i32) {
    %c0_i32 = arith.constant 0 : i32
    %c0_i32_0 = arith.constant 0 : i32
    return %arg0, %c0_i32 : i32, i32
  }
}

module attributes {stable_mosaic.version = 14 : i64} {
  func.func @_tc_mid_body(%arg0: i32, %arg1: memref<2x1000x128xf32, #tpu.memory_space<vmem>>, %arg2: memref<1000x128xf32, #tpu.memory_space<vmem>>, %arg3: memref<1000x1xf32, #tpu.memory_space<vmem>>, %arg4: memref<1x128xf32, #tpu.memory_space<vmem>>, %arg5: memref<128x128xf32, #tpu.memory_space<vmem>>, %arg6: memref<1000x128xf32, #tpu.memory_space<vmem>>) attributes {dimension_semantics = [#tpu.dimension_semantics<arbitrary>], iteration_bounds = array<i64: 10>, scalar_prefetch = 0 : i64, scratch_operands = 0 : i64, tpu.core_type = #tpu.core_type<tc>, window_params = [{transform_indices = @transform_0, window_bounds = array<i64: 2, 1000, 128>}, {transform_indices = @transform_1, window_bounds = array<i64: 1000, 128>}, {transform_indices = @transform_2, window_bounds = array<i64: 1000, 1>}, {pipeline_mode = #tpu.pipeline_mode<synchronous>, transform_indices = @transform_3, window_bounds = array<i64: 1, 128>}, {pipeline_mode = #tpu.pipeline_mode<synchronous>, transform_indices = @transform_4, window_bounds = array<i64: 128, 128>}, {transform_indices = @transform_5, window_bounds = array<i64: 1000, 128>}]} {
    %get3A = arith.constant 0 : index
    %get3A_0 = arith.constant 0 : index
    %get3A_1 = vector.load %arg3[%get3A, %get3A_0] : memref<1000x1xf32, #tpu.memory_space<vmem>>, vector<1000x1xf32>
    %get3A_2 = arith.constant 0 : index
    %get3A_3 = arith.constant 0 : index
    %get3A_4 = arith.constant 0 : index
    %get3A_5 = vector.load %arg1[%get3A_2, %get3A_3, %get3A_4] : memref<2x1000x128xf32, #tpu.memory_space<vmem>>, vector<1x1000x128xf32>
    %get3A_6 = vector.shape_cast %get3A_5 : vector<1x1000x128xf32> to vector<1000x128xf32>
    %get3A_7 = arith.constant 1 : index
    %get3A_8 = arith.constant 0 : index
    %get3A_9 = arith.constant 0 : index
    %get3A_10 = vector.load %arg1[%get3A_7, %get3A_8, %get3A_9] : memref<2x1000x128xf32, #tpu.memory_space<vmem>>, vector<1x1000x128xf32>
    %get3A_11 = vector.shape_cast %get3A_10 : vector<1x1000x128xf32> to vector<1000x128xf32>
    %add3A = arith.addf %get3A_6, %get3A_11 : vector<1000x128xf32>
    %get3A_12 = arith.constant 0 : index
    %get3A_13 = arith.constant 0 : index
    %get3A_14 = vector.load %arg2[%get3A_12, %get3A_13] : memref<1000x128xf32, #tpu.memory_space<vmem>>, vector<1000x128xf32>
    %sub3A = arith.subf %add3A, %get3A_14 : vector<1000x128xf32>
    %mul3A = vector.broadcast %get3A_1 : vector<1000x1xf32> to vector<1000x128xf32>
    %mul3A_15 = arith.mulf %mul3A, %sub3A : vector<1000x128xf32>
    %get3A_16 = arith.constant 0 : index
    %get3A_17 = arith.constant 0 : index
    %get3A_18 = vector.load %arg4[%get3A_16, %get3A_17] : memref<1x128xf32, #tpu.memory_space<vmem>>, vector<1x128xf32>
    %add3A_19 = vector.broadcast %get3A_18 : vector<1x128xf32> to vector<1000x128xf32>
    %add3A_20 = arith.addf %mul3A_15, %add3A_19 : vector<1000x128xf32>
    %max3A = arith.constant 0.000000e+00 : f32
    %max3A_21 = vector.broadcast %max3A : f32 to vector<1000x128xf32>
    %max3A_22 = arith.maximumf %add3A_20, %max3A_21 : vector<1000x128xf32>
    %get3A_23 = arith.constant 0 : index
    %get3A_24 = arith.constant 0 : index
    %get3A_25 = vector.load %arg3[%get3A_23, %get3A_24] : memref<1000x1xf32, #tpu.memory_space<vmem>>, vector<1000x1xf32>
    %get3A_26 = arith.constant 0 : index
    %get3A_27 = arith.constant 0 : index
    %get3A_28 = vector.load %arg5[%get3A_26, %get3A_27] : memref<128x128xf32, #tpu.memory_space<vmem>>, vector<128x128xf32>
    %dot_general3A = arith.constant dense<0.000000e+00> : vector<1000x128xf32>
    %dot_general3A_29 = tpu.matmul %max3A_22, %get3A_28, %dot_general3A {dimension_numbers = #tpu.dot_dimension_numbers<[1], [0], [0], [1], [0, 0, 1, 1], [], []>, transpose_lhs_hint = false} : vector<1000x128xf32>, vector<128x128xf32>, vector<1000x128xf32> -> vector<1000x128xf32>
    %mul3A_30 = vector.broadcast %get3A_25 : vector<1000x1xf32> to vector<1000x128xf32>
    %mul3A_31 = arith.mulf %mul3A_30, %dot_general3A_29 : vector<1000x128xf32>
    %swap3A = arith.constant 0 : index
    %swap3A_32 = arith.constant 0 : index
    %swap3A_33 = vector.load %arg6[%swap3A, %swap3A_32] : memref<1000x128xf32, #tpu.memory_space<vmem>>, vector<1000x128xf32>
    tpu.vector_store %arg6[%swap3A, %swap3A_32], %mul3A_31 {strides = array<i32>} : memref<1000x128xf32, #tpu.memory_space<vmem>>, vector<1000x128xf32>,
    return
  }
  func.func @transform_0(%arg0: i32) -> (i32, i32, i32) {
    %c0_i32 = arith.constant 0 : i32
    %c0_i32_0 = arith.constant 0 : i32
    %c0_i32_1 = arith.constant 0 : i32
    return %c0_i32, %arg0, %c0_i32_0 : i32, i32, i32
  }
  func.func @transform_1(%arg0: i32) -> (i32, i32) {
    %c0_i32 = arith.constant 0 : i32
    %c0_i32_0 = arith.constant 0 : i32
    return %arg0, %c0_i32 : i32, i32
  }
  func.func @transform_2(%arg0: i32) -> (i32, i32) {
    %c0_i32 = arith.constant 0 : i32
    %c0_i32_0 = arith.constant 0 : i32
    return %arg0, %c0_i32 : i32, i32
  }
  func.func @transform_3(%arg0: i32) -> (i32, i32) {
    %c0_i32 = arith.constant 0 : i32
    %c0_i32_0 = arith.constant 0 : i32
    %c0_i32_1 = arith.constant 0 : i32
    return %c0_i32, %c0_i32_0 : i32, i32
  }
  func.func @transform_4(%arg0: i32) -> (i32, i32) {
    %c0_i32 = arith.constant 0 : i32
    %c0_i32_0 = arith.constant 0 : i32
    %c0_i32_1 = arith.constant 0 : i32
    return %c0_i32, %c0_i32_0 : i32, i32
  }
  func.func @transform_5(%arg0: i32) -> (i32, i32) {
    %c0_i32 = arith.constant 0 : i32
    %c0_i32_0 = arith.constant 0 : i32
    return %arg0, %c0_i32 : i32, i32
  }
}

module attributes {stable_mosaic.version = 14 : i64} {
  func.func @_tc_final_body(%arg0: i32, %arg1: memref<2x1000x128xf32, #tpu.memory_space<vmem>>, %arg2: memref<1000x128xf32, #tpu.memory_space<vmem>>, %arg3: memref<1000x1xf32, #tpu.memory_space<vmem>>, %arg4: memref<1x128xf32, #tpu.memory_space<vmem>>, %arg5: memref<1x1x1000xi32, #tpu.memory_space<vmem>>, %arg6: memref<128x256xf32, #tpu.memory_space<vmem>>, %arg7: memref<1x256xf32, #tpu.memory_space<vmem>>, %arg8: memref<256x1xf32, #tpu.memory_space<vmem>>, %arg9: memref<1x1xf32, #tpu.memory_space<vmem>>, %arg10: memref<64x1xf32, #tpu.memory_space<vmem>>, %arg11: memref<64x128xf32, #tpu.memory_space<vmem>>, %arg12: memref<64x1xf32, #tpu.memory_space<vmem>>) attributes {dimension_semantics = [#tpu.dimension_semantics<arbitrary>], iteration_bounds = array<i64: 10>, scalar_prefetch = 0 : i64, scratch_operands = 2 : i64, tpu.core_type = #tpu.core_type<tc>, window_params = [{transform_indices = @transform_0, window_bounds = array<i64: 2, 1000, 128>}, {transform_indices = @transform_1, window_bounds = array<i64: 1000, 128>}, {transform_indices = @transform_2, window_bounds = array<i64: 1000, 1>}, {pipeline_mode = #tpu.pipeline_mode<synchronous>, transform_indices = @transform_3, window_bounds = array<i64: 1, 128>}, {transform_indices = @transform_4, window_bounds = array<i64: 1, 1, 1000>}, {pipeline_mode = #tpu.pipeline_mode<synchronous>, transform_indices = @transform_5, window_bounds = array<i64: 128, 256>}, {pipeline_mode = #tpu.pipeline_mode<synchronous>, transform_indices = @transform_6, window_bounds = array<i64: 1, 256>}, {pipeline_mode = #tpu.pipeline_mode<synchronous>, transform_indices = @transform_7, window_bounds = array<i64: 256, 1>}, {pipeline_mode = #tpu.pipeline_mode<synchronous>, transform_indices = @transform_8, window_bounds = array<i64: 1, 1>}, {pipeline_mode = #tpu.pipeline_mode<synchronous>, transform_indices = @transform_9, window_bounds = array<i64: 64, 1>}]} {
    %eq3A = arith.constant 0 : i32
    %eq3A_0 = arith.cmpi eq, %arg0, %eq3A : i32
    %convert_element_type3A = arith.extui %eq3A_0 : i1 to i32
    %cond3A = arith.constant 0 : i32
    %cond3A_1 = arith.cmpi ne, %convert_element_type3A, %cond3A : i32
    scf.if %cond3A_1 {
      %broadcast_in_dim3A_57 = arith.constant 0.000000e+00 : f32
      %broadcast_in_dim3A_58 = vector.broadcast %broadcast_in_dim3A_57 : f32 to vector<64x128xf32>
      %swap3A_59 = arith.constant 0 : index
      %swap3A_60 = arith.constant 0 : index
      %swap3A_61 = vector.load %arg11[%swap3A_59, %swap3A_60] : memref<64x128xf32, #tpu.memory_space<vmem>>, vector<64x128xf32>
      tpu.vector_store %arg11[%swap3A_59, %swap3A_60], %broadcast_in_dim3A_58 {strides = array<i32>} : memref<64x128xf32, #tpu.memory_space<vmem>>, vector<64x128xf32>,
      %broadcast_in_dim3A_62 = arith.constant 0.000000e+00 : f32
      %broadcast_in_dim3A_63 = vector.broadcast %broadcast_in_dim3A_62 : f32 to vector<64x1xf32>
      %swap3A_64 = arith.constant 0 : index
      %swap3A_65 = arith.constant 0 : index
      %swap3A_66 = vector.load %arg12[%swap3A_64, %swap3A_65] : memref<64x1xf32, #tpu.memory_space<vmem>>, vector<64x1xf32>
      tpu.vector_store %arg12[%swap3A_64, %swap3A_65], %broadcast_in_dim3A_63 {strides = array<i32>} : memref<64x1xf32, #tpu.memory_space<vmem>>, vector<64x1xf32>,
    } else {
    }
    %get3A = arith.constant 0 : index
    %get3A_2 = arith.constant 0 : index
    %get3A_3 = vector.load %arg3[%get3A, %get3A_2] : memref<1000x1xf32, #tpu.memory_space<vmem>>, vector<1000x1xf32>
    %get3A_4 = arith.constant 0 : index
    %get3A_5 = arith.constant 0 : index
    %get3A_6 = arith.constant 0 : index
    %get3A_7 = vector.load %arg1[%get3A_4, %get3A_5, %get3A_6] : memref<2x1000x128xf32, #tpu.memory_space<vmem>>, vector<1x1000x128xf32>
    %get3A_8 = vector.shape_cast %get3A_7 : vector<1x1000x128xf32> to vector<1000x128xf32>
    %get3A_9 = arith.constant 1 : index
    %get3A_10 = arith.constant 0 : index
    %get3A_11 = arith.constant 0 : index
    %get3A_12 = vector.load %arg1[%get3A_9, %get3A_10, %get3A_11] : memref<2x1000x128xf32, #tpu.memory_space<vmem>>, vector<1x1000x128xf32>
    %get3A_13 = vector.shape_cast %get3A_12 : vector<1x1000x128xf32> to vector<1000x128xf32>
    %add3A = arith.addf %get3A_8, %get3A_13 : vector<1000x128xf32>
    %get3A_14 = arith.constant 0 : index
    %get3A_15 = arith.constant 0 : index
    %get3A_16 = vector.load %arg2[%get3A_14, %get3A_15] : memref<1000x128xf32, #tpu.memory_space<vmem>>, vector<1000x128xf32>
    %sub3A = arith.subf %add3A, %get3A_16 : vector<1000x128xf32>
    %mul3A = vector.broadcast %get3A_3 : vector<1000x1xf32> to vector<1000x128xf32>
    %mul3A_17 = arith.mulf %mul3A, %sub3A : vector<1000x128xf32>
    %get3A_18 = arith.constant 0 : index
    %get3A_19 = arith.constant 0 : index
    %get3A_20 = vector.load %arg4[%get3A_18, %get3A_19] : memref<1x128xf32, #tpu.memory_space<vmem>>, vector<1x128xf32>
    %add3A_21 = vector.broadcast %get3A_20 : vector<1x128xf32> to vector<1000x128xf32>
    %add3A_22 = arith.addf %mul3A_17, %add3A_21 : vector<1000x128xf32>
    %max3A = arith.constant 0.000000e+00 : f32
    %max3A_23 = vector.broadcast %max3A : f32 to vector<1000x128xf32>
    %max3A_24 = arith.maximumf %add3A_22, %max3A_23 : vector<1000x128xf32>
    %iota3A = tpu.iota {dimensions = array<i32: 0>} : vector<64x1xi32>
    %get3A_25 = arith.constant 0 : index
    %get3A_26 = arith.constant 0 : index
    %get3A_27 = arith.constant 0 : index
    %get3A_28 = vector.load %arg5[%get3A_25, %get3A_26, %get3A_27] : memref<1x1x1000xi32, #tpu.memory_space<vmem>>, vector<1x1x1000xi32>
    %get3A_29 = vector.shape_cast %get3A_28 : vector<1x1x1000xi32> to vector<1x1000xi32>
    %eq3A_30 = vector.broadcast %get3A_29 : vector<1x1000xi32> to vector<64x1000xi32>
    %eq3A_31 = vector.broadcast %iota3A : vector<64x1xi32> to vector<64x1000xi32>
    %eq3A_32 = arith.cmpi eq, %eq3A_30, %eq3A_31 : vector<64x1000xi32>
    %convert_element_type3A_33 = arith.extui %eq3A_32 : vector<64x1000xi1> to vector<64x1000xi32>
    %convert_element_type3A_34 = arith.sitofp %convert_element_type3A_33 : vector<64x1000xi32> to vector<64x1000xf32>
    %get3A_35 = arith.constant 0 : index
    %get3A_36 = arith.constant 0 : index
    %get3A_37 = vector.load %arg11[%get3A_35, %get3A_36] : memref<64x128xf32, #tpu.memory_space<vmem>>, vector<64x128xf32>
    %dot_general3A = arith.constant dense<0.000000e+00> : vector<64x128xf32>
    %dot_general3A_38 = tpu.matmul %convert_element_type3A_34, %max3A_24, %dot_general3A {dimension_numbers = #tpu.dot_dimension_numbers<[1], [0], [0], [1], [0, 0, 1, 1], [], []>, transpose_lhs_hint = false} : vector<64x1000xf32>, vector<1000x128xf32>, vector<64x128xf32> -> vector<64x128xf32>
    %add3A_39 = arith.addf %get3A_37, %dot_general3A_38 : vector<64x128xf32>
    %swap3A = arith.constant 0 : index
    %swap3A_40 = arith.constant 0 : index
    %swap3A_41 = vector.load %arg11[%swap3A, %swap3A_40] : memref<64x128xf32, #tpu.memory_space<vmem>>, vector<64x128xf32>
    tpu.vector_store %arg11[%swap3A, %swap3A_40], %add3A_39 {strides = array<i32>} : memref<64x128xf32, #tpu.memory_space<vmem>>, vector<64x128xf32>,
    %get3A_42 = arith.constant 0 : index
    %get3A_43 = arith.constant 0 : index
    %get3A_44 = vector.load %arg12[%get3A_42, %get3A_43] : memref<64x1xf32, #tpu.memory_space<vmem>>, vector<64x1xf32>
    %broadcast_in_dim3A = arith.constant 1.000000e+00 : f32
    %broadcast_in_dim3A_45 = vector.broadcast %broadcast_in_dim3A : f32 to vector<1000x1xf32>
    %dot_general3A_46 = arith.constant dense<0.000000e+00> : vector<64x1xf32>
    %dot_general3A_47 = tpu.matmul %convert_element_type3A_34, %broadcast_in_dim3A_45, %dot_general3A_46 {dimension_numbers = #tpu.dot_dimension_numbers<[1], [0], [0], [1], [0, 0, 1, 1], [], []>, transpose_lhs_hint = false} : vector<64x1000xf32>, vector<1000x1xf32>, vector<64x1xf32> -> vector<64x1xf32>
    %add3A_48 = arith.addf %get3A_44, %dot_general3A_47 : vector<64x1xf32>
    %swap3A_49 = arith.constant 0 : index
    %swap3A_50 = arith.constant 0 : index
    %swap3A_51 = vector.load %arg12[%swap3A_49, %swap3A_50] : memref<64x1xf32, #tpu.memory_space<vmem>>, vector<64x1xf32>
    tpu.vector_store %arg12[%swap3A_49, %swap3A_50], %add3A_48 {strides = array<i32>} : memref<64x1xf32, #tpu.memory_space<vmem>>, vector<64x1xf32>,
    %eq3A_52 = arith.constant 9 : i32
    %eq3A_53 = arith.cmpi eq, %arg0, %eq3A_52 : i32
    %convert_element_type3A_54 = arith.extui %eq3A_53 : i1 to i32
    %cond3A_55 = arith.constant 0 : i32
    %cond3A_56 = arith.cmpi ne, %convert_element_type3A_54, %cond3A_55 : i32
    scf.if %cond3A_56 {
      %get3A_57 = arith.constant 0 : index
      %get3A_58 = arith.constant 0 : index
      %get3A_59 = vector.load %arg11[%get3A_57, %get3A_58] : memref<64x128xf32, #tpu.memory_space<vmem>>, vector<64x128xf32>
      %get3A_60 = arith.constant 0 : index
      %get3A_61 = arith.constant 0 : index
      %get3A_62 = vector.load %arg12[%get3A_60, %get3A_61] : memref<64x1xf32, #tpu.memory_space<vmem>>, vector<64x1xf32>
      %max3A_63 = arith.constant 1.000000e+00 : f32
      %max3A_64 = vector.broadcast %max3A_63 : f32 to vector<64x1xf32>
      %max3A_65 = arith.maximumf %get3A_62, %max3A_64 : vector<64x1xf32>
      %div3A = vector.broadcast %max3A_65 : vector<64x1xf32> to vector<64x128xf32>
      %div3A_66 = arith.divf %get3A_59, %div3A : vector<64x128xf32>
      %get3A_67 = arith.constant 0 : index
      %get3A_68 = arith.constant 0 : index
      %get3A_69 = vector.load %arg6[%get3A_67, %get3A_68] : memref<128x256xf32, #tpu.memory_space<vmem>>, vector<128x256xf32>
      %dot_general3A_70 = arith.constant dense<0.000000e+00> : vector<64x256xf32>
      %dot_general3A_71 = tpu.matmul %div3A_66, %get3A_69, %dot_general3A_70 {dimension_numbers = #tpu.dot_dimension_numbers<[1], [0], [0], [1], [0, 0, 1, 1], [], []>, transpose_lhs_hint = false} : vector<64x128xf32>, vector<128x256xf32>, vector<64x256xf32> -> vector<64x256xf32>
      %get3A_72 = arith.constant 0 : index
      %get3A_73 = arith.constant 0 : index
      %get3A_74 = vector.load %arg7[%get3A_72, %get3A_73] : memref<1x256xf32, #tpu.memory_space<vmem>>, vector<1x256xf32>
      %add3A_75 = vector.broadcast %get3A_74 : vector<1x256xf32> to vector<64x256xf32>
      %add3A_76 = arith.addf %dot_general3A_71, %add3A_75 : vector<64x256xf32>
      %max3A_77 = arith.constant 0.000000e+00 : f32
      %max3A_78 = vector.broadcast %max3A_77 : f32 to vector<64x256xf32>
      %max3A_79 = arith.maximumf %add3A_76, %max3A_78 : vector<64x256xf32>
      %get3A_80 = arith.constant 0 : index
      %get3A_81 = arith.constant 0 : index
      %get3A_82 = vector.load %arg8[%get3A_80, %get3A_81] : memref<256x1xf32, #tpu.memory_space<vmem>>, vector<256x1xf32>
      %dot_general3A_83 = arith.constant dense<0.000000e+00> : vector<64x1xf32>
      %dot_general3A_84 = tpu.matmul %max3A_79, %get3A_82, %dot_general3A_83 {dimension_numbers = #tpu.dot_dimension_numbers<[1], [0], [0], [1], [0, 0, 1, 1], [], []>, transpose_lhs_hint = false} : vector<64x256xf32>, vector<256x1xf32>, vector<64x1xf32> -> vector<64x1xf32>
      %get3A_85 = arith.constant 0 : index
      %get3A_86 = arith.constant 0 : index
      %get3A_87 = vector.load %arg9[%get3A_85, %get3A_86] : memref<1x1xf32, #tpu.memory_space<vmem>>, vector<1x1xf32>
      %add3A_88 = vector.broadcast %get3A_87 : vector<1x1xf32> to vector<64x1xf32>
      %add3A_89 = arith.addf %dot_general3A_84, %add3A_88 : vector<64x1xf32>
      %swap3A_90 = arith.constant 0 : index
      %swap3A_91 = arith.constant 0 : index
      %swap3A_92 = vector.load %arg10[%swap3A_90, %swap3A_91] : memref<64x1xf32, #tpu.memory_space<vmem>>, vector<64x1xf32>
      tpu.vector_store %arg10[%swap3A_90, %swap3A_91], %add3A_89 {strides = array<i32>} : memref<64x1xf32, #tpu.memory_space<vmem>>, vector<64x1xf32>,
    } else {
    }
    return
  }
  func.func @transform_0(%arg0: i32) -> (i32, i32, i32) {
    %c0_i32 = arith.constant 0 : i32
    %c0_i32_0 = arith.constant 0 : i32
    %c0_i32_1 = arith.constant 0 : i32
    return %c0_i32, %arg0, %c0_i32_0 : i32, i32, i32
  }
  func.func @transform_1(%arg0: i32) -> (i32, i32) {
    %c0_i32 = arith.constant 0 : i32
    %c0_i32_0 = arith.constant 0 : i32
    return %arg0, %c0_i32 : i32, i32
  }
  func.func @transform_2(%arg0: i32) -> (i32, i32) {
    %c0_i32 = arith.constant 0 : i32
    %c0_i32_0 = arith.constant 0 : i32
    return %arg0, %c0_i32 : i32, i32
  }
  func.func @transform_3(%arg0: i32) -> (i32, i32) {
    %c0_i32 = arith.constant 0 : i32
    %c0_i32_0 = arith.constant 0 : i32
    %c0_i32_1 = arith.constant 0 : i32
    return %c0_i32, %c0_i32_0 : i32, i32
  }
  func.func @transform_4(%arg0: i32) -> (i32, i32, i32) {
    %c0_i32 = arith.constant 0 : i32
    %c0_i32_0 = arith.constant 0 : i32
    %c0_i32_1 = arith.constant 0 : i32
    return %arg0, %c0_i32, %c0_i32_0 : i32, i32, i32
  }
  func.func @transform_5(%arg0: i32) -> (i32, i32) {
    %c0_i32 = arith.constant 0 : i32
    %c0_i32_0 = arith.constant 0 : i32
    %c0_i32_1 = arith.constant 0 : i32
    return %c0_i32, %c0_i32_0 : i32, i32
  }
  func.func @transform_6(%arg0: i32) -> (i32, i32) {
    %c0_i32 = arith.constant 0 : i32
    %c0_i32_0 = arith.constant 0 : i32
    %c0_i32_1 = arith.constant 0 : i32
    return %c0_i32, %c0_i32_0 : i32, i32
  }
  func.func @transform_7(%arg0: i32) -> (i32, i32) {
    %c0_i32 = arith.constant 0 : i32
    %c0_i32_0 = arith.constant 0 : i32
    %c0_i32_1 = arith.constant 0 : i32
    return %c0_i32, %c0_i32_0 : i32, i32
  }
  func.func @transform_8(%arg0: i32) -> (i32, i32) {
    %c0_i32 = arith.constant 0 : i32
    %c0_i32_0 = arith.constant 0 : i32
    %c0_i32_1 = arith.constant 0 : i32
    return %c0_i32, %c0_i32_0 : i32, i32
  }
  func.func @transform_9(%arg0: i32) -> (i32, i32) {
    %c0_i32 = arith.constant 0 : i32
    %c0_i32_0 = arith.constant 0 : i32
    %c0_i32_1 = arith.constant 0 : i32
    return %c0_i32, %c0_i32_0 : i32, i32
  }
}

</mosaic_0001>

<sc_bundles>
// kernel: kernel.10.cloned.1.call-start
scs
__scs_entry_jumppad:
0x0: {  	(pc) =	sbr.rel $0x88, $3  }
0x1: {  	(tag) =	ssettag $0x0;
	lr =	simm.s32 $0x1  }
0x2: {  	[smem:$0x3F94] =	sst lr;
	_ =	strace $0xD0000000  }
0x3: {  	_ = 	snop  }
0x4: {  	_ = 	snop  }
0x5: {  	_ = 	snop  }
0x6: {  	_ = 	snop  }
0x7: {  	_ = 	snop  }
__scs_overlays_trampoline_lowered:
0x8: {  	[smem:$0x3FA3] =	sst s0  }
0x9: {  	[smem:$0x3FA4] =	sst s1  }
0xa: {  	[smem:$0x3FA5] =	sst s2  }
0xb: {  	[smem:$0x3FA6] =	sst s3  }
0xc: {  	[smem:$0x3FA7] =	sst s4  }
0xd: {  	[smem:$0x3FA8] =	sst s5  }
0xe: {  	[smem:$0x3FA9] =	sst s6  }
0xf: {  	[smem:$0x3FAA] =	sst s7  }
0x10: {  	[smem:$0x3FAB] =	sst s8  }
0x11: {  	[smem:$0x3FAC] =	sst s9;
	s0 =	simm.s32 @!p0 $0x0  }
0x12: {  	s1 =	sld [smem:$0x3F92];
	s0 =	simm.s32 @p0 $0x1  }
0x13: {  	[smem:$0x3FAD] =	sst s0;
	s0 =	simm.s32 @!p1 $0x0  }
0x14: {  	s2 =	sld [smem:$0x3F91];
	s0 =	simm.s32 @p1 $0x1  }
0x15: {  	[smem:$0x3FAE] =	sst s0;
	s0 =	simm.s32 @!p2 $0x0  }
0x16: {  	s3 =	sld [smem:$0x3FDB];
	s0 =	simm.s32 @p2 $0x1  }
0x17: {  	s4 =	simm.s32 $0x1BF5;
	[smem:$0x3FB0] =	sst s0  }
0x18: {  	s0 =	sld [smem:$0x3F93];
	_ =	swait.ge [sflag:s4], $0x0  }
0x19: {  	s7 =	sld [smem:$0x3F94]  }
0x1a: {  	s8 =	sadd.s32 $0xFFFFE003, lr  }
0x1b: {  	s9 =	sadd.s32 $0xFFFFFEF7, lr;
	s5 =	simm.s32 $0xFFFFFFFF;
	p2 =	slt.u32 s8, $0xFFFFF086  }
0x1c: {  	p1 =	slt.u32 s9, $0xF7A;
	s5 =	simm.s32 @!p2 $0x0  }
0x1d: {  	s5 =	simm.s32 @p1 $0x1;
	p0 =	seq.s32 s7, s2  }
0x1e: {  	s7 =	smul.u32 @!p0 $0xF7A, s2;
	p2 =	seq.s32 @!p0 s5, $0x0  }
0x1f: {  	s9 =	smul.u32 $0xF7A, s1;
	s8 =	simm.s32 @!p0 $0x1BF5;
	p2 =	por !p2, p0  }
0x20: {  	[sflag:s8] =	ssyncset.s32 @!p0 $0xFFFFF086;
	s6 =	sadd.s32 @!p0 s3, s7;
	s7 =	simm.s32 @!p0 $0x108  }
0x21: {  	s3 =	sadd.s32 s3, s9;
	s6 =	sadd.s32 @!p0 $0x88, s6;
	s7 =	simm.s32 @p2 $0x1082  }
0x22: {  	[simem:s7], [sflag:s8] =	dma.local @!p0 [hbm:s6], $0xF7A  }
0x23: {  	s9 =	sor.u32 $0xD0000000, s2;
	s6 =	simm.s32 $0x108;
	_ =	swait.ge @!p0 [sflag:s8], $0x0  }
0x24: {  	s3 =	sadd.s32 $0x88, s3;
	s6 =	simm.s32 @!p1 $0x1082;
	[sflag:s4] =	ssyncset.s32 $0xFFFFF086  }
0x25: {  	[simem:s6], [sflag:s4] =	dma.local [hbm:s3], $0xF7A  }
0x26: {  	[smem:$0x3F94] =	sst s1;
	(tag) =	ssettag s2;
	_ =	strace s9  }
0x27: {  	s1 =	sld [smem:$0x3FA4]  }
0x28: {  	s2 =	sld [smem:$0x3FA5]  }
0x29: {  	s4 =	sld [smem:$0x3FA7]  }
0x2a: {  	p0 =	seq.s32 s5, $0x0;
	s5 =	sld [smem:$0x3FA8]  }
0x2b: {  	s6 =	sld [smem:$0x3FA9]  }
0x2c: {  	s7 =	sld [smem:$0x3FAA]  }
0x2d: {  	s3 =	simm.s32 $0x108;
	s8 =	sld [smem:$0x3FAB]  }
0x2e: {  	s3 =	simm.s32 @!p0 $0x1082;
	s9 =	sld [smem:$0x3FAC]  }
0x2f: {  	lr =	sadd.s32 s0, s3;
	s0 =	sld [smem:$0x3FA3]  }
0x30: {  	s3 =	sld [smem:$0x3FA6]  }
0x31: {  	[smem:$0x3FAF] =	sst s10  }
0x32: {  	s10 =	sld [smem:$0x3FAD];
	_ =	sdelay $0x3  }
0x33: {  	p0 =	seq.s32 s10, $0x1;
	s10 =	sld [smem:$0x3FAF];
	_ =	sdelay $0x3  }
0x34: {  	[smem:$0x3FAF] =	sst s10  }
0x35: {  	s10 =	sld [smem:$0x3FAE];
	_ =	sdelay $0x3  }
0x36: {  	p1 =	seq.s32 s10, $0x1;
	s10 =	sld [smem:$0x3FAF];
	_ =	sdelay $0x3  }
0x37: {  	[smem:$0x3FAF] =	sst s10  }
0x38: {  	s10 =	sld [smem:$0x3FB0]  }
0x39: {  	_ = 	snop;
	(pc) =	sbr.ind lr, $3  }
0x3a: {  	_ = 	snop  }
0x3b: {  	_ = 	snop  }
0x3c: {  	p2 =	seq.s32 s10, $0x1;
	s10 =	sld [smem:$0x3FAF]  }
0x3d: {  	_ =	shalt  }
0x3e: {  	_ =	shalt  }
0x3f: {  	_ =	shalt  }
0x40: {  	_ =	shalt  }
0x41: {  	_ =	shalt  }
0x42: {  	_ =	shalt  }
0x43: {  	_ =	shalt  }
0x44: {  	_ =	shalt  }
0x45: {  	_ =	shalt  }
0x46: {  	_ =	shalt  }
0x47: {  	_ =	shalt  }
0x48: {  	_ =	shalt  }
0x49: {  	_ =	shalt  }
0x4a: {  	_ =	shalt  }
0x4b: {  	_ =	shalt  }
0x4c: {  	_ =	shalt  }
0x4d: {  	_ =	shalt  }
0x4e: {  	_ =	shalt  }
0x4f: {  	_ =	shalt  }
0x50: {  	_ =	shalt  }
0x51: {  	_ =	shalt  }
0x52: {  	_ =	shalt  }
0x53: {  	_ =	shalt  }
0x54: {  	_ =	shalt  }
0x55: {  	_ =	shalt  }
0x56: {  	_ =	shalt  }
0x57: {  	_ =	shalt  }
0x58: {  	_ =	shalt  }
0x59: {  	_ =	shalt  }
0x5a: {  	_ =	shalt  }
0x5b: {  	_ =	shalt  }
0x5c: {  	_ =	shalt  }
0x5d: {  	_ =	shalt  }
0x5e: {  	_ =	shalt  }
0x5f: {  	_ =	shalt  }
0x60: {  	_ =	shalt  }
0x61: {  	_ =	shalt  }
0x62: {  	_ =	shalt  }
0x63: {  	_ =	shalt  }
0x64: {  	_ =	shalt  }
0x65: {  	_ =	shalt  }
0x66: {  	_ =	shalt  }
0x67: {  	_ =	shalt  }
0x68: {  	_ =	shalt  }
0x69: {  	_ =	shalt  }
0x6a: {  	_ =	shalt  }
0x6b: {  	_ =	shalt  }
0x6c: {  	_ =	shalt  }
0x6d: {  	_ =	shalt  }
0x6e: {  	_ =	shalt  }
0x6f: {  	_ =	shalt  }
0x70: {  	_ =	shalt  }
0x71: {  	_ =	shalt  }
0x72: {  	_ =	shalt  }
0x73: {  	_ =	shalt  }
0x74: {  	_ =	shalt  }
0x75: {  	_ =	shalt  }
0x76: {  	_ =	shalt  }
0x77: {  	_ =	shalt  }
0x78: {  	_ =	shalt  }
0x79: {  	_ =	shalt  }
0x7a: {  	_ =	shalt  }
0x7b: {  	_ =	shalt  }
0x7c: {  	_ =	shalt  }
0x7d: {  	_ =	shalt  }
0x7e: {  	_ =	shalt  }
0x7f: {  	_ =	shalt  }
0x80: {  	_ =	shalt  }
0x81: {  	_ =	shalt  }
0x82: {  	_ =	shalt  }
0x83: {  	_ =	shalt  }
0x84: {  	_ =	shalt  }
0x85: {  	_ =	shalt  }
0x86: {  	_ =	shalt  }
0x87: {  	_ =	shalt  }
.Lfunc_end0:
.L_simem_size_0:
called_computation_lowered:
.L_overlay_start_0:
0x88: {  	s2 =	sld [smem:$0x3FD9]  }
0x89: {  	s3 =	sld [smem:$0x3FFE];
	_ =	sdelay $0x1  }
0x8a: {  	s1 =	srdreg.scid  }
0x8b: {  	s0 =	sand.u32 $0x1, s1  }
0x8c: {  	s16 =	sshll.u32 s0, $0xA;
	s2 =	sadd.s32 s3, s2  }
0x8d: {  	s2 =	sadd.s32 s2, s16  }
0x8e: {  	[smem:$0x3FBB] =	sst s2  }
0x8f: {  	_ = 	snop  }
0x90: {  	(tm) =	ssettm $0x1  }
0x91: {  	s17 =	sld [smem:$0x3FFB];
	_ =	sdelay $0x3  }
0x92: {  	_ =	strace s17  }
0x93: {  	s2 =	sld [smem:$0x3FFC];
	_ =	sdelay $0x3  }
0x94: {  	_ =	strace s2  }
0x95: {  	s2 =	sld [smem:$0x3FFD];
	_ =	sdelay $0x3  }
0x96: {  	_ =	strace s2  }
0x97: {  	_ =	strace $0x8FFFFFFF  }
0x98: {  	s18 =	sld [smem:$0x3FDB];
	_ =	sdelay $0x1  }
0x99: {  	s19 =	simm.s32 $_scs_section_size  }
0x9a: {  	s4 =	simm.s32 $_size__tile_overlayer_lowered;
	s5 =	simm.s32 $_tile_overlayer_lowered  }
0x9b: {  	s22 =	simm.s32 $0x1BFF;
	s21 =	sshll.u32 s5, $0x1;
	s2 =	sadd.s32 s19, s18  }
0x9c: {  	s6 =	simm.s32 $0x0;
	s20 =	sshll.u32 s4, $0x1;
	s4 =	sadd.s32 s21, s2  }
0x9d: {  	[timem:s6], [sflag:s22] =	dma.local [hbm:s4], s20  }
0x9e: {  	_ =	swait.ge [sflag:s22], s20  }
0x9f: {  	s3 =	ssub.s32 $0x0, s20;
	[sflag:s22] =	ssyncset.done $0x0  }
0xa0: {  	[sflag:s22] =	ssyncadd.s32 s3;
	_ =	sdelay $0x1  }
0xa1: {  	s23 =	simm.s32 $0x1B8B  }
0xa2: {  	_ =	swait.ge [sflag:s23], $0x1  }
0xa3: {  	[sflag:s23] =	ssyncset.done $0x0  }
0xa4: {  	s25 =	simm.s32 $0x1B8E;
	s24 =	sld [smem:$0x3FFE];
	[sflag:s23] =	ssyncadd.s32 $0xFFFFFFFF  }
0xa5: {  	s26 =	simm.s32 $execute0_lowered;
	[smem:$0x3FD2] =	sst s25  }
0xa6: {  	s4 =	sshll.u32 s26, $0x1;
	_ =	strace $0x80000046;
	[dreg:$0x1] =	wrdreg $0xFFFFFFFF  }
0xa7: {  	s28 =	simm.s32 $_size_execute0_lowered;
	s2 =	sadd.s32 s2, s4;
	[dreg:$0x0] =	wrdreg $0x0  }
0xa8: {  	s4 =	sshll.u32 s28, $0x1;
	[dreg:$0x2] =	wrdreg s2  }
0xa9: {  	[dreg:$0x3] =	wrdreg s4  }
0xaa: {  	[dreg:$0x4] =	wrdreg $0xC0  }
0xab: {  	_ =	task [dreg:s6], $0x5FFFF  }
0xac: {  	[dreg:$0x1] =	wrdreg $0xFFFFFFFF  }
0xad: {  	[dreg:$0x0] =	wrdreg $0x60  }
0xae: {  	[dreg:$0x2] =	wrdreg s24  }
0xaf: {  	[dreg:$0x3] =	wrdreg $0x68000  }
0xb0: {  	[dreg:$0x4] =	wrdreg $0x9  }
0xb1: {  	_ =	task.clear_ibuf [dreg:s6], $0x5FFFF;
	_ =	strace $0x90000046  }
0xb2: {  	s29 =	simm.s32 $0x9;
	_ =	strace $0x80000048  }
0xb3: {  	_ =	swait.ge [sflag:s29], $0x1  }
0xb4: {  	[sflag:s29] =	ssyncadd.s32 $0xFFFFFFFF  }
0xb5: {  	_ =	strace $0x90000048  }
0xb6: {  	_ =	sfence  }
0xb7: {  	s30 =	sld [smem:$0x0];
	_ =	sdelay $0x2  }
0xb8: {  	s31 =	sshll.u32 s1, $0xD;
	s1 =	sshrl.u32 s1, $0x2  }
0xb9: {  	s3 =	sand.u32 $0x4000, s31;
	s1 =	sadd.s32 s1, s30  }
0xba: {  	s0 =	sor.u32 s3, s0;
	s1 =	sshll.u32 s1, $0x11  }
0xbb: {  	s0 =	sor.u32 s1, s0  }
0xbc: {  	s0 =	sadd.s32 $0x8F2B, s0  }
0xbd: {  	[sflag:s0] =	ssyncadd.remote.s32 $0x1  }
0xbe: {  	_ =	sfence.sel $0xFFFF  }
0xbf: {  	[dreg:$0x0] =	wrdreg $0xFFFFFFFF;
	(pc) =	sbr.abs _section_cstart, $3  }
0xc0: {  	[dreg:$0x1] =	wrdreg $0xFFFFFFFF  }
0xc1: {  	_ =	task.clear_ibuf [dreg:s6], $0x2FFFF;
	_ =	strace $0x9FFFFFFF  }
0xc2: {  	(tm) =	ssettm $0x7FFFFFFF  }
0xc3: {  	_ =	shalt  }
tec
execute0_lowered:
.L_overlay_start_1:
0x0: {  	(tag) =	ssettag $0x1  }
0x1: {  	s1 =	srdreg.scid;
	s5 =	rddreg [dreg:$0x0]  }
0x2: {  	s0 =	stileid.u32;
	s2 =	rddreg [dreg:$0x1];
	s3 =	simm.s32 $0x0  }
0x3: {  	s14 =	simm.s32 $0x0;
	s4 =	sand.u32 $0x1, s1;
	s1 =	rddreg [dreg:$0x2]  }
0x4: {  	s25 =	sshll.u32 s0, $0x1;
	s7 =	smul.u32 $0x14000, s0;
	[smem:$0x7FF] =	sst s3  }
0x5: {  	s29 =	smul.u32 $0x50000, s0;
	s31 =	sshll.u32 s0, $0x6;
	s6 =	sor.u32 s4, s25  }
0x6: {  	s9 =	smul.u32 $0x140000, s4;
	_ =	strace $0x80000047;
	s28 =	ssub.s32 $0x2, s4  }
0x7: {  	s4 =	sadd.s32 $0x35400, s5;
	s6 =	smul.u32 $0x500, s6;
	s8 =	sshrl.u32 s7, $0x3  }
0x8: {  	s11 =	sshrl.u32 s28, $0x1;
	s30 =	sshrl.u32 s29, $0x2;
	s26 =	sadd.s32 s8, s5  }
0x9: {  	s7 =	sadd.s32 s7, s9;
	s11 =	ssub.s32 s28, s11;
	s13 =	sadd.s32 s30, s2  }
0xa: {  	s10 =	sadd.s32 s6, s5;
	s7 =	sshrl.u32 s7, $0x3;
	s6 =	sor.u32 $0x1C01, s31  }
0xb: {  	s9 =	smax.u32 s11, $0x1;
	s11 =	simm.s32 $0x1;
	s12 =	sadd.s32 s7, s5  }
0xc: {  	s5 =	sadd.s32 $0xD400, s26;
	s7 =	sadd.s32 $0x3400, s10;
	s10 =	sshrl.u32 s13, $0x3  }
0xd: {  	s13 =	simm.s32 $0x80;
	s8 =	sadd.s32 $0x35C00, s12;
	s12 =	simm.s32 $0x2800  }
.LBB2_1:
0xe: {  	[spmem:s10], [sflag:s6] =	dma.local [hbm:s5], $0x2800  }
0xf: {  	_ =	swait.ge [sflag:s11], $0x2800  }
0x10: {  	[sflag:s11] =	ssyncset.done $0x0  }
0x11: {  	[sflag:s11] =	ssyncadd.s32 $0xFFFFD800  }
0x12: {  	[tilespmem:s12], [sflag:$0x1] =	stream.linear.gather [hbm4b:s4+s3], $0x4000, $0x38;
	[tilespmem:$0x1A800] =	vst v63  }
0x13: {  	_ =	swait.ge [sflag:s11], $0x4000  }
0x14: {  	[sflag:s11] =	ssyncset.done $0x0  }
0x15: {  	[sflag:s11] =	ssyncadd.s32 $0xFFFFC000  }
0x16: {  	[tilespmem:s3], [sflag:$0x1] =	stream.linear.gather [hbm4b:s7+s3], $0x2800, $0x38;
	[tilespmem:$0x1A800] =	vst v63  }
0x17: {  	_ =	swait.ge [sflag:s11], $0x2800  }
0x18: {  	[sflag:s11] =	ssyncset.done $0x0  }
0x19: {  	[sflag:s11] =	ssyncadd.s32 $0xFFFFD800  }
0x1a: {  	s15 =	simm.s32 $0x0;
	[bflag:$0x0] =	sbarrier.arrive $0xFFFF  }
0x1b: {  	[spmem:s2] =	stream.indirect.scatter.add.f32 [tilespmem:s12], [sflag:$0x1], $0x80, s15, s13, $0xb8;
	[tilespmem:$0x1A800] =	vst v63  }
0x1c: {  	_ =	swait.ge [sflag:s11], $0x4000  }
0x1d: {  	s15 =	simm.s32 $0x200;
	[sflag:s11] =	ssyncset.done $0x0  }
.LBB2_2:
0x1e: {  	s16 =	sshra.s32 s15, $0x2;
	[sflag:s11] =	ssyncadd.s32 $0xFFFFC000;
	p0 =	sne.s32 s15, $0x9E00  }
0x1f: {  	[spmem:s2] =	stream.indirect.scatter.add.f32 [tilespmem:s12], [sflag:$0x1], $0x80, s16, s13, $0xb8;
	[tilespmem:$0x1A800] =	vst v63  }
.Ltmp0:
0x20: {  	_ = 	snop;
	(pc) =	sbr.rel @p0 .LBB2_2-.Ltmp0, $4  }
0x21: {  	_ = 	snop  }
0x22: {  	s15 =	sadd.s32 $0x200, s15  }
0x23: {  	_ =	swait.ge [sflag:s11], $0x4000  }
0x24: {  	[sflag:s11] =	ssyncset.done $0x0  }
0x25: {  	s14 =	sadd.s32 $0x1, s14  }
0x26: {  	[sflag:s11] =	ssyncadd.s32 $0xFFFFC000;
	p0 =	sne.s32 s14, s9  }
.Ltmp1:
0x27: {  	[bflag:$0x0] =	sbarrier.arrive $0xFFFF;
	(pc) =	sbr.rel @p0 .LBB2_1-.Ltmp1, $4  }
0x28: {  	[hbm:s8], [sflag:s6] =	dma.local [spmem:s10], $0x2800  }
0x29: {  	_ =	swait.ge [sflag:s11], $0x2800  }
0x2a: {  	[sflag:s11] =	ssyncset.done $0x0  }
0x2b: {  	[sflag:s11] =	ssyncadd.s32 $0xFFFFD800  }
0x2c: {  	_ =	sfence.sel $0x180000  }
0x2d: {  	[bflag:$0x0] =	sbarrier.arrive $0xFFFF  }
0x2e: {  	p0 =	sne.s32 s0, $0x0;
	_ =	strace $0x90000047  }
0x2f: {  	s0 =	sadd.s32 @!p0 $0x100000, s1;
	[bflag:$0x2] =	sbarrier.arrive $0xFFFF  }
0x30: {  	[sflag:s0] =	ssyncadd.tile.s32 @!p0 $0x1;
	_ =	shalt  }
.Lfunc_end2:
_tile_overlayer_lowered:
.L_overlay_start_2:
0x31: {  	(tag) =	ssettag $0x2  }
0x32: {  	s0 =	rddreg [dreg:$0x0];
	s2 =	stileid.u32  }
0x33: {  	s1 =	rddreg [dreg:$0x1];
	p0 =	sne.s32 s2, $0x0  }
0x34: {  	s3 =	rddreg [dreg:$0x2];
	[bflag:$0x3] =	sbarrier.arrive $0xFFFF;
	s2 =	simm.s32 @!p0 $0x1C01  }
0x35: {  	[timem:s3], [sflag:s2] =	dma.local @!p0 [hbm:s0], s1  }
0x36: {  	s0 =	simm.s32 @!p0 $0x1  }
0x37: {  	_ =	swait.ge @!p0 [sflag:s0], s1  }
0x38: {  	s1 =	ssub.s32 @!p0 $0x0, s1;
	[sflag:s0] =	ssyncset.done @!p0 $0x0  }
0x39: {  	[sflag:s0] =	ssyncadd.s32 @!p0 s1  }
0x3a: {  	[bflag:$0x3] =	sbarrier.arrive $0xFFFF  }
0x3b: {  	_ =	shalt  }

// kernel: kernel.13.cloned.1.call-start
scs
__scs_entry_jumppad:
0x0: {  	(pc) =	sbr.rel $0x88, $3  }
0x1: {  	(tag) =	ssettag $0x0;
	lr =	simm.s32 $0x1  }
0x2: {  	[smem:$0x3F94] =	sst lr;
	_ =	strace $0xD0000000  }
0x3: {  	_ = 	snop  }
0x4: {  	_ = 	snop  }
0x5: {  	_ = 	snop  }
0x6: {  	_ = 	snop  }
0x7: {  	_ = 	snop  }
__scs_overlays_trampoline_lowered:
0x8: {  	[smem:$0x3FA3] =	sst s0  }
0x9: {  	[smem:$0x3FA4] =	sst s1  }
0xa: {  	[smem:$0x3FA5] =	sst s2  }
0xb: {  	[smem:$0x3FA6] =	sst s3  }
0xc: {  	[smem:$0x3FA7] =	sst s4  }
0xd: {  	[smem:$0x3FA8] =	sst s5  }
0xe: {  	[smem:$0x3FA9] =	sst s6  }
0xf: {  	[smem:$0x3FAA] =	sst s7  }
0x10: {  	[smem:$0x3FAB] =	sst s8  }
0x11: {  	[smem:$0x3FAC] =	sst s9;
	s0 =	simm.s32 @!p0 $0x0  }
0x12: {  	s1 =	sld [smem:$0x3F92];
	s0 =	simm.s32 @p0 $0x1  }
0x13: {  	[smem:$0x3FAD] =	sst s0;
	s0 =	simm.s32 @!p1 $0x0  }
0x14: {  	s2 =	sld [smem:$0x3F91];
	s0 =	simm.s32 @p1 $0x1  }
0x15: {  	[smem:$0x3FAE] =	sst s0;
	s0 =	simm.s32 @!p2 $0x0  }
0x16: {  	s3 =	sld [smem:$0x3FDB];
	s0 =	simm.s32 @p2 $0x1  }
0x17: {  	s4 =	simm.s32 $0x1BF5;
	[smem:$0x3FB0] =	sst s0  }
0x18: {  	s0 =	sld [smem:$0x3F93];
	_ =	swait.ge [sflag:s4], $0x0  }
0x19: {  	s7 =	sld [smem:$0x3F94]  }
0x1a: {  	s8 =	sadd.s32 $0xFFFFE003, lr  }
0x1b: {  	s9 =	sadd.s32 $0xFFFFFEF7, lr;
	s5 =	simm.s32 $0xFFFFFFFF;
	p2 =	slt.u32 s8, $0xFFFFF086  }
0x1c: {  	p1 =	slt.u32 s9, $0xF7A;
	s5 =	simm.s32 @!p2 $0x0  }
0x1d: {  	s5 =	simm.s32 @p1 $0x1;
	p0 =	seq.s32 s7, s2  }
0x1e: {  	s7 =	smul.u32 @!p0 $0xF7A, s2;
	p2 =	seq.s32 @!p0 s5, $0x0  }
0x1f: {  	s9 =	smul.u32 $0xF7A, s1;
	s8 =	simm.s32 @!p0 $0x1BF5;
	p2 =	por !p2, p0  }
0x20: {  	[sflag:s8] =	ssyncset.s32 @!p0 $0xFFFFF086;
	s6 =	sadd.s32 @!p0 s3, s7;
	s7 =	simm.s32 @!p0 $0x108  }
0x21: {  	s3 =	sadd.s32 s3, s9;
	s6 =	sadd.s32 @!p0 $0x88, s6;
	s7 =	simm.s32 @p2 $0x1082  }
0x22: {  	[simem:s7], [sflag:s8] =	dma.local @!p0 [hbm:s6], $0xF7A  }
0x23: {  	s9 =	sor.u32 $0xD0000000, s2;
	s6 =	simm.s32 $0x108;
	_ =	swait.ge @!p0 [sflag:s8], $0x0  }
0x24: {  	s3 =	sadd.s32 $0x88, s3;
	s6 =	simm.s32 @!p1 $0x1082;
	[sflag:s4] =	ssyncset.s32 $0xFFFFF086  }
0x25: {  	[simem:s6], [sflag:s4] =	dma.local [hbm:s3], $0xF7A  }
0x26: {  	[smem:$0x3F94] =	sst s1;
	(tag) =	ssettag s2;
	_ =	strace s9  }
0x27: {  	s1 =	sld [smem:$0x3FA4]  }
0x28: {  	s2 =	sld [smem:$0x3FA5]  }
0x29: {  	s4 =	sld [smem:$0x3FA7]  }
0x2a: {  	p0 =	seq.s32 s5, $0x0;
	s5 =	sld [smem:$0x3FA8]  }
0x2b: {  	s6 =	sld [smem:$0x3FA9]  }
0x2c: {  	s7 =	sld [smem:$0x3FAA]  }
0x2d: {  	s3 =	simm.s32 $0x108;
	s8 =	sld [smem:$0x3FAB]  }
0x2e: {  	s3 =	simm.s32 @!p0 $0x1082;
	s9 =	sld [smem:$0x3FAC]  }
0x2f: {  	lr =	sadd.s32 s0, s3;
	s0 =	sld [smem:$0x3FA3]  }
0x30: {  	s3 =	sld [smem:$0x3FA6]  }
0x31: {  	[smem:$0x3FAF] =	sst s10  }
0x32: {  	s10 =	sld [smem:$0x3FAD];
	_ =	sdelay $0x3  }
0x33: {  	p0 =	seq.s32 s10, $0x1;
	s10 =	sld [smem:$0x3FAF];
	_ =	sdelay $0x3  }
0x34: {  	[smem:$0x3FAF] =	sst s10  }
0x35: {  	s10 =	sld [smem:$0x3FAE];
	_ =	sdelay $0x3  }
0x36: {  	p1 =	seq.s32 s10, $0x1;
	s10 =	sld [smem:$0x3FAF];
	_ =	sdelay $0x3  }
0x37: {  	[smem:$0x3FAF] =	sst s10  }
0x38: {  	s10 =	sld [smem:$0x3FB0]  }
0x39: {  	_ = 	snop;
	(pc) =	sbr.ind lr, $3  }
0x3a: {  	_ = 	snop  }
0x3b: {  	_ = 	snop  }
0x3c: {  	p2 =	seq.s32 s10, $0x1;
	s10 =	sld [smem:$0x3FAF]  }
0x3d: {  	_ =	shalt  }
0x3e: {  	_ =	shalt  }
0x3f: {  	_ =	shalt  }
0x40: {  	_ =	shalt  }
0x41: {  	_ =	shalt  }
0x42: {  	_ =	shalt  }
0x43: {  	_ =	shalt  }
0x44: {  	_ =	shalt  }
0x45: {  	_ =	shalt  }
0x46: {  	_ =	shalt  }
0x47: {  	_ =	shalt  }
0x48: {  	_ =	shalt  }
0x49: {  	_ =	shalt  }
0x4a: {  	_ =	shalt  }
0x4b: {  	_ =	shalt  }
0x4c: {  	_ =	shalt  }
0x4d: {  	_ =	shalt  }
0x4e: {  	_ =	shalt  }
0x4f: {  	_ =	shalt  }
0x50: {  	_ =	shalt  }
0x51: {  	_ =	shalt  }
0x52: {  	_ =	shalt  }
0x53: {  	_ =	shalt  }
0x54: {  	_ =	shalt  }
0x55: {  	_ =	shalt  }
0x56: {  	_ =	shalt  }
0x57: {  	_ =	shalt  }
0x58: {  	_ =	shalt  }
0x59: {  	_ =	shalt  }
0x5a: {  	_ =	shalt  }
0x5b: {  	_ =	shalt  }
0x5c: {  	_ =	shalt  }
0x5d: {  	_ =	shalt  }
0x5e: {  	_ =	shalt  }
0x5f: {  	_ =	shalt  }
0x60: {  	_ =	shalt  }
0x61: {  	_ =	shalt  }
0x62: {  	_ =	shalt  }
0x63: {  	_ =	shalt  }
0x64: {  	_ =	shalt  }
0x65: {  	_ =	shalt  }
0x66: {  	_ =	shalt  }
0x67: {  	_ =	shalt  }
0x68: {  	_ =	shalt  }
0x69: {  	_ =	shalt  }
0x6a: {  	_ =	shalt  }
0x6b: {  	_ =	shalt  }
0x6c: {  	_ =	shalt  }
0x6d: {  	_ =	shalt  }
0x6e: {  	_ =	shalt  }
0x6f: {  	_ =	shalt  }
0x70: {  	_ =	shalt  }
0x71: {  	_ =	shalt  }
0x72: {  	_ =	shalt  }
0x73: {  	_ =	shalt  }
0x74: {  	_ =	shalt  }
0x75: {  	_ =	shalt  }
0x76: {  	_ =	shalt  }
0x77: {  	_ =	shalt  }
0x78: {  	_ =	shalt  }
0x79: {  	_ =	shalt  }
0x7a: {  	_ =	shalt  }
0x7b: {  	_ =	shalt  }
0x7c: {  	_ =	shalt  }
0x7d: {  	_ =	shalt  }
0x7e: {  	_ =	shalt  }
0x7f: {  	_ =	shalt  }
0x80: {  	_ =	shalt  }
0x81: {  	_ =	shalt  }
0x82: {  	_ =	shalt  }
0x83: {  	_ =	shalt  }
0x84: {  	_ =	shalt  }
0x85: {  	_ =	shalt  }
0x86: {  	_ =	shalt  }
0x87: {  	_ =	shalt  }
.Lfunc_end0:
.L_simem_size_0:
called_computation.1_lowered:
.L_overlay_start_0:
0x88: {  	s2 =	sld [smem:$0x3FD9]  }
0x89: {  	s3 =	sld [smem:$0x3FFE];
	_ =	sdelay $0x1  }
0x8a: {  	s1 =	srdreg.scid  }
0x8b: {  	s0 =	sand.u32 $0x1, s1  }
0x8c: {  	s16 =	sshll.u32 s0, $0xA;
	s2 =	sadd.s32 s3, s2  }
0x8d: {  	s2 =	sadd.s32 s2, s16  }
0x8e: {  	[smem:$0x3FBB] =	sst s2  }
0x8f: {  	_ = 	snop  }
0x90: {  	(tm) =	ssettm $0x1  }
0x91: {  	s17 =	sld [smem:$0x3FFB];
	_ =	sdelay $0x3  }
0x92: {  	_ =	strace s17  }
0x93: {  	s2 =	sld [smem:$0x3FFC];
	_ =	sdelay $0x3  }
0x94: {  	_ =	strace s2  }
0x95: {  	s2 =	sld [smem:$0x3FFD];
	_ =	sdelay $0x3  }
0x96: {  	_ =	strace s2  }
0x97: {  	_ =	strace $0x8FFFFFFF  }
0x98: {  	s18 =	sld [smem:$0x3FDB];
	_ =	sdelay $0x1  }
0x99: {  	s19 =	simm.s32 $_scs_section_size  }
0x9a: {  	s4 =	simm.s32 $_size__tile_overlayer_lowered;
	s5 =	simm.s32 $_tile_overlayer_lowered  }
0x9b: {  	s22 =	simm.s32 $0x1BFF;
	s21 =	sshll.u32 s5, $0x1;
	s2 =	sadd.s32 s19, s18  }
0x9c: {  	s6 =	simm.s32 $0x0;
	s20 =	sshll.u32 s4, $0x1;
	s4 =	sadd.s32 s21, s2  }
0x9d: {  	[timem:s6], [sflag:s22] =	dma.local [hbm:s4], s20  }
0x9e: {  	_ =	swait.ge [sflag:s22], s20  }
0x9f: {  	s3 =	ssub.s32 $0x0, s20;
	[sflag:s22] =	ssyncset.done $0x0  }
0xa0: {  	[sflag:s22] =	ssyncadd.s32 s3;
	_ =	sdelay $0x1  }
0xa1: {  	s23 =	simm.s32 $0x1B8B  }
0xa2: {  	_ =	swait.ge [sflag:s23], $0x1  }
0xa3: {  	[sflag:s23] =	ssyncset.done $0x0  }
0xa4: {  	s25 =	simm.s32 $0x1B8E;
	s24 =	sld [smem:$0x3FFE];
	[sflag:s23] =	ssyncadd.s32 $0xFFFFFFFF  }
0xa5: {  	s26 =	simm.s32 $execute0_lowered;
	[smem:$0x3FD2] =	sst s25  }
0xa6: {  	s4 =	sshll.u32 s26, $0x1;
	_ =	strace $0x80000049;
	[dreg:$0x1] =	wrdreg $0xFFFFFFFF  }
0xa7: {  	s28 =	simm.s32 $_size_execute0_lowered;
	s2 =	sadd.s32 s2, s4;
	[dreg:$0x0] =	wrdreg $0x0  }
0xa8: {  	s4 =	sshll.u32 s28, $0x1;
	[dreg:$0x2] =	wrdreg s2  }
0xa9: {  	[dreg:$0x3] =	wrdreg s4  }
0xaa: {  	[dreg:$0x4] =	wrdreg $0xC0  }
0xab: {  	_ =	task [dreg:s6], $0x5FFFF  }
0xac: {  	[dreg:$0x1] =	wrdreg $0xFFFFFFFF  }
0xad: {  	[dreg:$0x0] =	wrdreg $0x60  }
0xae: {  	[dreg:$0x2] =	wrdreg s24  }
0xaf: {  	[dreg:$0x3] =	wrdreg $0xA8000  }
0xb0: {  	[dreg:$0x4] =	wrdreg $0x9  }
0xb1: {  	_ =	task.clear_ibuf [dreg:s6], $0x5FFFF;
	_ =	strace $0x90000049  }
0xb2: {  	s29 =	simm.s32 $0x9;
	_ =	strace $0x8000004B  }
0xb3: {  	_ =	swait.ge [sflag:s29], $0x1  }
0xb4: {  	[sflag:s29] =	ssyncadd.s32 $0xFFFFFFFF  }
0xb5: {  	_ =	strace $0x9000004B  }
0xb6: {  	_ =	sfence  }
0xb7: {  	s30 =	sld [smem:$0x0];
	_ =	sdelay $0x2  }
0xb8: {  	s31 =	sshll.u32 s1, $0xD;
	s1 =	sshrl.u32 s1, $0x2  }
0xb9: {  	s3 =	sand.u32 $0x4000, s31;
	s1 =	sadd.s32 s1, s30  }
0xba: {  	s0 =	sor.u32 s3, s0;
	s1 =	sshll.u32 s1, $0x11  }
0xbb: {  	s0 =	sor.u32 s1, s0  }
0xbc: {  	s0 =	sadd.s32 $0x8F2B, s0  }
0xbd: {  	[sflag:s0] =	ssyncadd.remote.s32 $0x1  }
0xbe: {  	_ =	sfence.sel $0xFFFF  }
0xbf: {  	[dreg:$0x0] =	wrdreg $0xFFFFFFFF;
	(pc) =	sbr.abs _section_cstart, $3  }
0xc0: {  	[dreg:$0x1] =	wrdreg $0xFFFFFFFF  }
0xc1: {  	_ =	task.clear_ibuf [dreg:s6], $0x2FFFF;
	_ =	strace $0x9FFFFFFF  }
0xc2: {  	(tm) =	ssettm $0x7FFFFFFF  }
0xc3: {  	_ =	shalt  }
tec
execute0_lowered:
.L_overlay_start_1:
0x0: {  	(tag) =	ssettag $0x1  }
0x1: {  	s6 =	rddreg [dreg:$0x0]  }
0x2: {  	s1 =	rddreg [dreg:$0x1]  }
0x3: {  	s2 =	simm.s32 $0x0;
	s4 =	srdreg.scid;
	s14 =	stileid.u32  }
0x4: {  	s19 =	simm.s32 $0x2800;
	s20 =	simm.s32 $0x6800;
	s21 =	simm.s32 $0x1  }
0x5: {  	s22 =	simm.s32 $0x2;
	s23 =	simm.s32 $0x1380;
	s24 =	simm.s32 $0x2700  }
0x6: {  	[smem:$0x7FF] =	sst s2;
	s9 =	sadd.s32 $0x85C00, s6;
	s10 =	sadd.s32 $0x3400, s6  }
0x7: {  	s3 =	sadd.s32 $0xD400, s6;
	s7 =	sand.u32 $0x1, s4;
	s5 =	smul.u32 $0x4E000, s14  }
0x8: {  	s11 =	sadd.s32 $0x34600, s6;
	s12 =	smul.u32 $0x13800, s14;
	s13 =	sshll.u32 s14, $0x1  }
0x9: {  	s29 =	sshll.u32 s14, $0x6;
	s18 =	sadd.s32 $0x138000, s1;
	s6 =	sadd.s32 $0x34400, s6  }
0xa: {  	p0 =	sne.s32 s14, $0x0;
	_ =	strace $0x8000004A;
	s4 =	ssub.s32 $0x2, s7  }
0xb: {  	s26 =	sor.u32 s7, s13;
	s31 =	smul.u32 $0x138800, s7;
	s8 =	sshrl.u32 s4, $0x1  }
0xc: {  	s25 =	sshrl.u32 s5, $0x2;
	s28 =	sshrl.u32 s12, $0x3;
	s16 =	smul.u32 $0x2800, s26  }
0xd: {  	s5 =	sor.u32 $0x1C03, s29;
	s26 =	simm.s32 $0x0;
	s15 =	ssub.s32 s4, s8  }
0xe: {  	s17 =	sadd.s32 s25, s1;
	s4 =	sadd.s32 s3, s28;
	s12 =	sadd.s32 s12, s31  }
0xf: {  	s25 =	simm.s32 $0x2780;
	s30 =	sshrl.u32 s16, $0x3;
	s16 =	sshrl.u32 s31, $0x3  }
0x10: {  	s12 =	sshrl.u32 s12, $0x3;
	s14 =	sshrl.u32 s17, $0x3;
	s17 =	simm.s32 $0x1400  }
0x11: {  	s7 =	sadd.s32 s9, s30;
	s8 =	sadd.s32 s10, s30;
	s13 =	sadd.s32 $0x280, s30  }
0x12: {  	s16 =	sadd.s32 s11, s16;
	s11 =	sadd.s32 s11, s12;
	s9 =	sadd.s32 s9, s13  }
0x13: {  	s10 =	sadd.s32 s10, s13;
	s12 =	sadd.s32 $0x27000, s16;
	s13 =	smax.u32 s15, $0x1  }
0x14: {  	s15 =	simm.s32 $0x3;
	s16 =	sshrl.u32 @!p0 s18, $0x3;
	s18 =	simm.s32 $0x80  }
.LBB2_1:
0x15: {  	[spmem:s14], [sflag:s5] =	dma.local [hbm:s4], $0x2700  }
0x16: {  	_ =	swait.ge [sflag:s15], $0x2700  }
0x17: {  	[sflag:s15] =	ssyncset.done $0x0  }
0x18: {  	s28 =	simm.s32 @!p0 $0x3;
	[sflag:s15] =	ssyncadd.s32 $0xFFFFD900  }
0x19: {  	[spmem:s16], [sflag:s5] =	dma.local @!p0 [hbm:s6], $0x100  }
0x1a: {  	_ =	swait.ge @!p0 [sflag:s28], $0x100  }
0x1b: {  	[sflag:s28] =	ssyncset.done @!p0 $0x0  }
0x1c: {  	[sflag:s28] =	ssyncadd.s32 @!p0 $0xFFFFFF00  }
0x1d: {  	[bflag:$0x0] =	sbarrier.arrive $0xFFFF  }
0x1e: {  	[tilespmem:s2], [sflag:$0x3] =	stream.linear.gather [hbm4b:s7+s2], $0x1400, $0x38;
	[tilespmem:$0x1E800] =	vst v63  }
0x1f: {  	_ =	swait.ge [sflag:s15], $0x1400  }
0x20: {  	[sflag:s15] =	ssyncset.done $0x0  }
0x21: {  	[sflag:s15] =	ssyncadd.s32 $0xFFFFEC00  }
0x22: {  	[tilespmem:s17], [sflag:$0x3] =	stream.linear.gather [hbm4b:s8+s2], $0x1400, $0x38;
	[tilespmem:$0x1E800] =	vst v63  }
0x23: {  	_ =	swait.ge [sflag:s15], $0x1400  }
0x24: {  	[sflag:s15] =	ssyncset.done $0x0  }
0x25: {  	[sflag:s15] =	ssyncadd.s32 $0xFFFFEC00  }
0x26: {  	[tilespmem:s19], [sflag:$0x1] =	stream.indirect.gather [hbm4b:s3+s18], $0x80, s2, s18, $0xb8;
	[tilespmem:$0x1E800] =	vst v63  }
0x27: {  	s28 =	simm.s32 $0x80  }
0x28: {  	[tilespmem:s20], [sflag:$0x2] =	stream.indirect.gather [hbm4b:s3+s18], $0x80, s28, s18, $0xb8;
	[tilespmem:$0x1E800] =	vst v63  }
0x29: {  	_ =	swait.ge [sflag:s21], $0x4000  }
0x2a: {  	[sflag:s21] =	ssyncset.done $0x0  }
0x2b: {  	s28 =	simm.s32 $0x1400;
	[sflag:s21] =	ssyncadd.s32 $0xFFFFC000  }
0x2c: {  	[spmem:s1] =	stream.indirect.scatter.add.f32 [tilespmem:s19], [sflag:$0x3], $0x80, s28, s18, $0xb8;
	[tilespmem:$0x1E800] =	vst v63  }
0x2d: {  	_ =	swait.ge [sflag:s15], $0x4000  }
0x2e: {  	[sflag:s15] =	ssyncset.done $0x0  }
0x2f: {  	s28 =	simm.s32 $0x100;
	[sflag:s15] =	ssyncadd.s32 $0xFFFFC000  }
0x30: {  	[tilespmem:s19], [sflag:$0x1] =	stream.indirect.gather [hbm4b:s3+s18], $0x80, s28, s18, $0xb8;
	[tilespmem:$0x1E800] =	vst v63  }
0x31: {  	_ =	swait.ge [sflag:s22], $0x4000  }
0x32: {  	[sflag:s22] =	ssyncset.done $0x0  }
0x33: {  	s28 =	simm.s32 $0x1480;
	[sflag:s22] =	ssyncadd.s32 $0xFFFFC000  }
0x34: {  	[spmem:s1] =	stream.indirect.scatter.add.f32 [tilespmem:s20], [sflag:$0x3], $0x80, s28, s18, $0xb8;
	[tilespmem:$0x1E800] =	vst v63  }
0x35: {  	_ =	swait.ge [sflag:s15], $0x4000  }
0x36: {  	s29 =	simm.s32 $0x800;
	s28 =	simm.s32 $0x100;
	[sflag:s15] =	ssyncset.done $0x0  }
.LBB2_2:
0x37: {  	s30 =	sadd.s32 $0x80, s28  }
0x38: {  	[sflag:s15] =	ssyncadd.s32 $0xFFFFC000;
	s31 =	smov.u32 s29;
	s0 =	sadd.s32 $0x400, s29  }
0x39: {  	[tilespmem:s20], [sflag:$0x2] =	stream.indirect.gather [hbm4b:s3+s18], $0x80, s30, s18, $0xb8;
	[tilespmem:$0x1E800] =	vst v63  }
0x3a: {  	p1 =	sne.s32 s29, $0x4800;
	_ =	swait.ge [sflag:s21], $0x4000  }
0x3b: {  	[sflag:s21] =	ssyncset.done $0x0  }
0x3c: {  	s29 =	sadd.s32 $0x1400, s28;
	[sflag:s21] =	ssyncadd.s32 $0xFFFFC000  }
0x3d: {  	[spmem:s1] =	stream.indirect.scatter.add.f32 [tilespmem:s19], [sflag:$0x3], $0x80, s29, s18, $0xb8;
	[tilespmem:$0x1E800] =	vst v63  }
0x3e: {  	_ =	swait.ge [sflag:s15], $0x4000  }
0x3f: {  	[sflag:s15] =	ssyncset.done $0x0  }
0x40: {  	s29 =	sadd.s32 $0x100, s28;
	[sflag:s15] =	ssyncadd.s32 $0xFFFFC000  }
0x41: {  	[tilespmem:s19], [sflag:$0x1] =	stream.indirect.gather [hbm4b:s3+s18], $0x80, s29, s18, $0xb8;
	[tilespmem:$0x1E800] =	vst v63  }
0x42: {  	_ =	swait.ge [sflag:s22], $0x4000  }
.Ltmp0:
0x43: {  	[sflag:s22] =	ssyncset.done $0x0;
	(pc) =	sbr.rel @p1 .LBB2_2-.Ltmp0, $4  }
0x44: {  	s28 =	sadd.s32 $0x1480, s28;
	[sflag:s22] =	ssyncadd.s32 $0xFFFFC000  }
0x45: {  	[spmem:s1] =	stream.indirect.scatter.add.f32 [tilespmem:s20], [sflag:$0x3], $0x80, s28, s18, $0xb8;
	[tilespmem:$0x1E800] =	vst v63  }
0x46: {  	_ =	swait.ge [sflag:s15], $0x4000  }
0x47: {  	s29 =	smov.u32 s0;
	s28 =	sshra.s32 s31, $0x2;
	[sflag:s15] =	ssyncset.done $0x0  }
0x48: {  	s0 =	sadd.s32 $0x80, s28;
	[sflag:s15] =	ssyncadd.s32 $0xFFFFC000  }
0x49: {  	[tilespmem:s20], [sflag:$0x2] =	stream.indirect.gather [hbm4b:s3+s18], $0x80, s0, s18, $0xb8;
	[tilespmem:$0x1E800] =	vst v63  }
0x4a: {  	_ =	swait.ge [sflag:s21], $0x4000  }
0x4b: {  	[sflag:s21] =	ssyncset.done $0x0  }
0x4c: {  	s30 =	sadd.s32 $0x1400, s28;
	[sflag:s21] =	ssyncadd.s32 $0xFFFFC000  }
0x4d: {  	[spmem:s1] =	stream.indirect.scatter.add.f32 [tilespmem:s19], [sflag:$0x3], $0x80, s30, s18, $0xb8;
	[tilespmem:$0x1E800] =	vst v63  }
0x4e: {  	_ =	swait.ge [sflag:s15], $0x4000  }
0x4f: {  	[sflag:s15] =	ssyncset.done $0x0  }
0x50: {  	s31 =	sadd.s32 $0x100, s28;
	[sflag:s15] =	ssyncadd.s32 $0xFFFFC000  }
0x51: {  	[tilespmem:s19], [sflag:$0x1] =	stream.indirect.gather [hbm4b:s3+s18], $0x80, s31, s18, $0xb8;
	[tilespmem:$0x1E800] =	vst v63  }
0x52: {  	_ =	swait.ge [sflag:s22], $0x4000  }
0x53: {  	[sflag:s22] =	ssyncset.done $0x0  }
0x54: {  	s30 =	sadd.s32 $0x1480, s28;
	[sflag:s22] =	ssyncadd.s32 $0xFFFFC000  }
0x55: {  	[spmem:s1] =	stream.indirect.scatter.add.f32 [tilespmem:s20], [sflag:$0x3], $0x80, s30, s18, $0xb8;
	[tilespmem:$0x1E800] =	vst v63  }
0x56: {  	_ =	swait.ge [sflag:s15], $0x4000  }
0x57: {  	[sflag:s15] =	ssyncset.done $0x0  }
0x58: {  	[sflag:s15] =	ssyncadd.s32 $0xFFFFC000  }
0x59: {  	[tilespmem:s20], [sflag:$0x2] =	stream.indirect.gather [hbm4b:s3+s18], $0x80, s23, s18, $0xb8;
	[tilespmem:$0x1E800] =	vst v63  }
0x5a: {  	_ =	swait.ge [sflag:s21], $0x4000  }
0x5b: {  	[sflag:s21] =	ssyncset.done $0x0  }
0x5c: {  	[sflag:s21] =	ssyncadd.s32 $0xFFFFC000  }
0x5d: {  	[spmem:s1] =	stream.indirect.scatter.add.f32 [tilespmem:s19], [sflag:$0x3], $0x80, s24, s18, $0xb8;
	[tilespmem:$0x1E800] =	vst v63  }
0x5e: {  	_ =	swait.ge [sflag:s15], $0x4000  }
0x5f: {  	[sflag:s15] =	ssyncset.done $0x0  }
0x60: {  	s31 =	simm.s32 $0x0;
	[sflag:s15] =	ssyncadd.s32 $0xFFFFC000  }
0x61: {  	[tilespmem:s19], [sflag:$0x1] =	stream.indirect.gather [hbm4b:s3+s18], $0x80, s31, s18, $0xb8;
	[tilespmem:$0x1E800] =	vst v63  }
0x62: {  	_ =	swait.ge [sflag:s22], $0x4000  }
0x63: {  	[sflag:s22] =	ssyncset.done $0x0  }
0x64: {  	[sflag:s22] =	ssyncadd.s32 $0xFFFFC000  }
0x65: {  	[spmem:s1] =	stream.indirect.scatter.add.f32 [tilespmem:s20], [sflag:$0x3], $0x80, s25, s18, $0xb8;
	[tilespmem:$0x1E800] =	vst v63  }
0x66: {  	_ =	swait.ge [sflag:s15], $0x4000  }
0x67: {  	[sflag:s15] =	ssyncset.done $0x0  }
0x68: {  	[sflag:s15] =	ssyncadd.s32 $0xFFFFC000  }
0x69: {  	_ =	swait.ge [sflag:s21], $0x4000  }
0x6a: {  	[sflag:s21] =	ssyncset.done $0x0  }
0x6b: {  	[sflag:s21] =	ssyncadd.s32 $0xFFFFC000  }
0x6c: {  	[tilespmem:s31], [sflag:$0x3] =	stream.linear.gather [hbm4b:s9+s31], $0x1400, $0x38;
	[tilespmem:$0x1E800] =	vst v63  }
0x6d: {  	_ =	swait.ge [sflag:s15], $0x1400  }
0x6e: {  	[sflag:s15] =	ssyncset.done $0x0  }
0x6f: {  	[sflag:s15] =	ssyncadd.s32 $0xFFFFEC00  }
0x70: {  	[tilespmem:s17], [sflag:$0x3] =	stream.linear.gather [hbm4b:s10+s31], $0x1400, $0x38;
	[tilespmem:$0x1E800] =	vst v63  }
0x71: {  	_ =	swait.ge [sflag:s15], $0x1400  }
0x72: {  	[sflag:s15] =	ssyncset.done $0x0  }
0x73: {  	[sflag:s15] =	ssyncadd.s32 $0xFFFFEC00  }
0x74: {  	[tilespmem:s19], [sflag:$0x1] =	stream.indirect.gather [hbm4b:s3+s18], $0x80, s31, s18, $0xb8;
	[tilespmem:$0x1E800] =	vst v63  }
0x75: {  	s30 =	simm.s32 $0x80  }
0x76: {  	[tilespmem:s20], [sflag:$0x2] =	stream.indirect.gather [hbm4b:s3+s18], $0x80, s30, s18, $0xb8;
	[tilespmem:$0x1E800] =	vst v63  }
0x77: {  	_ =	swait.ge [sflag:s21], $0x4000  }
0x78: {  	[sflag:s21] =	ssyncset.done $0x0  }
0x79: {  	s31 =	simm.s32 $0x1400;
	[sflag:s21] =	ssyncadd.s32 $0xFFFFC000  }
0x7a: {  	[spmem:s1] =	stream.indirect.scatter.add.f32 [tilespmem:s19], [sflag:$0x3], $0x80, s31, s18, $0xb8;
	[tilespmem:$0x1E800] =	vst v63  }
0x7b: {  	_ =	swait.ge [sflag:s15], $0x4000  }
0x7c: {  	[sflag:s15] =	ssyncset.done $0x0  }
0x7d: {  	s30 =	simm.s32 $0x100;
	[sflag:s15] =	ssyncadd.s32 $0xFFFFC000  }
0x7e: {  	[tilespmem:s19], [sflag:$0x1] =	stream.indirect.gather [hbm4b:s3+s18], $0x80, s30, s18, $0xb8;
	[tilespmem:$0x1E800] =	vst v63  }
0x7f: {  	_ =	swait.ge [sflag:s22], $0x4000  }
0x80: {  	[sflag:s22] =	ssyncset.done $0x0  }
0x81: {  	s31 =	simm.s32 $0x1480;
	[sflag:s22] =	ssyncadd.s32 $0xFFFFC000  }
0x82: {  	[spmem:s1] =	stream.indirect.scatter.add.f32 [tilespmem:s20], [sflag:$0x3], $0x80, s31, s18, $0xb8;
	[tilespmem:$0x1E800] =	vst v63  }
0x83: {  	_ =	swait.ge [sflag:s15], $0x4000  }
0x84: {  	s29 =	simm.s32 $0x800;
	s28 =	simm.s32 $0x100;
	[sflag:s15] =	ssyncset.done $0x0  }
.LBB2_4:
0x85: {  	s0 =	sadd.s32 $0x80, s28  }
0x86: {  	[sflag:s15] =	ssyncadd.s32 $0xFFFFC000;
	s30 =	smov.u32 s29;
	s31 =	sadd.s32 $0x400, s29  }
0x87: {  	[tilespmem:s20], [sflag:$0x2] =	stream.indirect.gather [hbm4b:s3+s18], $0x80, s0, s18, $0xb8;
	[tilespmem:$0x1E800] =	vst v63  }
0x88: {  	p1 =	sne.s32 s29, $0x4800;
	_ =	swait.ge [sflag:s21], $0x4000  }
0x89: {  	[sflag:s21] =	ssyncset.done $0x0  }
0x8a: {  	s0 =	sadd.s32 $0x1400, s28;
	[sflag:s21] =	ssyncadd.s32 $0xFFFFC000  }
0x8b: {  	[spmem:s1] =	stream.indirect.scatter.add.f32 [tilespmem:s19], [sflag:$0x3], $0x80, s0, s18, $0xb8;
	[tilespmem:$0x1E800] =	vst v63  }
0x8c: {  	_ =	swait.ge [sflag:s15], $0x4000  }
0x8d: {  	[sflag:s15] =	ssyncset.done $0x0  }
0x8e: {  	s0 =	sadd.s32 $0x100, s28;
	[sflag:s15] =	ssyncadd.s32 $0xFFFFC000  }
0x8f: {  	[tilespmem:s19], [sflag:$0x1] =	stream.indirect.gather [hbm4b:s3+s18], $0x80, s0, s18, $0xb8;
	[tilespmem:$0x1E800] =	vst v63  }
0x90: {  	_ =	swait.ge [sflag:s22], $0x4000  }
.Ltmp1:
0x91: {  	[sflag:s22] =	ssyncset.done $0x0;
	(pc) =	sbr.rel @p1 .LBB2_4-.Ltmp1, $4  }
0x92: {  	s0 =	sadd.s32 $0x1480, s28;
	[sflag:s22] =	ssyncadd.s32 $0xFFFFC000  }
0x93: {  	[spmem:s1] =	stream.indirect.scatter.add.f32 [tilespmem:s20], [sflag:$0x3], $0x80, s0, s18, $0xb8;
	[tilespmem:$0x1E800] =	vst v63  }
0x94: {  	_ =	swait.ge [sflag:s15], $0x4000  }
0x95: {  	s29 =	smov.u32 s31;
	s28 =	sshra.s32 s30, $0x2;
	[sflag:s15] =	ssyncset.done $0x0  }
0x96: {  	s0 =	sadd.s32 $0x80, s28;
	[sflag:s15] =	ssyncadd.s32 $0xFFFFC000  }
0x97: {  	[tilespmem:s20], [sflag:$0x2] =	stream.indirect.gather [hbm4b:s3+s18], $0x80, s0, s18, $0xb8;
	[tilespmem:$0x1E800] =	vst v63  }
0x98: {  	_ =	swait.ge [sflag:s21], $0x4000  }
0x99: {  	[sflag:s21] =	ssyncset.done $0x0  }
0x9a: {  	s29 =	sadd.s32 $0x1400, s28;
	[sflag:s21] =	ssyncadd.s32 $0xFFFFC000  }
0x9b: {  	[spmem:s1] =	stream.indirect.scatter.add.f32 [tilespmem:s19], [sflag:$0x3], $0x80, s29, s18, $0xb8;
	[tilespmem:$0x1E800] =	vst v63  }
0x9c: {  	_ =	swait.ge [sflag:s15], $0x4000  }
0x9d: {  	[sflag:s15] =	ssyncset.done $0x0  }
0x9e: {  	s30 =	sadd.s32 $0x100, s28;
	[sflag:s15] =	ssyncadd.s32 $0xFFFFC000  }
0x9f: {  	[tilespmem:s19], [sflag:$0x1] =	stream.indirect.gather [hbm4b:s3+s18], $0x80, s30, s18, $0xb8;
	[tilespmem:$0x1E800] =	vst v63  }
0xa0: {  	_ =	swait.ge [sflag:s22], $0x4000  }
0xa1: {  	[sflag:s22] =	ssyncset.done $0x0  }
0xa2: {  	s31 =	sadd.s32 $0x1480, s28;
	[sflag:s22] =	ssyncadd.s32 $0xFFFFC000  }
0xa3: {  	[spmem:s1] =	stream.indirect.scatter.add.f32 [tilespmem:s20], [sflag:$0x3], $0x80, s31, s18, $0xb8;
	[tilespmem:$0x1E800] =	vst v63  }
0xa4: {  	_ =	swait.ge [sflag:s15], $0x4000  }
0xa5: {  	[sflag:s15] =	ssyncset.done $0x0  }
0xa6: {  	[sflag:s15] =	ssyncadd.s32 $0xFFFFC000  }
0xa7: {  	[tilespmem:s20], [sflag:$0x2] =	stream.indirect.gather [hbm4b:s3+s18], $0x80, s23, s18, $0xb8;
	[tilespmem:$0x1E800] =	vst v63  }
0xa8: {  	_ =	swait.ge [sflag:s21], $0x4000  }
0xa9: {  	[sflag:s21] =	ssyncset.done $0x0  }
0xaa: {  	[sflag:s21] =	ssyncadd.s32 $0xFFFFC000  }
0xab: {  	[spmem:s1] =	stream.indirect.scatter.add.f32 [tilespmem:s19], [sflag:$0x3], $0x80, s24, s18, $0xb8;
	[tilespmem:$0x1E800] =	vst v63  }
0xac: {  	_ =	swait.ge [sflag:s15], $0x4000  }
0xad: {  	[sflag:s15] =	ssyncset.done $0x0  }
0xae: {  	[sflag:s15] =	ssyncadd.s32 $0xFFFFC000  }
0xaf: {  	[tilespmem:s19], [sflag:$0x1] =	stream.indirect.gather [hbm4b:s3+s18], $0x80, s2, s18, $0xb8;
	[tilespmem:$0x1E800] =	vst v63  }
0xb0: {  	_ =	swait.ge [sflag:s22], $0x4000  }
0xb1: {  	[sflag:s22] =	ssyncset.done $0x0  }
0xb2: {  	[sflag:s22] =	ssyncadd.s32 $0xFFFFC000  }
0xb3: {  	[spmem:s1] =	stream.indirect.scatter.add.f32 [tilespmem:s20], [sflag:$0x3], $0x80, s25, s18, $0xb8;
	[tilespmem:$0x1E800] =	vst v63  }
0xb4: {  	_ =	swait.ge [sflag:s15], $0x4000  }
0xb5: {  	[sflag:s15] =	ssyncset.done $0x0  }
0xb6: {  	[sflag:s15] =	ssyncadd.s32 $0xFFFFC000  }
0xb7: {  	_ =	swait.ge [sflag:s21], $0x4000  }
0xb8: {  	[sflag:s21] =	ssyncset.done $0x0  }
0xb9: {  	[sflag:s21] =	ssyncadd.s32 $0xFFFFC000  }
0xba: {  	[bflag:$0x0] =	sbarrier.arrive $0xFFFF  }
0xbb: {  	[hbm:s11], [sflag:s5] =	dma.local [spmem:s14], $0x2700  }
0xbc: {  	s26 =	sadd.s32 $0x1, s26;
	_ =	swait.ge [sflag:s15], $0x2700  }
0xbd: {  	p1 =	sne.s32 s26, s13;
	[sflag:s15] =	ssyncset.done $0x0  }
.Ltmp2:
0xbe: {  	s0 =	simm.s32 @!p0 $0x3;
	[sflag:s15] =	ssyncadd.s32 $0xFFFFD900;
	(pc) =	sbr.rel @p1 .LBB2_1-.Ltmp2, $4  }
0xbf: {  	[hbm:s12], [sflag:s5] =	dma.local @!p0 [spmem:s16], $0x100  }
0xc0: {  	_ =	swait.ge @!p0 [sflag:s0], $0x100  }
0xc1: {  	[sflag:s0] =	ssyncset.done @!p0 $0x0  }
0xc2: {  	[sflag:s0] =	ssyncadd.s32 @!p0 $0xFFFFFF00  }
0xc3: {  	_ =	sfence.sel $0x180000  }
0xc4: {  	[bflag:$0x0] =	sbarrier.arrive $0xFFFF  }
0xc5: {  	_ =	strace $0x9000004A  }
0xc6: {  	[bflag:$0x2] =	sbarrier.arrive $0xFFFF  }
0xc7: {  	s0 =	rddreg [dreg:$0x2]  }
0xc8: {  	s0 =	sadd.s32 @!p0 $0x100000, s0  }
0xc9: {  	[sflag:s0] =	ssyncadd.tile.s32 @!p0 $0x1;
	_ =	shalt  }
.Lfunc_end2:
_tile_overlayer_lowered:
.L_overlay_start_2:
0xca: {  	(tag) =	ssettag $0x2  }
0xcb: {  	s0 =	rddreg [dreg:$0x0];
	s2 =	stileid.u32  }
0xcc: {  	s1 =	rddreg [dreg:$0x1];
	p0 =	sne.s32 s2, $0x0  }
0xcd: {  	s3 =	rddreg [dreg:$0x2];
	[bflag:$0x3] =	sbarrier.arrive $0xFFFF;
	s2 =	simm.s32 @!p0 $0x1C03  }
0xce: {  	[timem:s3], [sflag:s2] =	dma.local @!p0 [hbm:s0], s1  }
0xcf: {  	s0 =	simm.s32 @!p0 $0x3  }
0xd0: {  	_ =	swait.ge @!p0 [sflag:s0], s1  }
0xd1: {  	s1 =	ssub.s32 @!p0 $0x0, s1;
	[sflag:s0] =	ssyncset.done @!p0 $0x0  }
0xd2: {  	[sflag:s0] =	ssyncadd.s32 @!p0 s1  }
0xd3: {  	[bflag:$0x3] =	sbarrier.arrive $0xFFFF  }
0xd4: {  	_ =	shalt  }

// kernel: kernel.16.cloned.1.call-start
scs
__scs_entry_jumppad:
0x0: {  	(pc) =	sbr.rel $0x88, $3  }
0x1: {  	(tag) =	ssettag $0x0;
	lr =	simm.s32 $0x1  }
0x2: {  	[smem:$0x3F94] =	sst lr;
	_ =	strace $0xD0000000  }
0x3: {  	_ = 	snop  }
0x4: {  	_ = 	snop  }
0x5: {  	_ = 	snop  }
0x6: {  	_ = 	snop  }
0x7: {  	_ = 	snop  }
__scs_overlays_trampoline_lowered:
0x8: {  	[smem:$0x3FA3] =	sst s0  }
0x9: {  	[smem:$0x3FA4] =	sst s1  }
0xa: {  	[smem:$0x3FA5] =	sst s2  }
0xb: {  	[smem:$0x3FA6] =	sst s3  }
0xc: {  	[smem:$0x3FA7] =	sst s4  }
0xd: {  	[smem:$0x3FA8] =	sst s5  }
0xe: {  	[smem:$0x3FA9] =	sst s6  }
0xf: {  	[smem:$0x3FAA] =	sst s7  }
0x10: {  	[smem:$0x3FAB] =	sst s8  }
0x11: {  	[smem:$0x3FAC] =	sst s9;
	s0 =	simm.s32 @!p0 $0x0  }
0x12: {  	s1 =	sld [smem:$0x3F92];
	s0 =	simm.s32 @p0 $0x1  }
0x13: {  	[smem:$0x3FAD] =	sst s0;
	s0 =	simm.s32 @!p1 $0x0  }
0x14: {  	s2 =	sld [smem:$0x3F91];
	s0 =	simm.s32 @p1 $0x1  }
0x15: {  	[smem:$0x3FAE] =	sst s0;
	s0 =	simm.s32 @!p2 $0x0  }
0x16: {  	s3 =	sld [smem:$0x3FDB];
	s0 =	simm.s32 @p2 $0x1  }
0x17: {  	s4 =	simm.s32 $0x1BF5;
	[smem:$0x3FB0] =	sst s0  }
0x18: {  	s0 =	sld [smem:$0x3F93];
	_ =	swait.ge [sflag:s4], $0x0  }
0x19: {  	s7 =	sld [smem:$0x3F94]  }
0x1a: {  	s8 =	sadd.s32 $0xFFFFE003, lr  }
0x1b: {  	s9 =	sadd.s32 $0xFFFFFEF7, lr;
	s5 =	simm.s32 $0xFFFFFFFF;
	p2 =	slt.u32 s8, $0xFFFFF086  }
0x1c: {  	p1 =	slt.u32 s9, $0xF7A;
	s5 =	simm.s32 @!p2 $0x0  }
0x1d: {  	s5 =	simm.s32 @p1 $0x1;
	p0 =	seq.s32 s7, s2  }
0x1e: {  	s7 =	smul.u32 @!p0 $0xF7A, s2;
	p2 =	seq.s32 @!p0 s5, $0x0  }
0x1f: {  	s9 =	smul.u32 $0xF7A, s1;
	s8 =	simm.s32 @!p0 $0x1BF5;
	p2 =	por !p2, p0  }
0x20: {  	[sflag:s8] =	ssyncset.s32 @!p0 $0xFFFFF086;
	s6 =	sadd.s32 @!p0 s3, s7;
	s7 =	simm.s32 @!p0 $0x108  }
0x21: {  	s3 =	sadd.s32 s3, s9;
	s6 =	sadd.s32 @!p0 $0x88, s6;
	s7 =	simm.s32 @p2 $0x1082  }
0x22: {  	[simem:s7], [sflag:s8] =	dma.local @!p0 [hbm:s6], $0xF7A  }
0x23: {  	s9 =	sor.u32 $0xD0000000, s2;
	s6 =	simm.s32 $0x108;
	_ =	swait.ge @!p0 [sflag:s8], $0x0  }
0x24: {  	s3 =	sadd.s32 $0x88, s3;
	s6 =	simm.s32 @!p1 $0x1082;
	[sflag:s4] =	ssyncset.s32 $0xFFFFF086  }
0x25: {  	[simem:s6], [sflag:s4] =	dma.local [hbm:s3], $0xF7A  }
0x26: {  	[smem:$0x3F94] =	sst s1;
	(tag) =	ssettag s2;
	_ =	strace s9  }
0x27: {  	s1 =	sld [smem:$0x3FA4]  }
0x28: {  	s2 =	sld [smem:$0x3FA5]  }
0x29: {  	s4 =	sld [smem:$0x3FA7]  }
0x2a: {  	p0 =	seq.s32 s5, $0x0;
	s5 =	sld [smem:$0x3FA8]  }
0x2b: {  	s6 =	sld [smem:$0x3FA9]  }
0x2c: {  	s7 =	sld [smem:$0x3FAA]  }
0x2d: {  	s3 =	simm.s32 $0x108;
	s8 =	sld [smem:$0x3FAB]  }
0x2e: {  	s3 =	simm.s32 @!p0 $0x1082;
	s9 =	sld [smem:$0x3FAC]  }
0x2f: {  	lr =	sadd.s32 s0, s3;
	s0 =	sld [smem:$0x3FA3]  }
0x30: {  	s3 =	sld [smem:$0x3FA6]  }
0x31: {  	[smem:$0x3FAF] =	sst s10  }
0x32: {  	s10 =	sld [smem:$0x3FAD];
	_ =	sdelay $0x3  }
0x33: {  	p0 =	seq.s32 s10, $0x1;
	s10 =	sld [smem:$0x3FAF];
	_ =	sdelay $0x3  }
0x34: {  	[smem:$0x3FAF] =	sst s10  }
0x35: {  	s10 =	sld [smem:$0x3FAE];
	_ =	sdelay $0x3  }
0x36: {  	p1 =	seq.s32 s10, $0x1;
	s10 =	sld [smem:$0x3FAF];
	_ =	sdelay $0x3  }
0x37: {  	[smem:$0x3FAF] =	sst s10  }
0x38: {  	s10 =	sld [smem:$0x3FB0]  }
0x39: {  	_ = 	snop;
	(pc) =	sbr.ind lr, $3  }
0x3a: {  	_ = 	snop  }
0x3b: {  	_ = 	snop  }
0x3c: {  	p2 =	seq.s32 s10, $0x1;
	s10 =	sld [smem:$0x3FAF]  }
0x3d: {  	_ =	shalt  }
0x3e: {  	_ =	shalt  }
0x3f: {  	_ =	shalt  }
0x40: {  	_ =	shalt  }
0x41: {  	_ =	shalt  }
0x42: {  	_ =	shalt  }
0x43: {  	_ =	shalt  }
0x44: {  	_ =	shalt  }
0x45: {  	_ =	shalt  }
0x46: {  	_ =	shalt  }
0x47: {  	_ =	shalt  }
0x48: {  	_ =	shalt  }
0x49: {  	_ =	shalt  }
0x4a: {  	_ =	shalt  }
0x4b: {  	_ =	shalt  }
0x4c: {  	_ =	shalt  }
0x4d: {  	_ =	shalt  }
0x4e: {  	_ =	shalt  }
0x4f: {  	_ =	shalt  }
0x50: {  	_ =	shalt  }
0x51: {  	_ =	shalt  }
0x52: {  	_ =	shalt  }
0x53: {  	_ =	shalt  }
0x54: {  	_ =	shalt  }
0x55: {  	_ =	shalt  }
0x56: {  	_ =	shalt  }
0x57: {  	_ =	shalt  }
0x58: {  	_ =	shalt  }
0x59: {  	_ =	shalt  }
0x5a: {  	_ =	shalt  }
0x5b: {  	_ =	shalt  }
0x5c: {  	_ =	shalt  }
0x5d: {  	_ =	shalt  }
0x5e: {  	_ =	shalt  }
0x5f: {  	_ =	shalt  }
0x60: {  	_ =	shalt  }
0x61: {  	_ =	shalt  }
0x62: {  	_ =	shalt  }
0x63: {  	_ =	shalt  }
0x64: {  	_ =	shalt  }
0x65: {  	_ =	shalt  }
0x66: {  	_ =	shalt  }
0x67: {  	_ =	shalt  }
0x68: {  	_ =	shalt  }
0x69: {  	_ =	shalt  }
0x6a: {  	_ =	shalt  }
0x6b: {  	_ =	shalt  }
0x6c: {  	_ =	shalt  }
0x6d: {  	_ =	shalt  }
0x6e: {  	_ =	shalt  }
0x6f: {  	_ =	shalt  }
0x70: {  	_ =	shalt  }
0x71: {  	_ =	shalt  }
0x72: {  	_ =	shalt  }
0x73: {  	_ =	shalt  }
0x74: {  	_ =	shalt  }
0x75: {  	_ =	shalt  }
0x76: {  	_ =	shalt  }
0x77: {  	_ =	shalt  }
0x78: {  	_ =	shalt  }
0x79: {  	_ =	shalt  }
0x7a: {  	_ =	shalt  }
0x7b: {  	_ =	shalt  }
0x7c: {  	_ =	shalt  }
0x7d: {  	_ =	shalt  }
0x7e: {  	_ =	shalt  }
0x7f: {  	_ =	shalt  }
0x80: {  	_ =	shalt  }
0x81: {  	_ =	shalt  }
0x82: {  	_ =	shalt  }
0x83: {  	_ =	shalt  }
0x84: {  	_ =	shalt  }
0x85: {  	_ =	shalt  }
0x86: {  	_ =	shalt  }
0x87: {  	_ =	shalt  }
.Lfunc_end0:
.L_simem_size_0:
called_computation.2_lowered:
.L_overlay_start_0:
0x88: {  	s2 =	sld [smem:$0x3FD9]  }
0x89: {  	s3 =	sld [smem:$0x3FFE];
	_ =	sdelay $0x1  }
0x8a: {  	s1 =	srdreg.scid  }
0x8b: {  	s0 =	sand.u32 $0x1, s1  }
0x8c: {  	s16 =	sshll.u32 s0, $0xA;
	s2 =	sadd.s32 s3, s2  }
0x8d: {  	s2 =	sadd.s32 s2, s16  }
0x8e: {  	[smem:$0x3FBB] =	sst s2  }
0x8f: {  	_ = 	snop  }
0x90: {  	(tm) =	ssettm $0x1  }
0x91: {  	s17 =	sld [smem:$0x3FFB];
	_ =	sdelay $0x3  }
0x92: {  	_ =	strace s17  }
0x93: {  	s2 =	sld [smem:$0x3FFC];
	_ =	sdelay $0x3  }
0x94: {  	_ =	strace s2  }
0x95: {  	s2 =	sld [smem:$0x3FFD];
	_ =	sdelay $0x3  }
0x96: {  	_ =	strace s2  }
0x97: {  	_ =	strace $0x8FFFFFFF  }
0x98: {  	s18 =	sld [smem:$0x3FDB];
	_ =	sdelay $0x1  }
0x99: {  	s19 =	simm.s32 $_scs_section_size  }
0x9a: {  	s4 =	simm.s32 $_size__tile_overlayer_lowered;
	s5 =	simm.s32 $_tile_overlayer_lowered  }
0x9b: {  	s22 =	simm.s32 $0x1BFF;
	s21 =	sshll.u32 s5, $0x1;
	s2 =	sadd.s32 s19, s18  }
0x9c: {  	s6 =	simm.s32 $0x0;
	s20 =	sshll.u32 s4, $0x1;
	s4 =	sadd.s32 s21, s2  }
0x9d: {  	[timem:s6], [sflag:s22] =	dma.local [hbm:s4], s20  }
0x9e: {  	_ =	swait.ge [sflag:s22], s20  }
0x9f: {  	s3 =	ssub.s32 $0x0, s20;
	[sflag:s22] =	ssyncset.done $0x0  }
0xa0: {  	[sflag:s22] =	ssyncadd.s32 s3;
	_ =	sdelay $0x1  }
0xa1: {  	s23 =	simm.s32 $0x1B8B  }
0xa2: {  	_ =	swait.ge [sflag:s23], $0x1  }
0xa3: {  	[sflag:s23] =	ssyncset.done $0x0  }
0xa4: {  	s25 =	simm.s32 $0x1B8E;
	s24 =	sld [smem:$0x3FFE];
	[sflag:s23] =	ssyncadd.s32 $0xFFFFFFFF  }
0xa5: {  	s26 =	simm.s32 $execute0_lowered;
	[smem:$0x3FD2] =	sst s25  }
0xa6: {  	s4 =	sshll.u32 s26, $0x1;
	_ =	strace $0x8000004C;
	[dreg:$0x1] =	wrdreg $0xFFFFFFFF  }
0xa7: {  	s28 =	simm.s32 $_size_execute0_lowered;
	s2 =	sadd.s32 s2, s4;
	[dreg:$0x0] =	wrdreg $0x0  }
0xa8: {  	s4 =	sshll.u32 s28, $0x1;
	[dreg:$0x2] =	wrdreg s2  }
0xa9: {  	[dreg:$0x3] =	wrdreg s4  }
0xaa: {  	[dreg:$0x4] =	wrdreg $0xC0  }
0xab: {  	_ =	task [dreg:s6], $0x5FFFF  }
0xac: {  	[dreg:$0x1] =	wrdreg $0xFFFFFFFF  }
0xad: {  	[dreg:$0x0] =	wrdreg $0x60  }
0xae: {  	[dreg:$0x2] =	wrdreg s24  }
0xaf: {  	[dreg:$0x3] =	wrdreg $0xA8000  }
0xb0: {  	[dreg:$0x4] =	wrdreg $0x9  }
0xb1: {  	_ =	task.clear_ibuf [dreg:s6], $0x5FFFF;
	_ =	strace $0x9000004C  }
0xb2: {  	s29 =	simm.s32 $0x9;
	_ =	strace $0x8000004E  }
0xb3: {  	_ =	swait.ge [sflag:s29], $0x1  }
0xb4: {  	[sflag:s29] =	ssyncadd.s32 $0xFFFFFFFF  }
0xb5: {  	_ =	strace $0x9000004E  }
0xb6: {  	_ =	sfence  }
0xb7: {  	s30 =	sld [smem:$0x0];
	_ =	sdelay $0x2  }
0xb8: {  	s31 =	sshll.u32 s1, $0xD;
	s1 =	sshrl.u32 s1, $0x2  }
0xb9: {  	s3 =	sand.u32 $0x4000, s31;
	s1 =	sadd.s32 s1, s30  }
0xba: {  	s0 =	sor.u32 s3, s0;
	s1 =	sshll.u32 s1, $0x11  }
0xbb: {  	s0 =	sor.u32 s1, s0  }
0xbc: {  	s0 =	sadd.s32 $0x8F2B, s0  }
0xbd: {  	[sflag:s0] =	ssyncadd.remote.s32 $0x1  }
0xbe: {  	_ =	sfence.sel $0xFFFF  }
0xbf: {  	[dreg:$0x0] =	wrdreg $0xFFFFFFFF;
	(pc) =	sbr.abs _section_cstart, $3  }
0xc0: {  	[dreg:$0x1] =	wrdreg $0xFFFFFFFF  }
0xc1: {  	_ =	task.clear_ibuf [dreg:s6], $0x2FFFF;
	_ =	strace $0x9FFFFFFF  }
0xc2: {  	(tm) =	ssettm $0x7FFFFFFF  }
0xc3: {  	_ =	shalt  }
tec
execute0_lowered:
.L_overlay_start_1:
0x0: {  	(tag) =	ssettag $0x1  }
0x1: {  	s6 =	rddreg [dreg:$0x0]  }
0x2: {  	s1 =	rddreg [dreg:$0x1]  }
0x3: {  	s2 =	simm.s32 $0x0;
	s4 =	srdreg.scid;
	s14 =	stileid.u32  }
0x4: {  	s19 =	simm.s32 $0x2800;
	s20 =	simm.s32 $0x6800;
	s21 =	simm.s32 $0x1  }
0x5: {  	s22 =	simm.s32 $0x2;
	s23 =	simm.s32 $0x1380;
	s24 =	simm.s32 $0x2700  }
0x6: {  	[smem:$0x7FF] =	sst s2;
	s9 =	sadd.s32 $0x85C00, s6;
	s10 =	sadd.s32 $0x3400, s6  }
0x7: {  	s3 =	sadd.s32 $0xD400, s6;
	s7 =	sand.u32 $0x1, s4;
	s5 =	smul.u32 $0x4E000, s14  }
0x8: {  	s11 =	sadd.s32 $0x34600, s6;
	s12 =	smul.u32 $0x13800, s14;
	s13 =	sshll.u32 s14, $0x1  }
0x9: {  	s29 =	sshll.u32 s14, $0x6;
	s18 =	sadd.s32 $0x138000, s1;
	s6 =	sadd.s32 $0x34400, s6  }
0xa: {  	p0 =	sne.s32 s14, $0x0;
	_ =	strace $0x8000004D;
	s4 =	ssub.s32 $0x2, s7  }
0xb: {  	s26 =	sor.u32 s7, s13;
	s31 =	smul.u32 $0x138800, s7;
	s8 =	sshrl.u32 s4, $0x1  }
0xc: {  	s25 =	sshrl.u32 s5, $0x2;
	s28 =	sshrl.u32 s12, $0x3;
	s16 =	smul.u32 $0x2800, s26  }
0xd: {  	s5 =	sor.u32 $0x1C03, s29;
	s26 =	simm.s32 $0x0;
	s15 =	ssub.s32 s4, s8  }
0xe: {  	s17 =	sadd.s32 s25, s1;
	s4 =	sadd.s32 s3, s28;
	s12 =	sadd.s32 s12, s31  }
0xf: {  	s25 =	simm.s32 $0x2780;
	s30 =	sshrl.u32 s16, $0x3;
	s16 =	sshrl.u32 s31, $0x3  }
0x10: {  	s12 =	sshrl.u32 s12, $0x3;
	s14 =	sshrl.u32 s17, $0x3;
	s17 =	simm.s32 $0x1400  }
0x11: {  	s7 =	sadd.s32 s9, s30;
	s8 =	sadd.s32 s10, s30;
	s13 =	sadd.s32 $0x280, s30  }
0x12: {  	s16 =	sadd.s32 s11, s16;
	s11 =	sadd.s32 s11, s12;
	s9 =	sadd.s32 s9, s13  }
0x13: {  	s10 =	sadd.s32 s10, s13;
	s12 =	sadd.s32 $0x27000, s16;
	s13 =	smax.u32 s15, $0x1  }
0x14: {  	s15 =	simm.s32 $0x3;
	s16 =	sshrl.u32 @!p0 s18, $0x3;
	s18 =	simm.s32 $0x80  }
.LBB2_1:
0x15: {  	[spmem:s14], [sflag:s5] =	dma.local [hbm:s4], $0x2700  }
0x16: {  	_ =	swait.ge [sflag:s15], $0x2700  }
0x17: {  	[sflag:s15] =	ssyncset.done $0x0  }
0x18: {  	s28 =	simm.s32 @!p0 $0x3;
	[sflag:s15] =	ssyncadd.s32 $0xFFFFD900  }
0x19: {  	[spmem:s16], [sflag:s5] =	dma.local @!p0 [hbm:s6], $0x100  }
0x1a: {  	_ =	swait.ge @!p0 [sflag:s28], $0x100  }
0x1b: {  	[sflag:s28] =	ssyncset.done @!p0 $0x0  }
0x1c: {  	[sflag:s28] =	ssyncadd.s32 @!p0 $0xFFFFFF00  }
0x1d: {  	[bflag:$0x0] =	sbarrier.arrive $0xFFFF  }
0x1e: {  	[tilespmem:s2], [sflag:$0x3] =	stream.linear.gather [hbm4b:s7+s2], $0x1400, $0x38;
	[tilespmem:$0x1E800] =	vst v63  }
0x1f: {  	_ =	swait.ge [sflag:s15], $0x1400  }
0x20: {  	[sflag:s15] =	ssyncset.done $0x0  }
0x21: {  	[sflag:s15] =	ssyncadd.s32 $0xFFFFEC00  }
0x22: {  	[tilespmem:s17], [sflag:$0x3] =	stream.linear.gather [hbm4b:s8+s2], $0x1400, $0x38;
	[tilespmem:$0x1E800] =	vst v63  }
0x23: {  	_ =	swait.ge [sflag:s15], $0x1400  }
0x24: {  	[sflag:s15] =	ssyncset.done $0x0  }
0x25: {  	[sflag:s15] =	ssyncadd.s32 $0xFFFFEC00  }
0x26: {  	[tilespmem:s19], [sflag:$0x1] =	stream.indirect.gather [hbm4b:s3+s18], $0x80, s2, s18, $0xb8;
	[tilespmem:$0x1E800] =	vst v63  }
0x27: {  	s28 =	simm.s32 $0x80  }
0x28: {  	[tilespmem:s20], [sflag:$0x2] =	stream.indirect.gather [hbm4b:s3+s18], $0x80, s28, s18, $0xb8;
	[tilespmem:$0x1E800] =	vst v63  }
0x29: {  	_ =	swait.ge [sflag:s21], $0x4000  }
0x2a: {  	[sflag:s21] =	ssyncset.done $0x0  }
0x2b: {  	s28 =	simm.s32 $0x1400;
	[sflag:s21] =	ssyncadd.s32 $0xFFFFC000  }
0x2c: {  	[spmem:s1] =	stream.indirect.scatter.add.f32 [tilespmem:s19], [sflag:$0x3], $0x80, s28, s18, $0xb8;
	[tilespmem:$0x1E800] =	vst v63  }
0x2d: {  	_ =	swait.ge [sflag:s15], $0x4000  }
0x2e: {  	[sflag:s15] =	ssyncset.done $0x0  }
0x2f: {  	s28 =	simm.s32 $0x100;
	[sflag:s15] =	ssyncadd.s32 $0xFFFFC000  }
0x30: {  	[tilespmem:s19], [sflag:$0x1] =	stream.indirect.gather [hbm4b:s3+s18], $0x80, s28, s18, $0xb8;
	[tilespmem:$0x1E800] =	vst v63  }
0x31: {  	_ =	swait.ge [sflag:s22], $0x4000  }
0x32: {  	[sflag:s22] =	ssyncset.done $0x0  }
0x33: {  	s28 =	simm.s32 $0x1480;
	[sflag:s22] =	ssyncadd.s32 $0xFFFFC000  }
0x34: {  	[spmem:s1] =	stream.indirect.scatter.add.f32 [tilespmem:s20], [sflag:$0x3], $0x80, s28, s18, $0xb8;
	[tilespmem:$0x1E800] =	vst v63  }
0x35: {  	_ =	swait.ge [sflag:s15], $0x4000  }
0x36: {  	s29 =	simm.s32 $0x800;
	s28 =	simm.s32 $0x100;
	[sflag:s15] =	ssyncset.done $0x0  }
.LBB2_2:
0x37: {  	s30 =	sadd.s32 $0x80, s28  }
0x38: {  	[sflag:s15] =	ssyncadd.s32 $0xFFFFC000;
	s31 =	smov.u32 s29;
	s0 =	sadd.s32 $0x400, s29  }
0x39: {  	[tilespmem:s20], [sflag:$0x2] =	stream.indirect.gather [hbm4b:s3+s18], $0x80, s30, s18, $0xb8;
	[tilespmem:$0x1E800] =	vst v63  }
0x3a: {  	p1 =	sne.s32 s29, $0x4800;
	_ =	swait.ge [sflag:s21], $0x4000  }
0x3b: {  	[sflag:s21] =	ssyncset.done $0x0  }
0x3c: {  	s29 =	sadd.s32 $0x1400, s28;
	[sflag:s21] =	ssyncadd.s32 $0xFFFFC000  }
0x3d: {  	[spmem:s1] =	stream.indirect.scatter.add.f32 [tilespmem:s19], [sflag:$0x3], $0x80, s29, s18, $0xb8;
	[tilespmem:$0x1E800] =	vst v63  }
0x3e: {  	_ =	swait.ge [sflag:s15], $0x4000  }
0x3f: {  	[sflag:s15] =	ssyncset.done $0x0  }
0x40: {  	s29 =	sadd.s32 $0x100, s28;
	[sflag:s15] =	ssyncadd.s32 $0xFFFFC000  }
0x41: {  	[tilespmem:s19], [sflag:$0x1] =	stream.indirect.gather [hbm4b:s3+s18], $0x80, s29, s18, $0xb8;
	[tilespmem:$0x1E800] =	vst v63  }
0x42: {  	_ =	swait.ge [sflag:s22], $0x4000  }
.Ltmp0:
0x43: {  	[sflag:s22] =	ssyncset.done $0x0;
	(pc) =	sbr.rel @p1 .LBB2_2-.Ltmp0, $4  }
0x44: {  	s28 =	sadd.s32 $0x1480, s28;
	[sflag:s22] =	ssyncadd.s32 $0xFFFFC000  }
0x45: {  	[spmem:s1] =	stream.indirect.scatter.add.f32 [tilespmem:s20], [sflag:$0x3], $0x80, s28, s18, $0xb8;
	[tilespmem:$0x1E800] =	vst v63  }
0x46: {  	_ =	swait.ge [sflag:s15], $0x4000  }
0x47: {  	s29 =	smov.u32 s0;
	s28 =	sshra.s32 s31, $0x2;
	[sflag:s15] =	ssyncset.done $0x0  }
0x48: {  	s0 =	sadd.s32 $0x80, s28;
	[sflag:s15] =	ssyncadd.s32 $0xFFFFC000  }
0x49: {  	[tilespmem:s20], [sflag:$0x2] =	stream.indirect.gather [hbm4b:s3+s18], $0x80, s0, s18, $0xb8;
	[tilespmem:$0x1E800] =	vst v63  }
0x4a: {  	_ =	swait.ge [sflag:s21], $0x4000  }
0x4b: {  	[sflag:s21] =	ssyncset.done $0x0  }
0x4c: {  	s30 =	sadd.s32 $0x1400, s28;
	[sflag:s21] =	ssyncadd.s32 $0xFFFFC000  }
0x4d: {  	[spmem:s1] =	stream.indirect.scatter.add.f32 [tilespmem:s19], [sflag:$0x3], $0x80, s30, s18, $0xb8;
	[tilespmem:$0x1E800] =	vst v63  }
0x4e: {  	_ =	swait.ge [sflag:s15], $0x4000  }
0x4f: {  	[sflag:s15] =	ssyncset.done $0x0  }
0x50: {  	s31 =	sadd.s32 $0x100, s28;
	[sflag:s15] =	ssyncadd.s32 $0xFFFFC000  }
0x51: {  	[tilespmem:s19], [sflag:$0x1] =	stream.indirect.gather [hbm4b:s3+s18], $0x80, s31, s18, $0xb8;
	[tilespmem:$0x1E800] =	vst v63  }
0x52: {  	_ =	swait.ge [sflag:s22], $0x4000  }
0x53: {  	[sflag:s22] =	ssyncset.done $0x0  }
0x54: {  	s30 =	sadd.s32 $0x1480, s28;
	[sflag:s22] =	ssyncadd.s32 $0xFFFFC000  }
0x55: {  	[spmem:s1] =	stream.indirect.scatter.add.f32 [tilespmem:s20], [sflag:$0x3], $0x80, s30, s18, $0xb8;
	[tilespmem:$0x1E800] =	vst v63  }
0x56: {  	_ =	swait.ge [sflag:s15], $0x4000  }
0x57: {  	[sflag:s15] =	ssyncset.done $0x0  }
0x58: {  	[sflag:s15] =	ssyncadd.s32 $0xFFFFC000  }
0x59: {  	[tilespmem:s20], [sflag:$0x2] =	stream.indirect.gather [hbm4b:s3+s18], $0x80, s23, s18, $0xb8;
	[tilespmem:$0x1E800] =	vst v63  }
0x5a: {  	_ =	swait.ge [sflag:s21], $0x4000  }
0x5b: {  	[sflag:s21] =	ssyncset.done $0x0  }
0x5c: {  	[sflag:s21] =	ssyncadd.s32 $0xFFFFC000  }
0x5d: {  	[spmem:s1] =	stream.indirect.scatter.add.f32 [tilespmem:s19], [sflag:$0x3], $0x80, s24, s18, $0xb8;
	[tilespmem:$0x1E800] =	vst v63  }
0x5e: {  	_ =	swait.ge [sflag:s15], $0x4000  }
0x5f: {  	[sflag:s15] =	ssyncset.done $0x0  }
0x60: {  	s31 =	simm.s32 $0x0;
	[sflag:s15] =	ssyncadd.s32 $0xFFFFC000  }
0x61: {  	[tilespmem:s19], [sflag:$0x1] =	stream.indirect.gather [hbm4b:s3+s18], $0x80, s31, s18, $0xb8;
	[tilespmem:$0x1E800] =	vst v63  }
0x62: {  	_ =	swait.ge [sflag:s22], $0x4000  }
0x63: {  	[sflag:s22] =	ssyncset.done $0x0  }
0x64: {  	[sflag:s22] =	ssyncadd.s32 $0xFFFFC000  }
0x65: {  	[spmem:s1] =	stream.indirect.scatter.add.f32 [tilespmem:s20], [sflag:$0x3], $0x80, s25, s18, $0xb8;
	[tilespmem:$0x1E800] =	vst v63  }
0x66: {  	_ =	swait.ge [sflag:s15], $0x4000  }
0x67: {  	[sflag:s15] =	ssyncset.done $0x0  }
0x68: {  	[sflag:s15] =	ssyncadd.s32 $0xFFFFC000  }
0x69: {  	_ =	swait.ge [sflag:s21], $0x4000  }
0x6a: {  	[sflag:s21] =	ssyncset.done $0x0  }
0x6b: {  	[sflag:s21] =	ssyncadd.s32 $0xFFFFC000  }
0x6c: {  	[tilespmem:s31], [sflag:$0x3] =	stream.linear.gather [hbm4b:s9+s31], $0x1400, $0x38;
	[tilespmem:$0x1E800] =	vst v63  }
0x6d: {  	_ =	swait.ge [sflag:s15], $0x1400  }
0x6e: {  	[sflag:s15] =	ssyncset.done $0x0  }
0x6f: {  	[sflag:s15] =	ssyncadd.s32 $0xFFFFEC00  }
0x70: {  	[tilespmem:s17], [sflag:$0x3] =	stream.linear.gather [hbm4b:s10+s31], $0x1400, $0x38;
	[tilespmem:$0x1E800] =	vst v63  }
0x71: {  	_ =	swait.ge [sflag:s15], $0x1400  }
0x72: {  	[sflag:s15] =	ssyncset.done $0x0  }
0x73: {  	[sflag:s15] =	ssyncadd.s32 $0xFFFFEC00  }
0x74: {  	[tilespmem:s19], [sflag:$0x1] =	stream.indirect.gather [hbm4b:s3+s18], $0x80, s31, s18, $0xb8;
	[tilespmem:$0x1E800] =	vst v63  }
0x75: {  	s30 =	simm.s32 $0x80  }
0x76: {  	[tilespmem:s20], [sflag:$0x2] =	stream.indirect.gather [hbm4b:s3+s18], $0x80, s30, s18, $0xb8;
	[tilespmem:$0x1E800] =	vst v63  }
0x77: {  	_ =	swait.ge [sflag:s21], $0x4000  }
0x78: {  	[sflag:s21] =	ssyncset.done $0x0  }
0x79: {  	s31 =	simm.s32 $0x1400;
	[sflag:s21] =	ssyncadd.s32 $0xFFFFC000  }
0x7a: {  	[spmem:s1] =	stream.indirect.scatter.add.f32 [tilespmem:s19], [sflag:$0x3], $0x80, s31, s18, $0xb8;
	[tilespmem:$0x1E800] =	vst v63  }
0x7b: {  	_ =	swait.ge [sflag:s15], $0x4000  }
0x7c: {  	[sflag:s15] =	ssyncset.done $0x0  }
0x7d: {  	s30 =	simm.s32 $0x100;
	[sflag:s15] =	ssyncadd.s32 $0xFFFFC000  }
0x7e: {  	[tilespmem:s19], [sflag:$0x1] =	stream.indirect.gather [hbm4b:s3+s18], $0x80, s30, s18, $0xb8;
	[tilespmem:$0x1E800] =	vst v63  }
0x7f: {  	_ =	swait.ge [sflag:s22], $0x4000  }
0x80: {  	[sflag:s22] =	ssyncset.done $0x0  }
0x81: {  	s31 =	simm.s32 $0x1480;
	[sflag:s22] =	ssyncadd.s32 $0xFFFFC000  }
0x82: {  	[spmem:s1] =	stream.indirect.scatter.add.f32 [tilespmem:s20], [sflag:$0x3], $0x80, s31, s18, $0xb8;
	[tilespmem:$0x1E800] =	vst v63  }
0x83: {  	_ =	swait.ge [sflag:s15], $0x4000  }
0x84: {  	s29 =	simm.s32 $0x800;
	s28 =	simm.s32 $0x100;
	[sflag:s15] =	ssyncset.done $0x0  }
.LBB2_4:
0x85: {  	s0 =	sadd.s32 $0x80, s28  }
0x86: {  	[sflag:s15] =	ssyncadd.s32 $0xFFFFC000;
	s30 =	smov.u32 s29;
	s31 =	sadd.s32 $0x400, s29  }
0x87: {  	[tilespmem:s20], [sflag:$0x2] =	stream.indirect.gather [hbm4b:s3+s18], $0x80, s0, s18, $0xb8;
	[tilespmem:$0x1E800] =	vst v63  }
0x88: {  	p1 =	sne.s32 s29, $0x4800;
	_ =	swait.ge [sflag:s21], $0x4000  }
0x89: {  	[sflag:s21] =	ssyncset.done $0x0  }
0x8a: {  	s0 =	sadd.s32 $0x1400, s28;
	[sflag:s21] =	ssyncadd.s32 $0xFFFFC000  }
0x8b: {  	[spmem:s1] =	stream.indirect.scatter.add.f32 [tilespmem:s19], [sflag:$0x3], $0x80, s0, s18, $0xb8;
	[tilespmem:$0x1E800] =	vst v63  }
0x8c: {  	_ =	swait.ge [sflag:s15], $0x4000  }
0x8d: {  	[sflag:s15] =	ssyncset.done $0x0  }
0x8e: {  	s0 =	sadd.s32 $0x100, s28;
	[sflag:s15] =	ssyncadd.s32 $0xFFFFC000  }
0x8f: {  	[tilespmem:s19], [sflag:$0x1] =	stream.indirect.gather [hbm4b:s3+s18], $0x80, s0, s18, $0xb8;
	[tilespmem:$0x1E800] =	vst v63  }
0x90: {  	_ =	swait.ge [sflag:s22], $0x4000  }
.Ltmp1:
0x91: {  	[sflag:s22] =	ssyncset.done $0x0;
	(pc) =	sbr.rel @p1 .LBB2_4-.Ltmp1, $4  }
0x92: {  	s0 =	sadd.s32 $0x1480, s28;
	[sflag:s22] =	ssyncadd.s32 $0xFFFFC000  }
0x93: {  	[spmem:s1] =	stream.indirect.scatter.add.f32 [tilespmem:s20], [sflag:$0x3], $0x80, s0, s18, $0xb8;
	[tilespmem:$0x1E800] =	vst v63  }
0x94: {  	_ =	swait.ge [sflag:s15], $0x4000  }
0x95: {  	s29 =	smov.u32 s31;
	s28 =	sshra.s32 s30, $0x2;
	[sflag:s15] =	ssyncset.done $0x0  }
0x96: {  	s0 =	sadd.s32 $0x80, s28;
	[sflag:s15] =	ssyncadd.s32 $0xFFFFC000  }
0x97: {  	[tilespmem:s20], [sflag:$0x2] =	stream.indirect.gather [hbm4b:s3+s18], $0x80, s0, s18, $0xb8;
	[tilespmem:$0x1E800] =	vst v63  }
0x98: {  	_ =	swait.ge [sflag:s21], $0x4000  }
0x99: {  	[sflag:s21] =	ssyncset.done $0x0  }
0x9a: {  	s29 =	sadd.s32 $0x1400, s28;
	[sflag:s21] =	ssyncadd.s32 $0xFFFFC000  }
0x9b: {  	[spmem:s1] =	stream.indirect.scatter.add.f32 [tilespmem:s19], [sflag:$0x3], $0x80, s29, s18, $0xb8;
	[tilespmem:$0x1E800] =	vst v63  }
0x9c: {  	_ =	swait.ge [sflag:s15], $0x4000  }
0x9d: {  	[sflag:s15] =	ssyncset.done $0x0  }
0x9e: {  	s30 =	sadd.s32 $0x100, s28;
	[sflag:s15] =	ssyncadd.s32 $0xFFFFC000  }
0x9f: {  	[tilespmem:s19], [sflag:$0x1] =	stream.indirect.gather [hbm4b:s3+s18], $0x80, s30, s18, $0xb8;
	[tilespmem:$0x1E800] =	vst v63  }
0xa0: {  	_ =	swait.ge [sflag:s22], $0x4000  }
0xa1: {  	[sflag:s22] =	ssyncset.done $0x0  }
0xa2: {  	s31 =	sadd.s32 $0x1480, s28;
	[sflag:s22] =	ssyncadd.s32 $0xFFFFC000  }
0xa3: {  	[spmem:s1] =	stream.indirect.scatter.add.f32 [tilespmem:s20], [sflag:$0x3], $0x80, s31, s18, $0xb8;
	[tilespmem:$0x1E800] =	vst v63  }
0xa4: {  	_ =	swait.ge [sflag:s15], $0x4000  }
0xa5: {  	[sflag:s15] =	ssyncset.done $0x0  }
0xa6: {  	[sflag:s15] =	ssyncadd.s32 $0xFFFFC000  }
0xa7: {  	[tilespmem:s20], [sflag:$0x2] =	stream.indirect.gather [hbm4b:s3+s18], $0x80, s23, s18, $0xb8;
	[tilespmem:$0x1E800] =	vst v63  }
0xa8: {  	_ =	swait.ge [sflag:s21], $0x4000  }
0xa9: {  	[sflag:s21] =	ssyncset.done $0x0  }
0xaa: {  	[sflag:s21] =	ssyncadd.s32 $0xFFFFC000  }
0xab: {  	[spmem:s1] =	stream.indirect.scatter.add.f32 [tilespmem:s19], [sflag:$0x3], $0x80, s24, s18, $0xb8;
	[tilespmem:$0x1E800] =	vst v63  }
0xac: {  	_ =	swait.ge [sflag:s15], $0x4000  }
0xad: {  	[sflag:s15] =	ssyncset.done $0x0  }
0xae: {  	[sflag:s15] =	ssyncadd.s32 $0xFFFFC000  }
0xaf: {  	[tilespmem:s19], [sflag:$0x1] =	stream.indirect.gather [hbm4b:s3+s18], $0x80, s2, s18, $0xb8;
	[tilespmem:$0x1E800] =	vst v63  }
0xb0: {  	_ =	swait.ge [sflag:s22], $0x4000  }
0xb1: {  	[sflag:s22] =	ssyncset.done $0x0  }
0xb2: {  	[sflag:s22] =	ssyncadd.s32 $0xFFFFC000  }
0xb3: {  	[spmem:s1] =	stream.indirect.scatter.add.f32 [tilespmem:s20], [sflag:$0x3], $0x80, s25, s18, $0xb8;
	[tilespmem:$0x1E800] =	vst v63  }
0xb4: {  	_ =	swait.ge [sflag:s15], $0x4000  }
0xb5: {  	[sflag:s15] =	ssyncset.done $0x0  }
0xb6: {  	[sflag:s15] =	ssyncadd.s32 $0xFFFFC000  }
0xb7: {  	_ =	swait.ge [sflag:s21], $0x4000  }
0xb8: {  	[sflag:s21] =	ssyncset.done $0x0  }
0xb9: {  	[sflag:s21] =	ssyncadd.s32 $0xFFFFC000  }
0xba: {  	[bflag:$0x0] =	sbarrier.arrive $0xFFFF  }
0xbb: {  	[hbm:s11], [sflag:s5] =	dma.local [spmem:s14], $0x2700  }
0xbc: {  	s26 =	sadd.s32 $0x1, s26;
	_ =	swait.ge [sflag:s15], $0x2700  }
0xbd: {  	p1 =	sne.s32 s26, s13;
	[sflag:s15] =	ssyncset.done $0x0  }
.Ltmp2:
0xbe: {  	s0 =	simm.s32 @!p0 $0x3;
	[sflag:s15] =	ssyncadd.s32 $0xFFFFD900;
	(pc) =	sbr.rel @p1 .LBB2_1-.Ltmp2, $4  }
0xbf: {  	[hbm:s12], [sflag:s5] =	dma.local @!p0 [spmem:s16], $0x100  }
0xc0: {  	_ =	swait.ge @!p0 [sflag:s0], $0x100  }
0xc1: {  	[sflag:s0] =	ssyncset.done @!p0 $0x0  }
0xc2: {  	[sflag:s0] =	ssyncadd.s32 @!p0 $0xFFFFFF00  }
0xc3: {  	_ =	sfence.sel $0x180000  }
0xc4: {  	[bflag:$0x0] =	sbarrier.arrive $0xFFFF  }
0xc5: {  	_ =	strace $0x9000004D  }
0xc6: {  	[bflag:$0x2] =	sbarrier.arrive $0xFFFF  }
0xc7: {  	s0 =	rddreg [dreg:$0x2]  }
0xc8: {  	s0 =	sadd.s32 @!p0 $0x100000, s0  }
0xc9: {  	[sflag:s0] =	ssyncadd.tile.s32 @!p0 $0x1;
	_ =	shalt  }
.Lfunc_end2:
_tile_overlayer_lowered:
.L_overlay_start_2:
0xca: {  	(tag) =	ssettag $0x2  }
0xcb: {  	s0 =	rddreg [dreg:$0x0];
	s2 =	stileid.u32  }
0xcc: {  	s1 =	rddreg [dreg:$0x1];
	p0 =	sne.s32 s2, $0x0  }
0xcd: {  	s3 =	rddreg [dreg:$0x2];
	[bflag:$0x3] =	sbarrier.arrive $0xFFFF;
	s2 =	simm.s32 @!p0 $0x1C03  }
0xce: {  	[timem:s3], [sflag:s2] =	dma.local @!p0 [hbm:s0], s1  }
0xcf: {  	s0 =	simm.s32 @!p0 $0x3  }
0xd0: {  	_ =	swait.ge @!p0 [sflag:s0], s1  }
0xd1: {  	s1 =	ssub.s32 @!p0 $0x0, s1;
	[sflag:s0] =	ssyncset.done @!p0 $0x0  }
0xd2: {  	[sflag:s0] =	ssyncadd.s32 @!p0 s1  }
0xd3: {  	[bflag:$0x3] =	sbarrier.arrive $0xFFFF  }
0xd4: {  	_ =	shalt  }

// kernel: kernel.19.cloned.1.call-start
scs
__scs_entry_jumppad:
0x0: {  	(pc) =	sbr.rel $0x88, $3  }
0x1: {  	(tag) =	ssettag $0x0;
	lr =	simm.s32 $0x1  }
0x2: {  	[smem:$0x3F94] =	sst lr;
	_ =	strace $0xD0000000  }
0x3: {  	_ = 	snop  }
0x4: {  	_ = 	snop  }
0x5: {  	_ = 	snop  }
0x6: {  	_ = 	snop  }
0x7: {  	_ = 	snop  }
__scs_overlays_trampoline_lowered:
0x8: {  	[smem:$0x3FA3] =	sst s0  }
0x9: {  	[smem:$0x3FA4] =	sst s1  }
0xa: {  	[smem:$0x3FA5] =	sst s2  }
0xb: {  	[smem:$0x3FA6] =	sst s3  }
0xc: {  	[smem:$0x3FA7] =	sst s4  }
0xd: {  	[smem:$0x3FA8] =	sst s5  }
0xe: {  	[smem:$0x3FA9] =	sst s6  }
0xf: {  	[smem:$0x3FAA] =	sst s7  }
0x10: {  	[smem:$0x3FAB] =	sst s8  }
0x11: {  	[smem:$0x3FAC] =	sst s9;
	s0 =	simm.s32 @!p0 $0x0  }
0x12: {  	s1 =	sld [smem:$0x3F92];
	s0 =	simm.s32 @p0 $0x1  }
0x13: {  	[smem:$0x3FAD] =	sst s0;
	s0 =	simm.s32 @!p1 $0x0  }
0x14: {  	s2 =	sld [smem:$0x3F91];
	s0 =	simm.s32 @p1 $0x1  }
0x15: {  	[smem:$0x3FAE] =	sst s0;
	s0 =	simm.s32 @!p2 $0x0  }
0x16: {  	s3 =	sld [smem:$0x3FDB];
	s0 =	simm.s32 @p2 $0x1  }
0x17: {  	s4 =	simm.s32 $0x1BF5;
	[smem:$0x3FB0] =	sst s0  }
0x18: {  	s0 =	sld [smem:$0x3F93];
	_ =	swait.ge [sflag:s4], $0x0  }
0x19: {  	s7 =	sld [smem:$0x3F94]  }
0x1a: {  	s8 =	sadd.s32 $0xFFFFE003, lr  }
0x1b: {  	s9 =	sadd.s32 $0xFFFFFEF7, lr;
	s5 =	simm.s32 $0xFFFFFFFF;
	p2 =	slt.u32 s8, $0xFFFFF086  }
0x1c: {  	p1 =	slt.u32 s9, $0xF7A;
	s5 =	simm.s32 @!p2 $0x0  }
0x1d: {  	s5 =	simm.s32 @p1 $0x1;
	p0 =	seq.s32 s7, s2  }
0x1e: {  	s7 =	smul.u32 @!p0 $0xF7A, s2;
	p2 =	seq.s32 @!p0 s5, $0x0  }
0x1f: {  	s9 =	smul.u32 $0xF7A, s1;
	s8 =	simm.s32 @!p0 $0x1BF5;
	p2 =	por !p2, p0  }
0x20: {  	[sflag:s8] =	ssyncset.s32 @!p0 $0xFFFFF086;
	s6 =	sadd.s32 @!p0 s3, s7;
	s7 =	simm.s32 @!p0 $0x108  }
0x21: {  	s3 =	sadd.s32 s3, s9;
	s6 =	sadd.s32 @!p0 $0x88, s6;
	s7 =	simm.s32 @p2 $0x1082  }
0x22: {  	[simem:s7], [sflag:s8] =	dma.local @!p0 [hbm:s6], $0xF7A  }
0x23: {  	s9 =	sor.u32 $0xD0000000, s2;
	s6 =	simm.s32 $0x108;
	_ =	swait.ge @!p0 [sflag:s8], $0x0  }
0x24: {  	s3 =	sadd.s32 $0x88, s3;
	s6 =	simm.s32 @!p1 $0x1082;
	[sflag:s4] =	ssyncset.s32 $0xFFFFF086  }
0x25: {  	[simem:s6], [sflag:s4] =	dma.local [hbm:s3], $0xF7A  }
0x26: {  	[smem:$0x3F94] =	sst s1;
	(tag) =	ssettag s2;
	_ =	strace s9  }
0x27: {  	s1 =	sld [smem:$0x3FA4]  }
0x28: {  	s2 =	sld [smem:$0x3FA5]  }
0x29: {  	s4 =	sld [smem:$0x3FA7]  }
0x2a: {  	p0 =	seq.s32 s5, $0x0;
	s5 =	sld [smem:$0x3FA8]  }
0x2b: {  	s6 =	sld [smem:$0x3FA9]  }
0x2c: {  	s7 =	sld [smem:$0x3FAA]  }
0x2d: {  	s3 =	simm.s32 $0x108;
	s8 =	sld [smem:$0x3FAB]  }
0x2e: {  	s3 =	simm.s32 @!p0 $0x1082;
	s9 =	sld [smem:$0x3FAC]  }
0x2f: {  	lr =	sadd.s32 s0, s3;
	s0 =	sld [smem:$0x3FA3]  }
0x30: {  	s3 =	sld [smem:$0x3FA6]  }
0x31: {  	[smem:$0x3FAF] =	sst s10  }
0x32: {  	s10 =	sld [smem:$0x3FAD];
	_ =	sdelay $0x3  }
0x33: {  	p0 =	seq.s32 s10, $0x1;
	s10 =	sld [smem:$0x3FAF];
	_ =	sdelay $0x3  }
0x34: {  	[smem:$0x3FAF] =	sst s10  }
0x35: {  	s10 =	sld [smem:$0x3FAE];
	_ =	sdelay $0x3  }
0x36: {  	p1 =	seq.s32 s10, $0x1;
	s10 =	sld [smem:$0x3FAF];
	_ =	sdelay $0x3  }
0x37: {  	[smem:$0x3FAF] =	sst s10  }
0x38: {  	s10 =	sld [smem:$0x3FB0]  }
0x39: {  	_ = 	snop;
	(pc) =	sbr.ind lr, $3  }
0x3a: {  	_ = 	snop  }
0x3b: {  	_ = 	snop  }
0x3c: {  	p2 =	seq.s32 s10, $0x1;
	s10 =	sld [smem:$0x3FAF]  }
0x3d: {  	_ =	shalt  }
0x3e: {  	_ =	shalt  }
0x3f: {  	_ =	shalt  }
0x40: {  	_ =	shalt  }
0x41: {  	_ =	shalt  }
0x42: {  	_ =	shalt  }
0x43: {  	_ =	shalt  }
0x44: {  	_ =	shalt  }
0x45: {  	_ =	shalt  }
0x46: {  	_ =	shalt  }
0x47: {  	_ =	shalt  }
0x48: {  	_ =	shalt  }
0x49: {  	_ =	shalt  }
0x4a: {  	_ =	shalt  }
0x4b: {  	_ =	shalt  }
0x4c: {  	_ =	shalt  }
0x4d: {  	_ =	shalt  }
0x4e: {  	_ =	shalt  }
0x4f: {  	_ =	shalt  }
0x50: {  	_ =	shalt  }
0x51: {  	_ =	shalt  }
0x52: {  	_ =	shalt  }
0x53: {  	_ =	shalt  }
0x54: {  	_ =	shalt  }
0x55: {  	_ =	shalt  }
0x56: {  	_ =	shalt  }
0x57: {  	_ =	shalt  }
0x58: {  	_ =	shalt  }
0x59: {  	_ =	shalt  }
0x5a: {  	_ =	shalt  }
0x5b: {  	_ =	shalt  }
0x5c: {  	_ =	shalt  }
0x5d: {  	_ =	shalt  }
0x5e: {  	_ =	shalt  }
0x5f: {  	_ =	shalt  }
0x60: {  	_ =	shalt  }
0x61: {  	_ =	shalt  }
0x62: {  	_ =	shalt  }
0x63: {  	_ =	shalt  }
0x64: {  	_ =	shalt  }
0x65: {  	_ =	shalt  }
0x66: {  	_ =	shalt  }
0x67: {  	_ =	shalt  }
0x68: {  	_ =	shalt  }
0x69: {  	_ =	shalt  }
0x6a: {  	_ =	shalt  }
0x6b: {  	_ =	shalt  }
0x6c: {  	_ =	shalt  }
0x6d: {  	_ =	shalt  }
0x6e: {  	_ =	shalt  }
0x6f: {  	_ =	shalt  }
0x70: {  	_ =	shalt  }
0x71: {  	_ =	shalt  }
0x72: {  	_ =	shalt  }
0x73: {  	_ =	shalt  }
0x74: {  	_ =	shalt  }
0x75: {  	_ =	shalt  }
0x76: {  	_ =	shalt  }
0x77: {  	_ =	shalt  }
0x78: {  	_ =	shalt  }
0x79: {  	_ =	shalt  }
0x7a: {  	_ =	shalt  }
0x7b: {  	_ =	shalt  }
0x7c: {  	_ =	shalt  }
0x7d: {  	_ =	shalt  }
0x7e: {  	_ =	shalt  }
0x7f: {  	_ =	shalt  }
0x80: {  	_ =	shalt  }
0x81: {  	_ =	shalt  }
0x82: {  	_ =	shalt  }
0x83: {  	_ =	shalt  }
0x84: {  	_ =	shalt  }
0x85: {  	_ =	shalt  }
0x86: {  	_ =	shalt  }
0x87: {  	_ =	shalt  }
.Lfunc_end0:
.L_simem_size_0:
called_computation.3_lowered:
.L_overlay_start_0:
0x88: {  	s2 =	sld [smem:$0x3FD9]  }
0x89: {  	s3 =	sld [smem:$0x3FFE];
	_ =	sdelay $0x1  }
0x8a: {  	s1 =	srdreg.scid  }
0x8b: {  	s0 =	sand.u32 $0x1, s1  }
0x8c: {  	s16 =	sshll.u32 s0, $0xA;
	s2 =	sadd.s32 s3, s2  }
0x8d: {  	s2 =	sadd.s32 s2, s16  }
0x8e: {  	[smem:$0x3FBB] =	sst s2  }
0x8f: {  	_ = 	snop  }
0x90: {  	(tm) =	ssettm $0x1  }
0x91: {  	s17 =	sld [smem:$0x3FFB];
	_ =	sdelay $0x3  }
0x92: {  	_ =	strace s17  }
0x93: {  	s2 =	sld [smem:$0x3FFC];
	_ =	sdelay $0x3  }
0x94: {  	_ =	strace s2  }
0x95: {  	s2 =	sld [smem:$0x3FFD];
	_ =	sdelay $0x3  }
0x96: {  	_ =	strace s2  }
0x97: {  	_ =	strace $0x8FFFFFFF  }
0x98: {  	s18 =	sld [smem:$0x3FDB];
	_ =	sdelay $0x1  }
0x99: {  	s19 =	simm.s32 $_scs_section_size  }
0x9a: {  	s4 =	simm.s32 $_size__tile_overlayer_lowered;
	s5 =	simm.s32 $_tile_overlayer_lowered  }
0x9b: {  	s22 =	simm.s32 $0x1BFF;
	s21 =	sshll.u32 s5, $0x1;
	s2 =	sadd.s32 s19, s18  }
0x9c: {  	s6 =	simm.s32 $0x0;
	s20 =	sshll.u32 s4, $0x1;
	s4 =	sadd.s32 s21, s2  }
0x9d: {  	[timem:s6], [sflag:s22] =	dma.local [hbm:s4], s20  }
0x9e: {  	_ =	swait.ge [sflag:s22], s20  }
0x9f: {  	s3 =	ssub.s32 $0x0, s20;
	[sflag:s22] =	ssyncset.done $0x0  }
0xa0: {  	[sflag:s22] =	ssyncadd.s32 s3;
	_ =	sdelay $0x1  }
0xa1: {  	s23 =	simm.s32 $0x1B8B  }
0xa2: {  	_ =	swait.ge [sflag:s23], $0x1  }
0xa3: {  	[sflag:s23] =	ssyncset.done $0x0  }
0xa4: {  	s25 =	simm.s32 $0x1B8E;
	s24 =	sld [smem:$0x3FFE];
	[sflag:s23] =	ssyncadd.s32 $0xFFFFFFFF  }
0xa5: {  	s26 =	simm.s32 $execute0_lowered;
	[smem:$0x3FD2] =	sst s25  }
0xa6: {  	s4 =	sshll.u32 s26, $0x1;
	_ =	strace $0x8000004F;
	[dreg:$0x1] =	wrdreg $0xFFFFFFFF  }
0xa7: {  	s28 =	simm.s32 $_size_execute0_lowered;
	s2 =	sadd.s32 s2, s4;
	[dreg:$0x0] =	wrdreg $0x0  }
0xa8: {  	s4 =	sshll.u32 s28, $0x1;
	[dreg:$0x2] =	wrdreg s2  }
0xa9: {  	[dreg:$0x3] =	wrdreg s4  }
0xaa: {  	[dreg:$0x4] =	wrdreg $0xC0  }
0xab: {  	_ =	task [dreg:s6], $0x5FFFF  }
0xac: {  	[dreg:$0x1] =	wrdreg $0xFFFFFFFF  }
0xad: {  	[dreg:$0x0] =	wrdreg $0x60  }
0xae: {  	[dreg:$0x2] =	wrdreg s24  }
0xaf: {  	[dreg:$0x3] =	wrdreg $0xA8000  }
0xb0: {  	[dreg:$0x4] =	wrdreg $0x9  }
0xb1: {  	_ =	task.clear_ibuf [dreg:s6], $0x5FFFF;
	_ =	strace $0x9000004F  }
0xb2: {  	s29 =	simm.s32 $0x9;
	_ =	strace $0x80000051  }
0xb3: {  	_ =	swait.ge [sflag:s29], $0x1  }
0xb4: {  	[sflag:s29] =	ssyncadd.s32 $0xFFFFFFFF  }
0xb5: {  	_ =	strace $0x90000051  }
0xb6: {  	_ =	sfence  }
0xb7: {  	s30 =	sld [smem:$0x0];
	_ =	sdelay $0x2  }
0xb8: {  	s31 =	sshll.u32 s1, $0xD;
	s1 =	sshrl.u32 s1, $0x2  }
0xb9: {  	s3 =	sand.u32 $0x4000, s31;
	s1 =	sadd.s32 s1, s30  }
0xba: {  	s0 =	sor.u32 s3, s0;
	s1 =	sshll.u32 s1, $0x11  }
0xbb: {  	s0 =	sor.u32 s1, s0  }
0xbc: {  	s0 =	sadd.s32 $0x8F2B, s0  }
0xbd: {  	[sflag:s0] =	ssyncadd.remote.s32 $0x1  }
0xbe: {  	_ =	sfence.sel $0xFFFF  }
0xbf: {  	[dreg:$0x0] =	wrdreg $0xFFFFFFFF;
	(pc) =	sbr.abs _section_cstart, $3  }
0xc0: {  	[dreg:$0x1] =	wrdreg $0xFFFFFFFF  }
0xc1: {  	_ =	task.clear_ibuf [dreg:s6], $0x2FFFF;
	_ =	strace $0x9FFFFFFF  }
0xc2: {  	(tm) =	ssettm $0x7FFFFFFF  }
0xc3: {  	_ =	shalt  }
tec
execute0_lowered:
.L_overlay_start_1:
0x0: {  	(tag) =	ssettag $0x1  }
0x1: {  	s6 =	rddreg [dreg:$0x0]  }
0x2: {  	s1 =	rddreg [dreg:$0x1]  }
0x3: {  	s2 =	simm.s32 $0x0;
	s4 =	srdreg.scid;
	s14 =	stileid.u32  }
0x4: {  	s19 =	simm.s32 $0x2800;
	s20 =	simm.s32 $0x6800;
	s21 =	simm.s32 $0x1  }
0x5: {  	s22 =	simm.s32 $0x2;
	s23 =	simm.s32 $0x1380;
	s24 =	simm.s32 $0x2700  }
0x6: {  	[smem:$0x7FF] =	sst s2;
	s9 =	sadd.s32 $0x85C00, s6;
	s10 =	sadd.s32 $0x3400, s6  }
0x7: {  	s3 =	sadd.s32 $0xD400, s6;
	s7 =	sand.u32 $0x1, s4;
	s5 =	smul.u32 $0x4E000, s14  }
0x8: {  	s11 =	sadd.s32 $0x34600, s6;
	s12 =	smul.u32 $0x13800, s14;
	s13 =	sshll.u32 s14, $0x1  }
0x9: {  	s29 =	sshll.u32 s14, $0x6;
	s18 =	sadd.s32 $0x138000, s1;
	s6 =	sadd.s32 $0x34400, s6  }
0xa: {  	p0 =	sne.s32 s14, $0x0;
	_ =	strace $0x80000050;
	s4 =	ssub.s32 $0x2, s7  }
0xb: {  	s26 =	sor.u32 s7, s13;
	s31 =	smul.u32 $0x138800, s7;
	s8 =	sshrl.u32 s4, $0x1  }
0xc: {  	s25 =	sshrl.u32 s5, $0x2;
	s28 =	sshrl.u32 s12, $0x3;
	s16 =	smul.u32 $0x2800, s26  }
0xd: {  	s5 =	sor.u32 $0x1C03, s29;
	s26 =	simm.s32 $0x0;
	s15 =	ssub.s32 s4, s8  }
0xe: {  	s17 =	sadd.s32 s25, s1;
	s4 =	sadd.s32 s3, s28;
	s12 =	sadd.s32 s12, s31  }
0xf: {  	s25 =	simm.s32 $0x2780;
	s30 =	sshrl.u32 s16, $0x3;
	s16 =	sshrl.u32 s31, $0x3  }
0x10: {  	s12 =	sshrl.u32 s12, $0x3;
	s14 =	sshrl.u32 s17, $0x3;
	s17 =	simm.s32 $0x1400  }
0x11: {  	s7 =	sadd.s32 s9, s30;
	s8 =	sadd.s32 s10, s30;
	s13 =	sadd.s32 $0x280, s30  }
0x12: {  	s16 =	sadd.s32 s11, s16;
	s11 =	sadd.s32 s11, s12;
	s9 =	sadd.s32 s9, s13  }
0x13: {  	s10 =	sadd.s32 s10, s13;
	s12 =	sadd.s32 $0x27000, s16;
	s13 =	smax.u32 s15, $0x1  }
0x14: {  	s15 =	simm.s32 $0x3;
	s16 =	sshrl.u32 @!p0 s18, $0x3;
	s18 =	simm.s32 $0x80  }
.LBB2_1:
0x15: {  	[spmem:s14], [sflag:s5] =	dma.local [hbm:s4], $0x2700  }
0x16: {  	_ =	swait.ge [sflag:s15], $0x2700  }
0x17: {  	[sflag:s15] =	ssyncset.done $0x0  }
0x18: {  	s28 =	simm.s32 @!p0 $0x3;
	[sflag:s15] =	ssyncadd.s32 $0xFFFFD900  }
0x19: {  	[spmem:s16], [sflag:s5] =	dma.local @!p0 [hbm:s6], $0x100  }
0x1a: {  	_ =	swait.ge @!p0 [sflag:s28], $0x100  }
0x1b: {  	[sflag:s28] =	ssyncset.done @!p0 $0x0  }
0x1c: {  	[sflag:s28] =	ssyncadd.s32 @!p0 $0xFFFFFF00  }
0x1d: {  	[bflag:$0x0] =	sbarrier.arrive $0xFFFF  }
0x1e: {  	[tilespmem:s2], [sflag:$0x3] =	stream.linear.gather [hbm4b:s7+s2], $0x1400, $0x38;
	[tilespmem:$0x1E800] =	vst v63  }
0x1f: {  	_ =	swait.ge [sflag:s15], $0x1400  }
0x20: {  	[sflag:s15] =	ssyncset.done $0x0  }
0x21: {  	[sflag:s15] =	ssyncadd.s32 $0xFFFFEC00  }
0x22: {  	[tilespmem:s17], [sflag:$0x3] =	stream.linear.gather [hbm4b:s8+s2], $0x1400, $0x38;
	[tilespmem:$0x1E800] =	vst v63  }
0x23: {  	_ =	swait.ge [sflag:s15], $0x1400  }
0x24: {  	[sflag:s15] =	ssyncset.done $0x0  }
0x25: {  	[sflag:s15] =	ssyncadd.s32 $0xFFFFEC00  }
0x26: {  	[tilespmem:s19], [sflag:$0x1] =	stream.indirect.gather [hbm4b:s3+s18], $0x80, s2, s18, $0xb8;
	[tilespmem:$0x1E800] =	vst v63  }
0x27: {  	s28 =	simm.s32 $0x80  }
0x28: {  	[tilespmem:s20], [sflag:$0x2] =	stream.indirect.gather [hbm4b:s3+s18], $0x80, s28, s18, $0xb8;
	[tilespmem:$0x1E800] =	vst v63  }
0x29: {  	_ =	swait.ge [sflag:s21], $0x4000  }
0x2a: {  	[sflag:s21] =	ssyncset.done $0x0  }
0x2b: {  	s28 =	simm.s32 $0x1400;
	[sflag:s21] =	ssyncadd.s32 $0xFFFFC000  }
0x2c: {  	[spmem:s1] =	stream.indirect.scatter.add.f32 [tilespmem:s19], [sflag:$0x3], $0x80, s28, s18, $0xb8;
	[tilespmem:$0x1E800] =	vst v63  }
0x2d: {  	_ =	swait.ge [sflag:s15], $0x4000  }
0x2e: {  	[sflag:s15] =	ssyncset.done $0x0  }
0x2f: {  	s28 =	simm.s32 $0x100;
	[sflag:s15] =	ssyncadd.s32 $0xFFFFC000  }
0x30: {  	[tilespmem:s19], [sflag:$0x1] =	stream.indirect.gather [hbm4b:s3+s18], $0x80, s28, s18, $0xb8;
	[tilespmem:$0x1E800] =	vst v63  }
0x31: {  	_ =	swait.ge [sflag:s22], $0x4000  }
0x32: {  	[sflag:s22] =	ssyncset.done $0x0  }
0x33: {  	s28 =	simm.s32 $0x1480;
	[sflag:s22] =	ssyncadd.s32 $0xFFFFC000  }
0x34: {  	[spmem:s1] =	stream.indirect.scatter.add.f32 [tilespmem:s20], [sflag:$0x3], $0x80, s28, s18, $0xb8;
	[tilespmem:$0x1E800] =	vst v63  }
0x35: {  	_ =	swait.ge [sflag:s15], $0x4000  }
0x36: {  	s29 =	simm.s32 $0x800;
	s28 =	simm.s32 $0x100;
	[sflag:s15] =	ssyncset.done $0x0  }
.LBB2_2:
0x37: {  	s30 =	sadd.s32 $0x80, s28  }
0x38: {  	[sflag:s15] =	ssyncadd.s32 $0xFFFFC000;
	s31 =	smov.u32 s29;
	s0 =	sadd.s32 $0x400, s29  }
0x39: {  	[tilespmem:s20], [sflag:$0x2] =	stream.indirect.gather [hbm4b:s3+s18], $0x80, s30, s18, $0xb8;
	[tilespmem:$0x1E800] =	vst v63  }
0x3a: {  	p1 =	sne.s32 s29, $0x4800;
	_ =	swait.ge [sflag:s21], $0x4000  }
0x3b: {  	[sflag:s21] =	ssyncset.done $0x0  }
0x3c: {  	s29 =	sadd.s32 $0x1400, s28;
	[sflag:s21] =	ssyncadd.s32 $0xFFFFC000  }
0x3d: {  	[spmem:s1] =	stream.indirect.scatter.add.f32 [tilespmem:s19], [sflag:$0x3], $0x80, s29, s18, $0xb8;
	[tilespmem:$0x1E800] =	vst v63  }
0x3e: {  	_ =	swait.ge [sflag:s15], $0x4000  }
0x3f: {  	[sflag:s15] =	ssyncset.done $0x0  }
0x40: {  	s29 =	sadd.s32 $0x100, s28;
	[sflag:s15] =	ssyncadd.s32 $0xFFFFC000  }
0x41: {  	[tilespmem:s19], [sflag:$0x1] =	stream.indirect.gather [hbm4b:s3+s18], $0x80, s29, s18, $0xb8;
	[tilespmem:$0x1E800] =	vst v63  }
0x42: {  	_ =	swait.ge [sflag:s22], $0x4000  }
.Ltmp0:
0x43: {  	[sflag:s22] =	ssyncset.done $0x0;
	(pc) =	sbr.rel @p1 .LBB2_2-.Ltmp0, $4  }
0x44: {  	s28 =	sadd.s32 $0x1480, s28;
	[sflag:s22] =	ssyncadd.s32 $0xFFFFC000  }
0x45: {  	[spmem:s1] =	stream.indirect.scatter.add.f32 [tilespmem:s20], [sflag:$0x3], $0x80, s28, s18, $0xb8;
	[tilespmem:$0x1E800] =	vst v63  }
0x46: {  	_ =	swait.ge [sflag:s15], $0x4000  }
0x47: {  	s29 =	smov.u32 s0;
	s28 =	sshra.s32 s31, $0x2;
	[sflag:s15] =	ssyncset.done $0x0  }
0x48: {  	s0 =	sadd.s32 $0x80, s28;
	[sflag:s15] =	ssyncadd.s32 $0xFFFFC000  }
0x49: {  	[tilespmem:s20], [sflag:$0x2] =	stream.indirect.gather [hbm4b:s3+s18], $0x80, s0, s18, $0xb8;
	[tilespmem:$0x1E800] =	vst v63  }
0x4a: {  	_ =	swait.ge [sflag:s21], $0x4000  }
0x4b: {  	[sflag:s21] =	ssyncset.done $0x0  }
0x4c: {  	s30 =	sadd.s32 $0x1400, s28;
	[sflag:s21] =	ssyncadd.s32 $0xFFFFC000  }
0x4d: {  	[spmem:s1] =	stream.indirect.scatter.add.f32 [tilespmem:s19], [sflag:$0x3], $0x80, s30, s18, $0xb8;
	[tilespmem:$0x1E800] =	vst v63  }
0x4e: {  	_ =	swait.ge [sflag:s15], $0x4000  }
0x4f: {  	[sflag:s15] =	ssyncset.done $0x0  }
0x50: {  	s31 =	sadd.s32 $0x100, s28;
	[sflag:s15] =	ssyncadd.s32 $0xFFFFC000  }
0x51: {  	[tilespmem:s19], [sflag:$0x1] =	stream.indirect.gather [hbm4b:s3+s18], $0x80, s31, s18, $0xb8;
	[tilespmem:$0x1E800] =	vst v63  }
0x52: {  	_ =	swait.ge [sflag:s22], $0x4000  }
0x53: {  	[sflag:s22] =	ssyncset.done $0x0  }
0x54: {  	s30 =	sadd.s32 $0x1480, s28;
	[sflag:s22] =	ssyncadd.s32 $0xFFFFC000  }
0x55: {  	[spmem:s1] =	stream.indirect.scatter.add.f32 [tilespmem:s20], [sflag:$0x3], $0x80, s30, s18, $0xb8;
	[tilespmem:$0x1E800] =	vst v63  }
0x56: {  	_ =	swait.ge [sflag:s15], $0x4000  }
0x57: {  	[sflag:s15] =	ssyncset.done $0x0  }
0x58: {  	[sflag:s15] =	ssyncadd.s32 $0xFFFFC000  }
0x59: {  	[tilespmem:s20], [sflag:$0x2] =	stream.indirect.gather [hbm4b:s3+s18], $0x80, s23, s18, $0xb8;
	[tilespmem:$0x1E800] =	vst v63  }
0x5a: {  	_ =	swait.ge [sflag:s21], $0x4000  }
0x5b: {  	[sflag:s21] =	ssyncset.done $0x0  }
0x5c: {  	[sflag:s21] =	ssyncadd.s32 $0xFFFFC000  }
0x5d: {  	[spmem:s1] =	stream.indirect.scatter.add.f32 [tilespmem:s19], [sflag:$0x3], $0x80, s24, s18, $0xb8;
	[tilespmem:$0x1E800] =	vst v63  }
0x5e: {  	_ =	swait.ge [sflag:s15], $0x4000  }
0x5f: {  	[sflag:s15] =	ssyncset.done $0x0  }
0x60: {  	s31 =	simm.s32 $0x0;
	[sflag:s15] =	ssyncadd.s32 $0xFFFFC000  }
0x61: {  	[tilespmem:s19], [sflag:$0x1] =	stream.indirect.gather [hbm4b:s3+s18], $0x80, s31, s18, $0xb8;
	[tilespmem:$0x1E800] =	vst v63  }
0x62: {  	_ =	swait.ge [sflag:s22], $0x4000  }
0x63: {  	[sflag:s22] =	ssyncset.done $0x0  }
0x64: {  	[sflag:s22] =	ssyncadd.s32 $0xFFFFC000  }
0x65: {  	[spmem:s1] =	stream.indirect.scatter.add.f32 [tilespmem:s20], [sflag:$0x3], $0x80, s25, s18, $0xb8;
	[tilespmem:$0x1E800] =	vst v63  }
0x66: {  	_ =	swait.ge [sflag:s15], $0x4000  }
0x67: {  	[sflag:s15] =	ssyncset.done $0x0  }
0x68: {  	[sflag:s15] =	ssyncadd.s32 $0xFFFFC000  }
0x69: {  	_ =	swait.ge [sflag:s21], $0x4000  }
0x6a: {  	[sflag:s21] =	ssyncset.done $0x0  }
0x6b: {  	[sflag:s21] =	ssyncadd.s32 $0xFFFFC000  }
0x6c: {  	[tilespmem:s31], [sflag:$0x3] =	stream.linear.gather [hbm4b:s9+s31], $0x1400, $0x38;
	[tilespmem:$0x1E800] =	vst v63  }
0x6d: {  	_ =	swait.ge [sflag:s15], $0x1400  }
0x6e: {  	[sflag:s15] =	ssyncset.done $0x0  }
0x6f: {  	[sflag:s15] =	ssyncadd.s32 $0xFFFFEC00  }
0x70: {  	[tilespmem:s17], [sflag:$0x3] =	stream.linear.gather [hbm4b:s10+s31], $0x1400, $0x38;
	[tilespmem:$0x1E800] =	vst v63  }
0x71: {  	_ =	swait.ge [sflag:s15], $0x1400  }
0x72: {  	[sflag:s15] =	ssyncset.done $0x0  }
0x73: {  	[sflag:s15] =	ssyncadd.s32 $0xFFFFEC00  }
0x74: {  	[tilespmem:s19], [sflag:$0x1] =	stream.indirect.gather [hbm4b:s3+s18], $0x80, s31, s18, $0xb8;
	[tilespmem:$0x1E800] =	vst v63  }
0x75: {  	s30 =	simm.s32 $0x80  }
0x76: {  	[tilespmem:s20], [sflag:$0x2] =	stream.indirect.gather [hbm4b:s3+s18], $0x80, s30, s18, $0xb8;
	[tilespmem:$0x1E800] =	vst v63  }
0x77: {  	_ =	swait.ge [sflag:s21], $0x4000  }
0x78: {  	[sflag:s21] =	ssyncset.done $0x0  }
0x79: {  	s31 =	simm.s32 $0x1400;
	[sflag:s21] =	ssyncadd.s32 $0xFFFFC000  }
0x7a: {  	[spmem:s1] =	stream.indirect.scatter.add.f32 [tilespmem:s19], [sflag:$0x3], $0x80, s31, s18, $0xb8;
	[tilespmem:$0x1E800] =	vst v63  }
0x7b: {  	_ =	swait.ge [sflag:s15], $0x4000  }
0x7c: {  	[sflag:s15] =	ssyncset.done $0x0  }
0x7d: {  	s30 =	simm.s32 $0x100;
	[sflag:s15] =	ssyncadd.s32 $0xFFFFC000  }
0x7e: {  	[tilespmem:s19], [sflag:$0x1] =	stream.indirect.gather [hbm4b:s3+s18], $0x80, s30, s18, $0xb8;
	[tilespmem:$0x1E800] =	vst v63  }
0x7f: {  	_ =	swait.ge [sflag:s22], $0x4000  }
0x80: {  	[sflag:s22] =	ssyncset.done $0x0  }
0x81: {  	s31 =	simm.s32 $0x1480;
	[sflag:s22] =	ssyncadd.s32 $0xFFFFC000  }
0x82: {  	[spmem:s1] =	stream.indirect.scatter.add.f32 [tilespmem:s20], [sflag:$0x3], $0x80, s31, s18, $0xb8;
	[tilespmem:$0x1E800] =	vst v63  }
0x83: {  	_ =	swait.ge [sflag:s15], $0x4000  }
0x84: {  	s29 =	simm.s32 $0x800;
	s28 =	simm.s32 $0x100;
	[sflag:s15] =	ssyncset.done $0x0  }
.LBB2_4:
0x85: {  	s0 =	sadd.s32 $0x80, s28  }
0x86: {  	[sflag:s15] =	ssyncadd.s32 $0xFFFFC000;
	s30 =	smov.u32 s29;
	s31 =	sadd.s32 $0x400, s29  }
0x87: {  	[tilespmem:s20], [sflag:$0x2] =	stream.indirect.gather [hbm4b:s3+s18], $0x80, s0, s18, $0xb8;
	[tilespmem:$0x1E800] =	vst v63  }
0x88: {  	p1 =	sne.s32 s29, $0x4800;
	_ =	swait.ge [sflag:s21], $0x4000  }
0x89: {  	[sflag:s21] =	ssyncset.done $0x0  }
0x8a: {  	s0 =	sadd.s32 $0x1400, s28;
	[sflag:s21] =	ssyncadd.s32 $0xFFFFC000  }
0x8b: {  	[spmem:s1] =	stream.indirect.scatter.add.f32 [tilespmem:s19], [sflag:$0x3], $0x80, s0, s18, $0xb8;
	[tilespmem:$0x1E800] =	vst v63  }
0x8c: {  	_ =	swait.ge [sflag:s15], $0x4000  }
0x8d: {  	[sflag:s15] =	ssyncset.done $0x0  }
0x8e: {  	s0 =	sadd.s32 $0x100, s28;
	[sflag:s15] =	ssyncadd.s32 $0xFFFFC000  }
0x8f: {  	[tilespmem:s19], [sflag:$0x1] =	stream.indirect.gather [hbm4b:s3+s18], $0x80, s0, s18, $0xb8;
	[tilespmem:$0x1E800] =	vst v63  }
0x90: {  	_ =	swait.ge [sflag:s22], $0x4000  }
.Ltmp1:
0x91: {  	[sflag:s22] =	ssyncset.done $0x0;
	(pc) =	sbr.rel @p1 .LBB2_4-.Ltmp1, $4  }
0x92: {  	s0 =	sadd.s32 $0x1480, s28;
	[sflag:s22] =	ssyncadd.s32 $0xFFFFC000  }
0x93: {  	[spmem:s1] =	stream.indirect.scatter.add.f32 [tilespmem:s20], [sflag:$0x3], $0x80, s0, s18, $0xb8;
	[tilespmem:$0x1E800] =	vst v63  }
0x94: {  	_ =	swait.ge [sflag:s15], $0x4000  }
0x95: {  	s29 =	smov.u32 s31;
	s28 =	sshra.s32 s30, $0x2;
	[sflag:s15] =	ssyncset.done $0x0  }
0x96: {  	s0 =	sadd.s32 $0x80, s28;
	[sflag:s15] =	ssyncadd.s32 $0xFFFFC000  }
0x97: {  	[tilespmem:s20], [sflag:$0x2] =	stream.indirect.gather [hbm4b:s3+s18], $0x80, s0, s18, $0xb8;
	[tilespmem:$0x1E800] =	vst v63  }
0x98: {  	_ =	swait.ge [sflag:s21], $0x4000  }
0x99: {  	[sflag:s21] =	ssyncset.done $0x0  }
0x9a: {  	s29 =	sadd.s32 $0x1400, s28;
	[sflag:s21] =	ssyncadd.s32 $0xFFFFC000  }
0x9b: {  	[spmem:s1] =	stream.indirect.scatter.add.f32 [tilespmem:s19], [sflag:$0x3], $0x80, s29, s18, $0xb8;
	[tilespmem:$0x1E800] =	vst v63  }
0x9c: {  	_ =	swait.ge [sflag:s15], $0x4000  }
0x9d: {  	[sflag:s15] =	ssyncset.done $0x0  }
0x9e: {  	s30 =	sadd.s32 $0x100, s28;
	[sflag:s15] =	ssyncadd.s32 $0xFFFFC000  }
0x9f: {  	[tilespmem:s19], [sflag:$0x1] =	stream.indirect.gather [hbm4b:s3+s18], $0x80, s30, s18, $0xb8;
	[tilespmem:$0x1E800] =	vst v63  }
0xa0: {  	_ =	swait.ge [sflag:s22], $0x4000  }
0xa1: {  	[sflag:s22] =	ssyncset.done $0x0  }
0xa2: {  	s31 =	sadd.s32 $0x1480, s28;
	[sflag:s22] =	ssyncadd.s32 $0xFFFFC000  }
0xa3: {  	[spmem:s1] =	stream.indirect.scatter.add.f32 [tilespmem:s20], [sflag:$0x3], $0x80, s31, s18, $0xb8;
	[tilespmem:$0x1E800] =	vst v63  }
0xa4: {  	_ =	swait.ge [sflag:s15], $0x4000  }
0xa5: {  	[sflag:s15] =	ssyncset.done $0x0  }
0xa6: {  	[sflag:s15] =	ssyncadd.s32 $0xFFFFC000  }
0xa7: {  	[tilespmem:s20], [sflag:$0x2] =	stream.indirect.gather [hbm4b:s3+s18], $0x80, s23, s18, $0xb8;
	[tilespmem:$0x1E800] =	vst v63  }
0xa8: {  	_ =	swait.ge [sflag:s21], $0x4000  }
0xa9: {  	[sflag:s21] =	ssyncset.done $0x0  }
0xaa: {  	[sflag:s21] =	ssyncadd.s32 $0xFFFFC000  }
0xab: {  	[spmem:s1] =	stream.indirect.scatter.add.f32 [tilespmem:s19], [sflag:$0x3], $0x80, s24, s18, $0xb8;
	[tilespmem:$0x1E800] =	vst v63  }
0xac: {  	_ =	swait.ge [sflag:s15], $0x4000  }
0xad: {  	[sflag:s15] =	ssyncset.done $0x0  }
0xae: {  	[sflag:s15] =	ssyncadd.s32 $0xFFFFC000  }
0xaf: {  	[tilespmem:s19], [sflag:$0x1] =	stream.indirect.gather [hbm4b:s3+s18], $0x80, s2, s18, $0xb8;
	[tilespmem:$0x1E800] =	vst v63  }
0xb0: {  	_ =	swait.ge [sflag:s22], $0x4000  }
0xb1: {  	[sflag:s22] =	ssyncset.done $0x0  }
0xb2: {  	[sflag:s22] =	ssyncadd.s32 $0xFFFFC000  }
0xb3: {  	[spmem:s1] =	stream.indirect.scatter.add.f32 [tilespmem:s20], [sflag:$0x3], $0x80, s25, s18, $0xb8;
	[tilespmem:$0x1E800] =	vst v63  }
0xb4: {  	_ =	swait.ge [sflag:s15], $0x4000  }
0xb5: {  	[sflag:s15] =	ssyncset.done $0x0  }
0xb6: {  	[sflag:s15] =	ssyncadd.s32 $0xFFFFC000  }
0xb7: {  	_ =	swait.ge [sflag:s21], $0x4000  }
0xb8: {  	[sflag:s21] =	ssyncset.done $0x0  }
0xb9: {  	[sflag:s21] =	ssyncadd.s32 $0xFFFFC000  }
0xba: {  	[bflag:$0x0] =	sbarrier.arrive $0xFFFF  }
0xbb: {  	[hbm:s11], [sflag:s5] =	dma.local [spmem:s14], $0x2700  }
0xbc: {  	s26 =	sadd.s32 $0x1, s26;
	_ =	swait.ge [sflag:s15], $0x2700  }
0xbd: {  	p1 =	sne.s32 s26, s13;
	[sflag:s15] =	ssyncset.done $0x0  }
.Ltmp2:
0xbe: {  	s0 =	simm.s32 @!p0 $0x3;
	[sflag:s15] =	ssyncadd.s32 $0xFFFFD900;
	(pc) =	sbr.rel @p1 .LBB2_1-.Ltmp2, $4  }
0xbf: {  	[hbm:s12], [sflag:s5] =	dma.local @!p0 [spmem:s16], $0x100  }
0xc0: {  	_ =	swait.ge @!p0 [sflag:s0], $0x100  }
0xc1: {  	[sflag:s0] =	ssyncset.done @!p0 $0x0  }
0xc2: {  	[sflag:s0] =	ssyncadd.s32 @!p0 $0xFFFFFF00  }
0xc3: {  	_ =	sfence.sel $0x180000  }
0xc4: {  	[bflag:$0x0] =	sbarrier.arrive $0xFFFF  }
0xc5: {  	_ =	strace $0x90000050  }
0xc6: {  	[bflag:$0x2] =	sbarrier.arrive $0xFFFF  }
0xc7: {  	s0 =	rddreg [dreg:$0x2]  }
0xc8: {  	s0 =	sadd.s32 @!p0 $0x100000, s0  }
0xc9: {  	[sflag:s0] =	ssyncadd.tile.s32 @!p0 $0x1;
	_ =	shalt  }
.Lfunc_end2:
_tile_overlayer_lowered:
.L_overlay_start_2:
0xca: {  	(tag) =	ssettag $0x2  }
0xcb: {  	s0 =	rddreg [dreg:$0x0];
	s2 =	stileid.u32  }
0xcc: {  	s1 =	rddreg [dreg:$0x1];
	p0 =	sne.s32 s2, $0x0  }
0xcd: {  	s3 =	rddreg [dreg:$0x2];
	[bflag:$0x3] =	sbarrier.arrive $0xFFFF;
	s2 =	simm.s32 @!p0 $0x1C03  }
0xce: {  	[timem:s3], [sflag:s2] =	dma.local @!p0 [hbm:s0], s1  }
0xcf: {  	s0 =	simm.s32 @!p0 $0x3  }
0xd0: {  	_ =	swait.ge @!p0 [sflag:s0], s1  }
0xd1: {  	s1 =	ssub.s32 @!p0 $0x0, s1;
	[sflag:s0] =	ssyncset.done @!p0 $0x0  }
0xd2: {  	[sflag:s0] =	ssyncadd.s32 @!p0 s1  }
0xd3: {  	[bflag:$0x3] =	sbarrier.arrive $0xFFFF  }
0xd4: {  	_ =	shalt  }

</sc_bundles>
